<compile_context>
chip_gen: v7x
topology: tpu7x:2x2x1
jax: 0.10.2.dev20260603
libtpu: 0.0.44.dev20260713+nightly
codegen_flags: <defaults>
</compile_context>

<pallas_src>
import functools

import jax
import jax.numpy as jnp
from jax import lax
from jax.experimental import pallas as pl
from jax.experimental.pallas import tpu as pltpu
from jax.experimental.pallas import tpu_sc as plsc

N = 10000
E = 320000
D_IN = 128
D_H = 256
N_CLS = 64

NC = 2
NS = 16
NW = NC * NS

CW = 16
CW1 = 64
CH = 128
NCHUNK = E // CH
KPW = NCHUNK // NW
NEXTRA = NCHUNK - KPW * NW
PACK = 16384

ROWS_A = 640
ROWS_B = N - ROWS_A * (NS - 1)
ZR = 16


def _make_agg(D, CWL):
    mesh = plsc.VectorSubcoreMesh(core_axis_name="c", subcore_axis_name="s",
                                  num_cores=NC, num_subcores=NS)

    @functools.partial(
        pl.kernel,
        out_type=(jax.ShapeDtypeStruct((NC, N, D), jnp.float32),
                  jax.ShapeDtypeStruct((NC, N, CWL), jnp.float32)),
        mesh=mesh,
        scratch_types=[
            pltpu.VMEM_SHARED((N, D), jnp.float32),
            pltpu.VMEM_SHARED((N, CWL), jnp.float32),
            pltpu.VMEM((CH,), jnp.int32),
            pltpu.VMEM((CH,), jnp.int32),
            pltpu.VMEM((CH,), jnp.int32),
            pltpu.VMEM((CH,), jnp.int32),
            pltpu.VMEM((CH, D), jnp.float32),
            pltpu.VMEM((CH, D), jnp.float32),
            pltpu.VMEM((CH, CWL), jnp.float32),
            pltpu.VMEM((ZR, D), jnp.float32),
            pltpu.VMEM((ZR, CWL), jnp.float32),
            pltpu.SemaphoreType.DMA,
            pltpu.SemaphoreType.DMA,
            pltpu.SemaphoreType.DMA,
            pltpu.SemaphoreType.DMA,
            pltpu.SemaphoreType.DMA,
            pltpu.SemaphoreType.DMA,
            pltpu.SemaphoreType.DMA,
            pltpu.SemaphoreType.DMA,
            pltpu.SemaphoreType.DMA,
        ],
        compiler_params=pltpu.CompilerParams(use_tc_tiling_on_sc=False),
    )
    def agg(feat, eidx, sums_out, cnt_out, acc, cnt,
            sidx_a, sidx_b, didx_a, didx_b, rows_a, rows_b,
            ones_blk, zrow, zcnt,
            sem_a, sem_b, sem_sa, sem_sb,
            sem_ia, sem_ib, sem_da, sem_db, sem_z):
        cid = lax.axis_index("c")
        sid = lax.axis_index("s")
        wid = cid * NS + sid
        wbase = wid * KPW

        z16 = jnp.zeros((16,), jnp.float32)
        o16 = jnp.ones((16,), jnp.float32)

        def zfill(i, _):
            r = i // (D // 16)
            col = (i % (D // 16)) * 16
            zrow[r, pl.ds(col, 16)] = z16
            return 0

        lax.fori_loop(0, ZR * (D // 16), zfill, 0)

        def zcfill(i, _):
            r = i // (CWL // 16)
            col = (i % (CWL // 16)) * 16
            zcnt[r, pl.ds(col, 16)] = z16
            return 0

        lax.fori_loop(0, ZR * (CWL // 16), zcfill, 0)

        def ofill(i, _):
            r = i // (CWL // 16)
            col = (i % (CWL // 16)) * 16
            ones_blk[r, pl.ds(col, 16)] = o16
            return 0

        lax.fori_loop(0, CH * (CWL // 16), ofill, 0)

        def zero_range(tile_base, nk):
            def grp(g, _):
                kb = g * 8

                def zs(k, _):
                    base = tile_base + (kb + k) * ZR
                    pltpu.async_copy(zrow, acc.at[pl.ds(base, ZR)], sem_z)
                    pltpu.async_copy(zcnt, cnt.at[pl.ds(base, ZR)], sem_z)
                    return 0

                def zw(k, _):
                    base = tile_base + (kb + k) * ZR
                    pltpu.make_async_copy(zrow, acc.at[pl.ds(base, ZR)],
                                          sem_z).wait()
                    pltpu.make_async_copy(zcnt, cnt.at[pl.ds(base, ZR)],
                                          sem_z).wait()
                    return 0

                lax.fori_loop(0, 8, zs, 0)
                lax.fori_loop(0, 8, zw, 0)
                return 0
            lax.fori_loop(0, nk // 8, grp, 0)

        @pl.when(sid < NS - 1)
        def _():
            zero_range(sid * ROWS_A, ROWS_A // ZR)

        @pl.when(sid == NS - 1)
        def _():
            zero_range((NS - 1) * ROWS_A, 24)
            base = (NS - 1) * ROWS_A + 24 * ZR
            pltpu.sync_copy(zrow, acc.at[pl.ds(base, ZR)])
            pltpu.sync_copy(zcnt, cnt.at[pl.ds(base, ZR)])

        plsc.subcore_barrier()

        def g_start(sidx, rows, sem):
            pltpu.async_copy(feat.at[sidx], rows, sem)

        def g_wait(sidx, rows, sem):
            pltpu.make_async_copy(feat.at[sidx], rows, sem).wait()

        def s_start(rows, didx, sem):
            pltpu.async_copy(rows, acc.at[didx], sem, add=True)
            pltpu.async_copy(ones_blk, cnt.at[didx], sem, add=True)

        def s_wait(rows, didx, sem):
            pltpu.make_async_copy(rows, acc.at[didx], sem).wait()
            pltpu.make_async_copy(ones_blk, cnt.at[didx], sem).wait()

        def i_start(row, k, buf, sem):
            pltpu.async_copy(eidx.at[row, k], buf, sem)

        def i_wait(row, k, buf, sem):
            pltpu.make_async_copy(eidx.at[row, k], buf, sem).wait()

        pltpu.sync_copy(eidx.at[0, wbase], sidx_a)
        g_start(sidx_a, rows_a, sem_a)
        i_start(1, wbase, didx_a, sem_da)
        i_start(0, wbase + 1, sidx_b, sem_ib)
        i_start(1, wbase + 1, didx_b, sem_db)

        def ebody(i, _):
            j = 2 * i
            g_wait(sidx_a, rows_a, sem_a)

            @pl.when(j + 2 < KPW)
            def _():
                i_start(0, wbase + j + 2, sidx_a, sem_ia)

            i_wait(1, wbase + j, didx_a, sem_da)
            s_start(rows_a, didx_a, sem_sa)

            i_wait(0, wbase + j + 1, sidx_b, sem_ib)

            @pl.when(i > 0)
            def _():
                s_wait(rows_b, didx_b, sem_sb)
                i_start(1, wbase + j + 1, didx_b, sem_db)

            g_start(sidx_b, rows_b, sem_b)

            s_wait(rows_a, didx_a, sem_sa)

            @pl.when(j + 2 < KPW)
            def _():
                i_start(1, wbase + j + 2, didx_a, sem_da)
                i_wait(0, wbase + j + 2, sidx_a, sem_ia)
                g_start(sidx_a, rows_a, sem_a)

            g_wait(sidx_b, rows_b, sem_b)

            @pl.when(j + 3 < KPW)
            def _():
                i_start(0, wbase + j + 3, sidx_b, sem_ib)

            i_wait(1, wbase + j + 1, didx_b, sem_db)
            s_start(rows_b, didx_b, sem_sb)
            return 0

        lax.fori_loop(0, KPW // 2, ebody, 0)
        s_wait(rows_b, didx_b, sem_sb)

        @pl.when(wid < NEXTRA)
        def _():
            gx = NW * KPW + wid
            pltpu.sync_copy(eidx.at[0, gx], sidx_a)
            pltpu.sync_copy(eidx.at[1, gx], didx_a)
            g_start(sidx_a, rows_a, sem_a)
            g_wait(sidx_a, rows_a, sem_a)
            s_start(rows_a, didx_a, sem_sa)
            s_wait(rows_a, didx_a, sem_sa)

        plsc.subcore_barrier()

        def wout(base, nrows_tag):
            if nrows_tag == 0:
                nr = ROWS_A
            else:
                nr = ROWS_B
            pltpu.async_copy(acc.at[pl.ds(base, nr)],
                             sums_out.at[cid, pl.ds(base, nr)], sem_z)
            pltpu.async_copy(cnt.at[pl.ds(base, nr)],
                             cnt_out.at[cid, pl.ds(base, nr)], sem_z)
            pltpu.make_async_copy(acc.at[pl.ds(base, nr)],
                                  sums_out.at[cid, pl.ds(base, nr)],
                                  sem_z).wait()
            pltpu.make_async_copy(cnt.at[pl.ds(base, nr)],
                                  cnt_out.at[cid, pl.ds(base, nr)],
                                  sem_z).wait()

        @pl.when(sid < NS - 1)
        def _():
            wout(sid * ROWS_A, 0)

        @pl.when(sid == NS - 1)
        def _():
            wout((NS - 1) * ROWS_A, 1)

    return agg


_agg_l0 = _make_agg(D_IN, CW)
_agg_l1 = _make_agg(N_CLS, CW)

_R1 = 2000
_R2 = 1000


def _tc_fuse(p0, c0, W0, b0, W1):

    def body(p_ref, c_ref, w0_ref, b0_ref, w1_ref, z_ref):
        a = p_ref[0] + p_ref[1]
        c16 = c_ref[0] + c_ref[1]
        c = c16[:, 0:1]
        inv = 1.0 / jnp.maximum(c, 1.0)
        mask = (c > 0.0).astype(jnp.float32)
        feats = a * inv
        h = jnp.dot(feats, w0_ref[...], preferred_element_type=jnp.float32)
        h = jnp.maximum(h + b0_ref[...] * mask, 0.0)
        z_ref[...] = jnp.dot(h, w1_ref[...], preferred_element_type=jnp.float32)

    return pl.pallas_call(
        body,
        grid=(N // _R1,),
        in_specs=[
            pl.BlockSpec((NC, _R1, D_IN), lambda i: (0, i, 0)),
            pl.BlockSpec((NC, _R1, CW), lambda i: (0, i, 0)),
            pl.BlockSpec((D_IN, D_H), lambda i: (0, 0)),
            pl.BlockSpec((1, D_H), lambda i: (0, 0)),
            pl.BlockSpec((D_H, N_CLS), lambda i: (0, 0)),
        ],
        out_specs=pl.BlockSpec((_R1, N_CLS), lambda i: (i, 0)),
        out_shape=jax.ShapeDtypeStruct((N, N_CLS), jnp.float32),
    )(p0, c0, W0, b0, W1)


def _tc_final(p1, c1, b1):

    def body(p_ref, c_ref, b_ref, o_ref):
        s = p_ref[0] + p_ref[1]
        c16 = c_ref[0] + c_ref[1]
        c = c16[:, 0:1]
        inv = 1.0 / jnp.maximum(c, 1.0)
        mask = (c > 0.0).astype(jnp.float32)
        o_ref[...] = s * inv + b_ref[...] * mask

    return pl.pallas_call(
        body,
        grid=(N // _R2,),
        in_specs=[
            pl.BlockSpec((NC, _R2, N_CLS), lambda i: (0, i, 0)),
            pl.BlockSpec((NC, _R2, CW), lambda i: (0, i, 0)),
            pl.BlockSpec((1, N_CLS), lambda i: (0, 0)),
        ],
        out_specs=pl.BlockSpec((_R2, N_CLS), lambda i: (i, 0)),
        out_shape=jax.ShapeDtypeStruct((N, N_CLS), jnp.float32),
    )(p1, c1, b1)


def kernel(x, edge_index0, edge_index1, W0, b0, W1, b1):
    eidx0 = edge_index0.reshape(2, NCHUNK, CH)
    eidx1 = edge_index1.reshape(2, NCHUNK, CH)

    p0, c0 = _agg_l0(x, eidx0)
    z = _tc_fuse(p0, c0, W0, b0.reshape(1, D_H), W1)
    p1, c1 = _agg_l1(z, eidx1)
    return _tc_final(p1, c1, b1.reshape(1, N_CLS))

# --- scband reference (transcript-rebuilt; emitter-appended) ---
"""Pipeline reference for scband-sage-18141941859017 (READ-ONLY COPY).

The authoritative reference and input builder live on the scoring server;
editing this copy changes nothing except your own understanding.
"""

import jax, jax.numpy as jnp
import numpy as np

N = 10000
E = 320000
D_IN = 128
D_H = 256
N_CLS = 64


def setup_inputs(seed: int = 0) -> dict:
    key = jax.random.key(seed)
    ks = jax.random.split(key, 8)
    x = jax.random.normal(ks[0], (N, D_IN), dtype=jnp.float32)
    edge_index0 = jax.random.randint(ks[1], (2, E), 0, N, dtype=jnp.int32)
    edge_index1 = jax.random.randint(ks[2], (2, E), 0, N, dtype=jnp.int32)
    # learned params (Linear layers of the two SAGEConv blocks)
    W0 = jax.random.normal(ks[3], (D_IN, D_H), dtype=jnp.float32) * (1.0 / np.sqrt(D_IN))
    b0 = jax.random.normal(ks[4], (D_H,), dtype=jnp.float32) * 0.01
    W1 = jax.random.normal(ks[5], (D_H, N_CLS), dtype=jnp.float32) * (1.0 / np.sqrt(D_H))
    b1 = jax.random.normal(ks[6], (N_CLS,), dtype=jnp.float32) * 0.01
    return {"x": x, "edge_index0": edge_index0, "edge_index1": edge_index1,
            "W0": W0, "b0": b0, "W1": W1, "b1": b1}


def _segment_mean(feat, seg_ids, num_segments):
    summed = jax.ops.segment_sum(feat, seg_ids, num_segments=num_segments)
    counts = jax.ops.segment_sum(jnp.ones((seg_ids.shape[0],), feat.dtype), seg_ids,
                                 num_segments=num_segments)
    return summed / jnp.maximum(counts, 1.0)[:, None]


def _sage_conv(x, edge_index, W, b):
    out = x @ W + b
    src = edge_index[0]
    dst = edge_index[1]
    src_feat = jnp.take(out, src, axis=0)
    return _segment_mean(src_feat, dst, N)


def reference(x, edge_index0, edge_index1, W0, b0, W1, b1):
    # SAGE.forward with blocks=[edge_index0, edge_index1]; eval mode (dropout off)
    h = _sage_conv(x, edge_index0, W0, b0)
    h = jax.nn.relu(h)
    out = _sage_conv(h, edge_index1, W1, b1)
    return out

if __name__ == "__main__":
    import jax
    _d = setup_inputs()
    print(jax.jit(kernel)(*tuple(_d.values())))

</pallas_src>

<mosaic_0001>
#map = affine_map<(d0, d1) -> (0, 0)>
#map1 = affine_map<(d0, d1) -> (0, 0, 0)>
module attributes {stable_mosaic.version = 14 : i64} {
  func.func @agg(%arg0: i32, %arg1: i32, %arg2: memref<10000x64xf32, #tpu.memory_space<hbm>>, %arg3: memref<2x2500x128xi32, #tpu.memory_space<hbm>>, %arg4: memref<2x10000x64xf32, #tpu.memory_space<hbm>>, %arg5: memref<2x10000x16xf32, #tpu.memory_space<hbm>>, %arg6: memref<10000x64xf32, #tpu.memory_space<vmem_shared>>, %arg7: memref<10000x16xf32, #tpu.memory_space<vmem_shared>>, %arg8: memref<128xi32, #tpu.memory_space<vmem>>, %arg9: memref<128xi32, #tpu.memory_space<vmem>>, %arg10: memref<128xi32, #tpu.memory_space<vmem>>, %arg11: memref<128xi32, #tpu.memory_space<vmem>>, %arg12: memref<128x64xf32, #tpu.memory_space<vmem>>, %arg13: memref<128x64xf32, #tpu.memory_space<vmem>>, %arg14: memref<128x16xf32, #tpu.memory_space<vmem>>, %arg15: memref<16x64xf32, #tpu.memory_space<vmem>>, %arg16: memref<16x16xf32, #tpu.memory_space<vmem>>, %arg17: memref<!tpu.dma_semaphore, #tpu.memory_space<semaphore_mem>>, %arg18: memref<!tpu.dma_semaphore, #tpu.memory_space<semaphore_mem>>, %arg19: memref<!tpu.dma_semaphore, #tpu.memory_space<semaphore_mem>>, %arg20: memref<!tpu.dma_semaphore, #tpu.memory_space<semaphore_mem>>, %arg21: memref<!tpu.dma_semaphore, #tpu.memory_space<semaphore_mem>>, %arg22: memref<!tpu.dma_semaphore, #tpu.memory_space<semaphore_mem>>, %arg23: memref<!tpu.dma_semaphore, #tpu.memory_space<semaphore_mem>>, %arg24: memref<!tpu.dma_semaphore, #tpu.memory_space<semaphore_mem>>, %arg25: memref<!tpu.dma_semaphore, #tpu.memory_space<semaphore_mem>>) attributes {dimension_semantics = [#tpu.dimension_semantics<core_parallel>, #tpu.dimension_semantics<subcore_parallel>], iteration_bounds = array<i64: 2, 16>, scalar_prefetch = 0 : i64, scratch_operands = 20 : i64, tpu.core_type = #tpu.core_type<sc_vector_subcore>, window_params = [{transform_indices = #map}, {transform_indices = #map1}, {transform_indices = #map1}, {transform_indices = #map1}]} {
    %mul3A = arith.constant 16 : i32
    %mul3A_0 = arith.muli %arg0, %mul3A : i32
    %add3A = arith.addi %mul3A_0, %arg1 : i32
    %mul3A_1 = arith.constant 78 : i32
    %mul3A_2 = arith.muli %add3A, %mul3A_1 : i32
    %broadcast_in_dim3A = arith.constant 0.000000e+00 : f32
    %broadcast_in_dim3A_3 = vector.broadcast %broadcast_in_dim3A : f32 to vector<16xf32>
    %broadcast_in_dim3A_4 = arith.constant 1.000000e+00 : f32
    %broadcast_in_dim3A_5 = vector.broadcast %broadcast_in_dim3A_4 : f32 to vector<16xf32>
    %scan3A = arith.constant 0 : i32
    %scan3A_6 = arith.constant 0 : i32
    %scan3A_7 = arith.constant 64 : i32
    %scan3A_8 = arith.addi %scan3A_6, %scan3A_7 : i32
    %scan3A_9 = arith.constant 1 : i32
    %scan3A_10 = scf.for %scan3A_87 = %scan3A_6 to %scan3A_8 step %scan3A_9 iter_args(%scan3A_88 = %scan3A) -> (i32)  : i32 {
      %jit3A = arith.constant 4 : i32
      %div3A = arith.divsi %scan3A_87, %jit3A : i32
      %sign3A = arith.constant 0 : i32
      %sign3A_89 = arith.cmpi sgt, %scan3A_87, %sign3A : i32
      %sign3A_90 = arith.extui %sign3A_89 : i1 to i32
      %sign3A_91 = arith.constant 0 : i32
      %sign3A_92 = arith.cmpi slt, %scan3A_87, %sign3A_91 : i32
      %sign3A_93 = arith.extui %sign3A_92 : i1 to i32
      %sign3A_94 = arith.subi %sign3A_90, %sign3A_93 : i32
      %sign3A_95 = arith.constant 0 : i32
      %sign3A_96 = arith.cmpi sgt, %jit3A, %sign3A_95 : i32
      %sign3A_97 = arith.extui %sign3A_96 : i1 to i32
      %sign3A_98 = arith.constant 0 : i32
      %sign3A_99 = arith.cmpi slt, %jit3A, %sign3A_98 : i32
      %sign3A_100 = arith.extui %sign3A_99 : i1 to i32
      %sign3A_101 = arith.subi %sign3A_97, %sign3A_100 : i32
      %ne3A = arith.cmpi ne, %sign3A_94, %sign3A_101 : i32
      %rem3A = arith.remsi %scan3A_87, %jit3A : i32
      %ne3A_102 = arith.constant 0 : i32
      %ne3A_103 = arith.cmpi ne, %rem3A, %ne3A_102 : i32
      %and3A = arith.andi %ne3A, %ne3A_103 : i1
      %sub3A = arith.constant 1 : i32
      %sub3A_104 = arith.subi %div3A, %sub3A : i32
      %select_n3A = arith.select %and3A, %sub3A_104, %div3A : i32
      %jit3A_105 = arith.constant 4 : i32
      %eq3A_106 = arith.constant 0 : i32
      %eq3A_107 = arith.cmpi eq, %jit3A_105, %eq3A_106 : i32
      %jit3A_108 = arith.constant 1 : i32
      %select_n3A_109 = arith.select %eq3A_107, %jit3A_108, %jit3A_105 : i32
      %rem3A_110 = arith.remsi %scan3A_87, %select_n3A_109 : i32
      %ne3A_111 = arith.constant 0 : i32
      %ne3A_112 = arith.cmpi ne, %rem3A_110, %ne3A_111 : i32
      %lt3A_113 = arith.constant 0 : i32
      %lt3A_114 = arith.cmpi slt, %rem3A_110, %lt3A_113 : i32
      %lt3A_115 = arith.constant 0 : i32
      %lt3A_116 = arith.cmpi slt, %select_n3A_109, %lt3A_115 : i32
      %ne3A_117 = arith.xori %lt3A_114, %lt3A_116 : i1
      %and3A_118 = arith.andi %ne3A_117, %ne3A_112 : i1
      %add3A_119 = arith.addi %rem3A_110, %select_n3A_109 : i32
      %select_n3A_120 = arith.select %and3A_118, %add3A_119, %rem3A_110 : i32
      %mul3A_121 = arith.constant 16 : i32
      %mul3A_122 = arith.muli %select_n3A_120, %mul3A_121 : i32
      %swap3A = arith.index_cast %select_n3A : i32 to index
      %swap3A_123 = arith.index_cast %mul3A_122 : i32 to index
      %swap3A_124 = tpu.vector_load %arg15[%swap3A, %swap3A_123] {strides = array<i32>} : memref<16x64xf32, #tpu.memory_space<vmem>>, vector<1x16xf32>,
      %swap3A_125 = vector.shape_cast %swap3A_124 : vector<1x16xf32> to vector<16xf32>
      %swap3A_126 = vector.shape_cast %broadcast_in_dim3A_3 : vector<16xf32> to vector<1x16xf32>
      tpu.vector_store %arg15[%swap3A, %swap3A_123], %swap3A_126 {strides = array<i32>} : memref<16x64xf32, #tpu.memory_space<vmem>>, vector<1x16xf32>,
      %scan3A_127 = arith.constant 0 : i32
      scf.yield %scan3A_127 : i32
    }
    %scan3A_11 = arith.constant 64 : i32
    %scan3A_12 = arith.constant 0 : i32
    %scan3A_13 = arith.constant 0 : i32
    %scan3A_14 = arith.constant 16 : i32
    %scan3A_15 = arith.addi %scan3A_13, %scan3A_14 : i32
    %scan3A_16 = arith.constant 1 : i32
    %scan3A_17 = scf.for %scan3A_87 = %scan3A_13 to %scan3A_15 step %scan3A_16 iter_args(%scan3A_88 = %scan3A_12) -> (i32)  : i32 {
      %jit3A = arith.constant 1 : i32
      %div3A = arith.divsi %scan3A_87, %jit3A : i32
      %sign3A = arith.constant 0 : i32
      %sign3A_89 = arith.cmpi sgt, %scan3A_87, %sign3A : i32
      %sign3A_90 = arith.extui %sign3A_89 : i1 to i32
      %sign3A_91 = arith.constant 0 : i32
      %sign3A_92 = arith.cmpi slt, %scan3A_87, %sign3A_91 : i32
      %sign3A_93 = arith.extui %sign3A_92 : i1 to i32
      %sign3A_94 = arith.subi %sign3A_90, %sign3A_93 : i32
      %sign3A_95 = arith.constant 0 : i32
      %sign3A_96 = arith.cmpi sgt, %jit3A, %sign3A_95 : i32
      %sign3A_97 = arith.extui %sign3A_96 : i1 to i32
      %sign3A_98 = arith.constant 0 : i32
      %sign3A_99 = arith.cmpi slt, %jit3A, %sign3A_98 : i32
      %sign3A_100 = arith.extui %sign3A_99 : i1 to i32
      %sign3A_101 = arith.subi %sign3A_97, %sign3A_100 : i32
      %ne3A = arith.cmpi ne, %sign3A_94, %sign3A_101 : i32
      %rem3A = arith.remsi %scan3A_87, %jit3A : i32
      %ne3A_102 = arith.constant 0 : i32
      %ne3A_103 = arith.cmpi ne, %rem3A, %ne3A_102 : i32
      %and3A = arith.andi %ne3A, %ne3A_103 : i1
      %sub3A = arith.constant 1 : i32
      %sub3A_104 = arith.subi %div3A, %sub3A : i32
      %select_n3A = arith.select %and3A, %sub3A_104, %div3A : i32
      %jit3A_105 = arith.constant 1 : i32
      %eq3A_106 = arith.constant 0 : i32
      %eq3A_107 = arith.cmpi eq, %jit3A_105, %eq3A_106 : i32
      %jit3A_108 = arith.constant 1 : i32
      %select_n3A_109 = arith.select %eq3A_107, %jit3A_108, %jit3A_105 : i32
      %rem3A_110 = arith.remsi %scan3A_87, %select_n3A_109 : i32
      %ne3A_111 = arith.constant 0 : i32
      %ne3A_112 = arith.cmpi ne, %rem3A_110, %ne3A_111 : i32
      %lt3A_113 = arith.constant 0 : i32
      %lt3A_114 = arith.cmpi slt, %rem3A_110, %lt3A_113 : i32
      %lt3A_115 = arith.constant 0 : i32
      %lt3A_116 = arith.cmpi slt, %select_n3A_109, %lt3A_115 : i32
      %ne3A_117 = arith.xori %lt3A_114, %lt3A_116 : i1
      %and3A_118 = arith.andi %ne3A_117, %ne3A_112 : i1
      %add3A_119 = arith.addi %rem3A_110, %select_n3A_109 : i32
      %select_n3A_120 = arith.select %and3A_118, %add3A_119, %rem3A_110 : i32
      %mul3A_121 = arith.constant 16 : i32
      %mul3A_122 = arith.muli %select_n3A_120, %mul3A_121 : i32
      %swap3A = arith.index_cast %select_n3A : i32 to index
      %swap3A_123 = arith.index_cast %mul3A_122 : i32 to index
      %swap3A_124 = tpu.vector_load %arg16[%swap3A, %swap3A_123] {strides = array<i32>} : memref<16x16xf32, #tpu.memory_space<vmem>>, vector<1x16xf32>,
      %swap3A_125 = vector.shape_cast %swap3A_124 : vector<1x16xf32> to vector<16xf32>
      %swap3A_126 = vector.shape_cast %broadcast_in_dim3A_3 : vector<16xf32> to vector<1x16xf32>
      tpu.vector_store %arg16[%swap3A, %swap3A_123], %swap3A_126 {strides = array<i32>} : memref<16x16xf32, #tpu.memory_space<vmem>>, vector<1x16xf32>,
      %scan3A_127 = arith.constant 0 : i32
      scf.yield %scan3A_127 : i32
    }
    %scan3A_18 = arith.constant 16 : i32
    %scan3A_19 = arith.constant 0 : i32
    %scan3A_20 = arith.constant 0 : i32
    %scan3A_21 = arith.constant 128 : i32
    %scan3A_22 = arith.addi %scan3A_20, %scan3A_21 : i32
    %scan3A_23 = arith.constant 1 : i32
    %scan3A_24 = scf.for %scan3A_87 = %scan3A_20 to %scan3A_22 step %scan3A_23 iter_args(%scan3A_88 = %scan3A_19) -> (i32)  : i32 {
      %jit3A = arith.constant 1 : i32
      %div3A = arith.divsi %scan3A_87, %jit3A : i32
      %sign3A = arith.constant 0 : i32
      %sign3A_89 = arith.cmpi sgt, %scan3A_87, %sign3A : i32
      %sign3A_90 = arith.extui %sign3A_89 : i1 to i32
      %sign3A_91 = arith.constant 0 : i32
      %sign3A_92 = arith.cmpi slt, %scan3A_87, %sign3A_91 : i32
      %sign3A_93 = arith.extui %sign3A_92 : i1 to i32
      %sign3A_94 = arith.subi %sign3A_90, %sign3A_93 : i32
      %sign3A_95 = arith.constant 0 : i32
      %sign3A_96 = arith.cmpi sgt, %jit3A, %sign3A_95 : i32
      %sign3A_97 = arith.extui %sign3A_96 : i1 to i32
      %sign3A_98 = arith.constant 0 : i32
      %sign3A_99 = arith.cmpi slt, %jit3A, %sign3A_98 : i32
      %sign3A_100 = arith.extui %sign3A_99 : i1 to i32
      %sign3A_101 = arith.subi %sign3A_97, %sign3A_100 : i32
      %ne3A = arith.cmpi ne, %sign3A_94, %sign3A_101 : i32
      %rem3A = arith.remsi %scan3A_87, %jit3A : i32
      %ne3A_102 = arith.constant 0 : i32
      %ne3A_103 = arith.cmpi ne, %rem3A, %ne3A_102 : i32
      %and3A = arith.andi %ne3A, %ne3A_103 : i1
      %sub3A = arith.constant 1 : i32
      %sub3A_104 = arith.subi %div3A, %sub3A : i32
      %select_n3A = arith.select %and3A, %sub3A_104, %div3A : i32
      %jit3A_105 = arith.constant 1 : i32
      %eq3A_106 = arith.constant 0 : i32
      %eq3A_107 = arith.cmpi eq, %jit3A_105, %eq3A_106 : i32
      %jit3A_108 = arith.constant 1 : i32
      %select_n3A_109 = arith.select %eq3A_107, %jit3A_108, %jit3A_105 : i32
      %rem3A_110 = arith.remsi %scan3A_87, %select_n3A_109 : i32
      %ne3A_111 = arith.constant 0 : i32
      %ne3A_112 = arith.cmpi ne, %rem3A_110, %ne3A_111 : i32
      %lt3A_113 = arith.constant 0 : i32
      %lt3A_114 = arith.cmpi slt, %rem3A_110, %lt3A_113 : i32
      %lt3A_115 = arith.constant 0 : i32
      %lt3A_116 = arith.cmpi slt, %select_n3A_109, %lt3A_115 : i32
      %ne3A_117 = arith.xori %lt3A_114, %lt3A_116 : i1
      %and3A_118 = arith.andi %ne3A_117, %ne3A_112 : i1
      %add3A_119 = arith.addi %rem3A_110, %select_n3A_109 : i32
      %select_n3A_120 = arith.select %and3A_118, %add3A_119, %rem3A_110 : i32
      %mul3A_121 = arith.constant 16 : i32
      %mul3A_122 = arith.muli %select_n3A_120, %mul3A_121 : i32
      %swap3A = arith.index_cast %select_n3A : i32 to index
      %swap3A_123 = arith.index_cast %mul3A_122 : i32 to index
      %swap3A_124 = tpu.vector_load %arg14[%swap3A, %swap3A_123] {strides = array<i32>} : memref<128x16xf32, #tpu.memory_space<vmem>>, vector<1x16xf32>,
      %swap3A_125 = vector.shape_cast %swap3A_124 : vector<1x16xf32> to vector<16xf32>
      %swap3A_126 = vector.shape_cast %broadcast_in_dim3A_5 : vector<16xf32> to vector<1x16xf32>
      tpu.vector_store %arg14[%swap3A, %swap3A_123], %swap3A_126 {strides = array<i32>} : memref<128x16xf32, #tpu.memory_space<vmem>>, vector<1x16xf32>,
      %scan3A_127 = arith.constant 0 : i32
      scf.yield %scan3A_127 : i32
    }
    %scan3A_25 = arith.constant 128 : i32
    %lt3A = arith.constant 15 : i32
    %lt3A_26 = arith.cmpi slt, %arg1, %lt3A : i32
    %convert_element_type3A = arith.extui %lt3A_26 : i1 to i32
    %cond3A = arith.constant 0 : i32
    %cond3A_27 = arith.cmpi ne, %convert_element_type3A, %cond3A : i32
    scf.if %cond3A_27 {
      %mul3A_87 = arith.constant 640 : i32
      %mul3A_88 = arith.muli %arg1, %mul3A_87 : i32
      %scan3A_89 = arith.constant 0 : i32
      %scan3A_90 = arith.constant 0 : i32
      %scan3A_91 = arith.constant 5 : i32
      %scan3A_92 = arith.addi %scan3A_90, %scan3A_91 : i32
      %scan3A_93 = arith.constant 1 : i32
      %scan3A_94 = scf.for %scan3A_96 = %scan3A_90 to %scan3A_92 step %scan3A_93 iter_args(%scan3A_97 = %scan3A_89) -> (i32)  : i32 {
        %mul3A_98 = arith.constant 8 : i32
        %mul3A_99 = arith.muli %scan3A_96, %mul3A_98 : i32
        %scan3A_100 = arith.constant 0 : i32
        %scan3A_101 = arith.constant 0 : i32
        %scan3A_102 = arith.constant 8 : i32
        %scan3A_103 = arith.addi %scan3A_101, %scan3A_102 : i32
        %scan3A_104 = arith.constant 1 : i32
        %scan3A_105 = scf.for %scan3A_115 = %scan3A_101 to %scan3A_103 step %scan3A_104 iter_args(%scan3A_116 = %scan3A_100) -> (i32)  : i32 {
          %add3A_117 = arith.addi %mul3A_99, %scan3A_115 : i32
          %mul3A_118 = arith.constant 16 : i32
          %mul3A_119 = arith.muli %add3A_117, %mul3A_118 : i32
          %add3A_120 = arith.addi %mul3A_88, %mul3A_119 : i32
          %dma_start3A_121 = arith.constant 0 : i32
          %dma_start3A_122 = tpu.memref_slice %arg6[%add3A_120, %dma_start3A_121] : memref<10000x64xf32, #tpu.memory_space<vmem_shared>> -> memref<16x64xf32, #tpu.memory_space<vmem_shared>>
          %dma_start3A_123 = arith.constant 0 : i32
          %dma_start3A_124 = tpu.memref_slice %arg6[%add3A_120, %dma_start3A_123] : memref<10000x64xf32, #tpu.memory_space<vmem_shared>> -> memref<16x64xf32, #tpu.memory_space<vmem_shared>>
          tpu.enqueue_dma source(%arg15 : memref<16x64xf32, #tpu.memory_space<vmem>>) target(%dma_start3A_124 : memref<16x64xf32, #tpu.memory_space<vmem_shared>>) target_semaphore(%arg25 : memref<!tpu.dma_semaphore, #tpu.memory_space<semaphore_mem>>)
          %dma_start3A_125 = arith.constant 0 : i32
          %dma_start3A_126 = tpu.memref_slice %arg7[%add3A_120, %dma_start3A_125] : memref<10000x16xf32, #tpu.memory_space<vmem_shared>> -> memref<16x16xf32, #tpu.memory_space<vmem_shared>>
          %dma_start3A_127 = arith.constant 0 : i32
          %dma_start3A_128 = tpu.memref_slice %arg7[%add3A_120, %dma_start3A_127] : memref<10000x16xf32, #tpu.memory_space<vmem_shared>> -> memref<16x16xf32, #tpu.memory_space<vmem_shared>>
          tpu.enqueue_dma source(%arg16 : memref<16x16xf32, #tpu.memory_space<vmem>>) target(%dma_start3A_128 : memref<16x16xf32, #tpu.memory_space<vmem_shared>>) target_semaphore(%arg25 : memref<!tpu.dma_semaphore, #tpu.memory_space<semaphore_mem>>)
          %scan3A_129 = arith.constant 0 : i32
          scf.yield %scan3A_129 : i32
        }
        %scan3A_106 = arith.constant 8 : i32
        %scan3A_107 = arith.constant 0 : i32
        %scan3A_108 = arith.constant 0 : i32
        %scan3A_109 = arith.constant 8 : i32
        %scan3A_110 = arith.addi %scan3A_108, %scan3A_109 : i32
        %scan3A_111 = arith.constant 1 : i32
        %scan3A_112 = scf.for %scan3A_115 = %scan3A_108 to %scan3A_110 step %scan3A_111 iter_args(%scan3A_116 = %scan3A_107) -> (i32)  : i32 {
          %add3A_117 = arith.addi %mul3A_99, %scan3A_115 : i32
          %mul3A_118 = arith.constant 16 : i32
          %mul3A_119 = arith.muli %add3A_117, %mul3A_118 : i32
          %add3A_120 = arith.addi %mul3A_88, %mul3A_119 : i32
          %dma_wait3A_121 = arith.constant 0 : i32
          %dma_wait3A_122 = tpu.memref_slice %arg6[%add3A_120, %dma_wait3A_121] : memref<10000x64xf32, #tpu.memory_space<vmem_shared>> -> memref<16x64xf32, #tpu.memory_space<vmem_shared>>
          %dma_wait3A_123 = arith.constant 0 : i32
          %dma_wait3A_124 = tpu.memref_slice %arg6[%add3A_120, %dma_wait3A_123] : memref<10000x64xf32, #tpu.memory_space<vmem_shared>> -> memref<16x64xf32, #tpu.memory_space<vmem_shared>>
          tpu.wait_dma2 semaphore(%arg25 : memref<!tpu.dma_semaphore, #tpu.memory_space<semaphore_mem>>) src(%arg15 : memref<16x64xf32, #tpu.memory_space<vmem>>) dst(%dma_wait3A_124 : memref<16x64xf32, #tpu.memory_space<vmem_shared>>)
          %dma_wait3A_125 = arith.constant 0 : i32
          %dma_wait3A_126 = tpu.memref_slice %arg7[%add3A_120, %dma_wait3A_125] : memref<10000x16xf32, #tpu.memory_space<vmem_shared>> -> memref<16x16xf32, #tpu.memory_space<vmem_shared>>
          %dma_wait3A_127 = arith.constant 0 : i32
          %dma_wait3A_128 = tpu.memref_slice %arg7[%add3A_120, %dma_wait3A_127] : memref<10000x16xf32, #tpu.memory_space<vmem_shared>> -> memref<16x16xf32, #tpu.memory_space<vmem_shared>>
          tpu.wait_dma2 semaphore(%arg25 : memref<!tpu.dma_semaphore, #tpu.memory_space<semaphore_mem>>) src(%arg16 : memref<16x16xf32, #tpu.memory_space<vmem>>) dst(%dma_wait3A_128 : memref<16x16xf32, #tpu.memory_space<vmem_shared>>)
          %scan3A_129 = arith.constant 0 : i32
          scf.yield %scan3A_129 : i32
        }
        %scan3A_113 = arith.constant 8 : i32
        %scan3A_114 = arith.constant 0 : i32
        scf.yield %scan3A_114 : i32
      }
      %scan3A_95 = arith.constant 5 : i32
    } else {
    }
    %eq3A = arith.constant 15 : i32
    %eq3A_28 = arith.cmpi eq, %arg1, %eq3A : i32
    %convert_element_type3A_29 = arith.extui %eq3A_28 : i1 to i32
    %cond3A_30 = arith.constant 0 : i32
    %cond3A_31 = arith.cmpi ne, %convert_element_type3A_29, %cond3A_30 : i32
    scf.if %cond3A_31 {
      %scan3A_87 = arith.constant 0 : i32
      %scan3A_88 = arith.constant 0 : i32
      %scan3A_89 = arith.constant 3 : i32
      %scan3A_90 = arith.addi %scan3A_88, %scan3A_89 : i32
      %scan3A_91 = arith.constant 1 : i32
      %scan3A_92 = scf.for %scan3A_94 = %scan3A_88 to %scan3A_90 step %scan3A_91 iter_args(%scan3A_95 = %scan3A_87) -> (i32)  : i32 {
        %mul3A_96 = arith.constant 8 : i32
        %mul3A_97 = arith.muli %scan3A_94, %mul3A_96 : i32
        %scan3A_98 = arith.constant 0 : i32
        %scan3A_99 = arith.constant 0 : i32
        %scan3A_100 = arith.constant 8 : i32
        %scan3A_101 = arith.addi %scan3A_99, %scan3A_100 : i32
        %scan3A_102 = arith.constant 1 : i32
        %scan3A_103 = scf.for %scan3A_113 = %scan3A_99 to %scan3A_101 step %scan3A_102 iter_args(%scan3A_114 = %scan3A_98) -> (i32)  : i32 {
          %add3A_115 = arith.addi %mul3A_97, %scan3A_113 : i32
          %mul3A_116 = arith.constant 16 : i32
          %mul3A_117 = arith.muli %add3A_115, %mul3A_116 : i32
          %add3A_118 = arith.constant 9600 : i32
          %add3A_119 = arith.addi %add3A_118, %mul3A_117 : i32
          %dma_start3A_120 = arith.constant 0 : i32
          %dma_start3A_121 = tpu.memref_slice %arg6[%add3A_119, %dma_start3A_120] : memref<10000x64xf32, #tpu.memory_space<vmem_shared>> -> memref<16x64xf32, #tpu.memory_space<vmem_shared>>
          %dma_start3A_122 = arith.constant 0 : i32
          %dma_start3A_123 = tpu.memref_slice %arg6[%add3A_119, %dma_start3A_122] : memref<10000x64xf32, #tpu.memory_space<vmem_shared>> -> memref<16x64xf32, #tpu.memory_space<vmem_shared>>
          tpu.enqueue_dma source(%arg15 : memref<16x64xf32, #tpu.memory_space<vmem>>) target(%dma_start3A_123 : memref<16x64xf32, #tpu.memory_space<vmem_shared>>) target_semaphore(%arg25 : memref<!tpu.dma_semaphore, #tpu.memory_space<semaphore_mem>>)
          %dma_start3A_124 = arith.constant 0 : i32
          %dma_start3A_125 = tpu.memref_slice %arg7[%add3A_119, %dma_start3A_124] : memref<10000x16xf32, #tpu.memory_space<vmem_shared>> -> memref<16x16xf32, #tpu.memory_space<vmem_shared>>
          %dma_start3A_126 = arith.constant 0 : i32
          %dma_start3A_127 = tpu.memref_slice %arg7[%add3A_119, %dma_start3A_126] : memref<10000x16xf32, #tpu.memory_space<vmem_shared>> -> memref<16x16xf32, #tpu.memory_space<vmem_shared>>
          tpu.enqueue_dma source(%arg16 : memref<16x16xf32, #tpu.memory_space<vmem>>) target(%dma_start3A_127 : memref<16x16xf32, #tpu.memory_space<vmem_shared>>) target_semaphore(%arg25 : memref<!tpu.dma_semaphore, #tpu.memory_space<semaphore_mem>>)
          %scan3A_128 = arith.constant 0 : i32
          scf.yield %scan3A_128 : i32
        }
        %scan3A_104 = arith.constant 8 : i32
        %scan3A_105 = arith.constant 0 : i32
        %scan3A_106 = arith.constant 0 : i32
        %scan3A_107 = arith.constant 8 : i32
        %scan3A_108 = arith.addi %scan3A_106, %scan3A_107 : i32
        %scan3A_109 = arith.constant 1 : i32
        %scan3A_110 = scf.for %scan3A_113 = %scan3A_106 to %scan3A_108 step %scan3A_109 iter_args(%scan3A_114 = %scan3A_105) -> (i32)  : i32 {
          %add3A_115 = arith.addi %mul3A_97, %scan3A_113 : i32
          %mul3A_116 = arith.constant 16 : i32
          %mul3A_117 = arith.muli %add3A_115, %mul3A_116 : i32
          %add3A_118 = arith.constant 9600 : i32
          %add3A_119 = arith.addi %add3A_118, %mul3A_117 : i32
          %dma_wait3A_120 = arith.constant 0 : i32
          %dma_wait3A_121 = tpu.memref_slice %arg6[%add3A_119, %dma_wait3A_120] : memref<10000x64xf32, #tpu.memory_space<vmem_shared>> -> memref<16x64xf32, #tpu.memory_space<vmem_shared>>
          %dma_wait3A_122 = arith.constant 0 : i32
          %dma_wait3A_123 = tpu.memref_slice %arg6[%add3A_119, %dma_wait3A_122] : memref<10000x64xf32, #tpu.memory_space<vmem_shared>> -> memref<16x64xf32, #tpu.memory_space<vmem_shared>>
          tpu.wait_dma2 semaphore(%arg25 : memref<!tpu.dma_semaphore, #tpu.memory_space<semaphore_mem>>) src(%arg15 : memref<16x64xf32, #tpu.memory_space<vmem>>) dst(%dma_wait3A_123 : memref<16x64xf32, #tpu.memory_space<vmem_shared>>)
          %dma_wait3A_124 = arith.constant 0 : i32
          %dma_wait3A_125 = tpu.memref_slice %arg7[%add3A_119, %dma_wait3A_124] : memref<10000x16xf32, #tpu.memory_space<vmem_shared>> -> memref<16x16xf32, #tpu.memory_space<vmem_shared>>
          %dma_wait3A_126 = arith.constant 0 : i32
          %dma_wait3A_127 = tpu.memref_slice %arg7[%add3A_119, %dma_wait3A_126] : memref<10000x16xf32, #tpu.memory_space<vmem_shared>> -> memref<16x16xf32, #tpu.memory_space<vmem_shared>>
          tpu.wait_dma2 semaphore(%arg25 : memref<!tpu.dma_semaphore, #tpu.memory_space<semaphore_mem>>) src(%arg16 : memref<16x16xf32, #tpu.memory_space<vmem>>) dst(%dma_wait3A_127 : memref<16x16xf32, #tpu.memory_space<vmem_shared>>)
          %scan3A_128 = arith.constant 0 : i32
          scf.yield %scan3A_128 : i32
        }
        %scan3A_111 = arith.constant 8 : i32
        %scan3A_112 = arith.constant 0 : i32
        scf.yield %scan3A_112 : i32
      }
      %scan3A_93 = arith.constant 3 : i32
      "tpu.region"() ({
        %run_scoped3A_94 = tpu.sem_alloc : memref<!tpu.dma_semaphore, #tpu.memory_space<semaphore_mem>>
        %dma_start3A_95 = arith.constant 9984 : i32
        %dma_start3A_96 = arith.constant 0 : i32
        %dma_start3A_97 = tpu.memref_slice %arg6[%dma_start3A_95, %dma_start3A_96] : memref<10000x64xf32, #tpu.memory_space<vmem_shared>> -> memref<16x64xf32, #tpu.memory_space<vmem_shared>>
        %dma_start3A_98 = arith.constant 9984 : i32
        %dma_start3A_99 = arith.constant 0 : i32
        %dma_start3A_100 = tpu.memref_slice %arg6[%dma_start3A_98, %dma_start3A_99] : memref<10000x64xf32, #tpu.memory_space<vmem_shared>> -> memref<16x64xf32, #tpu.memory_space<vmem_shared>>
        tpu.enqueue_dma source(%arg15 : memref<16x64xf32, #tpu.memory_space<vmem>>) target(%dma_start3A_100 : memref<16x64xf32, #tpu.memory_space<vmem_shared>>) target_semaphore(%run_scoped3A_94 : memref<!tpu.dma_semaphore, #tpu.memory_space<semaphore_mem>>)
        %dma_wait3A_101 = arith.constant 9984 : i32
        %dma_wait3A_102 = arith.constant 0 : i32
        %dma_wait3A_103 = tpu.memref_slice %arg6[%dma_wait3A_101, %dma_wait3A_102] : memref<10000x64xf32, #tpu.memory_space<vmem_shared>> -> memref<16x64xf32, #tpu.memory_space<vmem_shared>>
        %dma_wait3A_104 = arith.constant 9984 : i32
        %dma_wait3A_105 = arith.constant 0 : i32
        %dma_wait3A_106 = tpu.memref_slice %arg6[%dma_wait3A_104, %dma_wait3A_105] : memref<10000x64xf32, #tpu.memory_space<vmem_shared>> -> memref<16x64xf32, #tpu.memory_space<vmem_shared>>
        tpu.wait_dma2 semaphore(%run_scoped3A_94 : memref<!tpu.dma_semaphore, #tpu.memory_space<semaphore_mem>>) src(%arg15 : memref<16x64xf32, #tpu.memory_space<vmem>>) dst(%dma_wait3A_106 : memref<16x64xf32, #tpu.memory_space<vmem_shared>>)
        tpu.yield
      }) : () -> ()
      "tpu.region"() ({
        %run_scoped3A_94 = tpu.sem_alloc : memref<!tpu.dma_semaphore, #tpu.memory_space<semaphore_mem>>
        %dma_start3A_95 = arith.constant 9984 : i32
        %dma_start3A_96 = arith.constant 0 : i32
        %dma_start3A_97 = tpu.memref_slice %arg7[%dma_start3A_95, %dma_start3A_96] : memref<10000x16xf32, #tpu.memory_space<vmem_shared>> -> memref<16x16xf32, #tpu.memory_space<vmem_shared>>
        %dma_start3A_98 = arith.constant 9984 : i32
        %dma_start3A_99 = arith.constant 0 : i32
        %dma_start3A_100 = tpu.memref_slice %arg7[%dma_start3A_98, %dma_start3A_99] : memref<10000x16xf32, #tpu.memory_space<vmem_shared>> -> memref<16x16xf32, #tpu.memory_space<vmem_shared>>
        tpu.enqueue_dma source(%arg16 : memref<16x16xf32, #tpu.memory_space<vmem>>) target(%dma_start3A_100 : memref<16x16xf32, #tpu.memory_space<vmem_shared>>) target_semaphore(%run_scoped3A_94 : memref<!tpu.dma_semaphore, #tpu.memory_space<semaphore_mem>>)
        %dma_wait3A_101 = arith.constant 9984 : i32
        %dma_wait3A_102 = arith.constant 0 : i32
        %dma_wait3A_103 = tpu.memref_slice %arg7[%dma_wait3A_101, %dma_wait3A_102] : memref<10000x16xf32, #tpu.memory_space<vmem_shared>> -> memref<16x16xf32, #tpu.memory_space<vmem_shared>>
        %dma_wait3A_104 = arith.constant 9984 : i32
        %dma_wait3A_105 = arith.constant 0 : i32
        %dma_wait3A_106 = tpu.memref_slice %arg7[%dma_wait3A_104, %dma_wait3A_105] : memref<10000x16xf32, #tpu.memory_space<vmem_shared>> -> memref<16x16xf32, #tpu.memory_space<vmem_shared>>
        tpu.wait_dma2 semaphore(%run_scoped3A_94 : memref<!tpu.dma_semaphore, #tpu.memory_space<semaphore_mem>>) src(%arg16 : memref<16x16xf32, #tpu.memory_space<vmem>>) dst(%dma_wait3A_106 : memref<16x16xf32, #tpu.memory_space<vmem_shared>>)
        tpu.yield
      }) : () -> ()
    } else {
    }
    %barrier3A = arith.constant 0 : index
    tpu.barrier barrier_id(%barrier3A)
    %run_scoped3A = arith.constant 0 : i32
    "tpu.region"() ({
      %run_scoped3A_87 = tpu.sem_alloc : memref<!tpu.dma_semaphore, #tpu.memory_space<semaphore_mem>>
      %dma_start3A_88 = arith.constant 0 : i32
      %dma_start3A_89 = tpu.memref_slice %arg3[%run_scoped3A, %mul3A_2, %dma_start3A_88] : memref<2x2500x128xi32, #tpu.memory_space<hbm>> -> memref<1x1x128xi32, #tpu.memory_space<hbm>>
      %dma_start3A_90 = tpu.memref_squeeze %dma_start3A_89 : memref<1x1x128xi32, #tpu.memory_space<hbm>> -> memref<128xi32, #tpu.memory_space<hbm>>
      %dma_start3A_91 = arith.constant 0 : i32
      %dma_start3A_92 = tpu.memref_slice %arg3[%run_scoped3A, %mul3A_2, %dma_start3A_91] : memref<2x2500x128xi32, #tpu.memory_space<hbm>> -> memref<1x1x128xi32, #tpu.memory_space<hbm>>
      %dma_start3A_93 = tpu.memref_squeeze %dma_start3A_92 : memref<1x1x128xi32, #tpu.memory_space<hbm>> -> memref<128xi32, #tpu.memory_space<hbm>>
      tpu.enqueue_dma source(%dma_start3A_93 : memref<128xi32, #tpu.memory_space<hbm>>) target(%arg8 : memref<128xi32, #tpu.memory_space<vmem>>) target_semaphore(%run_scoped3A_87 : memref<!tpu.dma_semaphore, #tpu.memory_space<semaphore_mem>>)
      %dma_wait3A_94 = arith.constant 0 : i32
      %dma_wait3A_95 = tpu.memref_slice %arg3[%run_scoped3A, %mul3A_2, %dma_wait3A_94] : memref<2x2500x128xi32, #tpu.memory_space<hbm>> -> memref<1x1x128xi32, #tpu.memory_space<hbm>>
      %dma_wait3A_96 = tpu.memref_squeeze %dma_wait3A_95 : memref<1x1x128xi32, #tpu.memory_space<hbm>> -> memref<128xi32, #tpu.memory_space<hbm>>
      %dma_wait3A_97 = arith.constant 0 : i32
      %dma_wait3A_98 = tpu.memref_slice %arg3[%run_scoped3A, %mul3A_2, %dma_wait3A_97] : memref<2x2500x128xi32, #tpu.memory_space<hbm>> -> memref<1x1x128xi32, #tpu.memory_space<hbm>>
      %dma_wait3A_99 = tpu.memref_squeeze %dma_wait3A_98 : memref<1x1x128xi32, #tpu.memory_space<hbm>> -> memref<128xi32, #tpu.memory_space<hbm>>
      tpu.wait_dma2 semaphore(%run_scoped3A_87 : memref<!tpu.dma_semaphore, #tpu.memory_space<semaphore_mem>>) src(%dma_wait3A_99 : memref<128xi32, #tpu.memory_space<hbm>>) dst(%arg8 : memref<128xi32, #tpu.memory_space<vmem>>)
      tpu.yield
    }) : () -> ()
    %dma_start3A = arith.constant 0 : i32
    %dma_start3A_32 = arith.constant 0 : i32
    %dma_start3A_33 = tpu.memref_slice %arg2[%dma_start3A, %dma_start3A_32] : memref<10000x64xf32, #tpu.memory_space<hbm>> -> memref<10000x64xf32, #tpu.memory_space<hbm>>
    tpu.enqueue_indirect_dma source(%dma_start3A_33 : memref<10000x64xf32, #tpu.memory_space<hbm>>) target(%arg12 : memref<128x64xf32, #tpu.memory_space<vmem>>) offsets(%arg8 : memref<128xi32, #tpu.memory_space<vmem>>) semaphore(%arg17 : memref<!tpu.dma_semaphore, #tpu.memory_space<semaphore_mem>>)
    %dma_start3A_34 = arith.constant 1 : i32
    %dma_start3A_35 = arith.constant 0 : i32
    %dma_start3A_36 = tpu.memref_slice %arg3[%dma_start3A_34, %mul3A_2, %dma_start3A_35] : memref<2x2500x128xi32, #tpu.memory_space<hbm>> -> memref<1x1x128xi32, #tpu.memory_space<hbm>>
    %dma_start3A_37 = tpu.memref_squeeze %dma_start3A_36 : memref<1x1x128xi32, #tpu.memory_space<hbm>> -> memref<128xi32, #tpu.memory_space<hbm>>
    %dma_start3A_38 = arith.constant 0 : i32
    %dma_start3A_39 = tpu.memref_slice %arg3[%dma_start3A_34, %mul3A_2, %dma_start3A_38] : memref<2x2500x128xi32, #tpu.memory_space<hbm>> -> memref<1x1x128xi32, #tpu.memory_space<hbm>>
    %dma_start3A_40 = tpu.memref_squeeze %dma_start3A_39 : memref<1x1x128xi32, #tpu.memory_space<hbm>> -> memref<128xi32, #tpu.memory_space<hbm>>
    tpu.enqueue_dma source(%dma_start3A_40 : memref<128xi32, #tpu.memory_space<hbm>>) target(%arg10 : memref<128xi32, #tpu.memory_space<vmem>>) target_semaphore(%arg23 : memref<!tpu.dma_semaphore, #tpu.memory_space<semaphore_mem>>)
    %add3A_41 = arith.constant 1 : i32
    %add3A_42 = arith.addi %mul3A_2, %add3A_41 : i32
    %dma_start3A_43 = arith.constant 0 : i32
    %dma_start3A_44 = arith.constant 0 : i32
    %dma_start3A_45 = tpu.memref_slice %arg3[%dma_start3A_43, %add3A_42, %dma_start3A_44] : memref<2x2500x128xi32, #tpu.memory_space<hbm>> -> memref<1x1x128xi32, #tpu.memory_space<hbm>>
    %dma_start3A_46 = tpu.memref_squeeze %dma_start3A_45 : memref<1x1x128xi32, #tpu.memory_space<hbm>> -> memref<128xi32, #tpu.memory_space<hbm>>
    %dma_start3A_47 = arith.constant 0 : i32
    %dma_start3A_48 = tpu.memref_slice %arg3[%dma_start3A_43, %add3A_42, %dma_start3A_47] : memref<2x2500x128xi32, #tpu.memory_space<hbm>> -> memref<1x1x128xi32, #tpu.memory_space<hbm>>
    %dma_start3A_49 = tpu.memref_squeeze %dma_start3A_48 : memref<1x1x128xi32, #tpu.memory_space<hbm>> -> memref<128xi32, #tpu.memory_space<hbm>>
    tpu.enqueue_dma source(%dma_start3A_49 : memref<128xi32, #tpu.memory_space<hbm>>) target(%arg9 : memref<128xi32, #tpu.memory_space<vmem>>) target_semaphore(%arg22 : memref<!tpu.dma_semaphore, #tpu.memory_space<semaphore_mem>>)
    %add3A_50 = arith.constant 1 : i32
    %add3A_51 = arith.addi %mul3A_2, %add3A_50 : i32
    %dma_start3A_52 = arith.constant 1 : i32
    %dma_start3A_53 = arith.constant 0 : i32
    %dma_start3A_54 = tpu.memref_slice %arg3[%dma_start3A_52, %add3A_51, %dma_start3A_53] : memref<2x2500x128xi32, #tpu.memory_space<hbm>> -> memref<1x1x128xi32, #tpu.memory_space<hbm>>
    %dma_start3A_55 = tpu.memref_squeeze %dma_start3A_54 : memref<1x1x128xi32, #tpu.memory_space<hbm>> -> memref<128xi32, #tpu.memory_space<hbm>>
    %dma_start3A_56 = arith.constant 0 : i32
    %dma_start3A_57 = tpu.memref_slice %arg3[%dma_start3A_52, %add3A_51, %dma_start3A_56] : memref<2x2500x128xi32, #tpu.memory_space<hbm>> -> memref<1x1x128xi32, #tpu.memory_space<hbm>>
    %dma_start3A_58 = tpu.memref_squeeze %dma_start3A_57 : memref<1x1x128xi32, #tpu.memory_space<hbm>> -> memref<128xi32, #tpu.memory_space<hbm>>
    tpu.enqueue_dma source(%dma_start3A_58 : memref<128xi32, #tpu.memory_space<hbm>>) target(%arg11 : memref<128xi32, #tpu.memory_space<vmem>>) target_semaphore(%arg24 : memref<!tpu.dma_semaphore, #tpu.memory_space<semaphore_mem>>)
    %scan3A_59 = arith.constant 0 : i32
    %scan3A_60 = arith.constant 0 : i32
    %scan3A_61 = arith.constant 39 : i32
    %scan3A_62 = arith.addi %scan3A_60, %scan3A_61 : i32
    %scan3A_63 = arith.constant 1 : i32
    %scan3A_64 = scf.for %scan3A_87 = %scan3A_60 to %scan3A_62 step %scan3A_63 iter_args(%scan3A_88 = %scan3A_59) -> (i32)  : i32 {
      %mul3A_89 = arith.constant 2 : i32
      %mul3A_90 = arith.muli %mul3A_89, %scan3A_87 : i32
      %dma_wait3A_91 = arith.constant 0 : i32
      %dma_wait3A_92 = arith.constant 0 : i32
      %dma_wait3A_93 = tpu.memref_slice %arg2[%dma_wait3A_91, %dma_wait3A_92] : memref<10000x64xf32, #tpu.memory_space<hbm>> -> memref<10000x64xf32, #tpu.memory_space<hbm>>
      tpu.wait_indirect_dma semaphore(%arg17 : memref<!tpu.dma_semaphore, #tpu.memory_space<semaphore_mem>>) src(%dma_wait3A_93 : memref<10000x64xf32, #tpu.memory_space<hbm>>) dst(%arg12 : memref<128x64xf32, #tpu.memory_space<vmem>>)
      %add3A_94 = arith.constant 2 : i32
      %add3A_95 = arith.addi %mul3A_90, %add3A_94 : i32
      %lt3A_96 = arith.constant 78 : i32
      %lt3A_97 = arith.cmpi slt, %add3A_95, %lt3A_96 : i32
      %convert_element_type3A_98 = arith.extui %lt3A_97 : i1 to i32
      %cond3A_99 = arith.constant 0 : i32
      %cond3A_100 = arith.cmpi ne, %convert_element_type3A_98, %cond3A_99 : i32
      scf.if %cond3A_100 {
        %add3A_172 = arith.addi %mul3A_2, %mul3A_90 : i32
        %add3A_173 = arith.constant 2 : i32
        %add3A_174 = arith.addi %add3A_172, %add3A_173 : i32
        %dma_start3A_175 = arith.constant 0 : i32
        %dma_start3A_176 = arith.constant 0 : i32
        %dma_start3A_177 = tpu.memref_slice %arg3[%dma_start3A_175, %add3A_174, %dma_start3A_176] : memref<2x2500x128xi32, #tpu.memory_space<hbm>> -> memref<1x1x128xi32, #tpu.memory_space<hbm>>
        %dma_start3A_178 = tpu.memref_squeeze %dma_start3A_177 : memref<1x1x128xi32, #tpu.memory_space<hbm>> -> memref<128xi32, #tpu.memory_space<hbm>>
        %dma_start3A_179 = arith.constant 0 : i32
        %dma_start3A_180 = tpu.memref_slice %arg3[%dma_start3A_175, %add3A_174, %dma_start3A_179] : memref<2x2500x128xi32, #tpu.memory_space<hbm>> -> memref<1x1x128xi32, #tpu.memory_space<hbm>>
        %dma_start3A_181 = tpu.memref_squeeze %dma_start3A_180 : memref<1x1x128xi32, #tpu.memory_space<hbm>> -> memref<128xi32, #tpu.memory_space<hbm>>
        tpu.enqueue_dma source(%dma_start3A_181 : memref<128xi32, #tpu.memory_space<hbm>>) target(%arg8 : memref<128xi32, #tpu.memory_space<vmem>>) target_semaphore(%arg21 : memref<!tpu.dma_semaphore, #tpu.memory_space<semaphore_mem>>)
      } else {
      }
      %add3A_101 = arith.addi %mul3A_2, %mul3A_90 : i32
      %dma_wait3A_102 = arith.constant 1 : i32
      %dma_wait3A_103 = arith.constant 0 : i32
      %dma_wait3A_104 = tpu.memref_slice %arg3[%dma_wait3A_102, %add3A_101, %dma_wait3A_103] : memref<2x2500x128xi32, #tpu.memory_space<hbm>> -> memref<1x1x128xi32, #tpu.memory_space<hbm>>
      %dma_wait3A_105 = tpu.memref_squeeze %dma_wait3A_104 : memref<1x1x128xi32, #tpu.memory_space<hbm>> -> memref<128xi32, #tpu.memory_space<hbm>>
      %dma_wait3A_106 = arith.constant 0 : i32
      %dma_wait3A_107 = tpu.memref_slice %arg3[%dma_wait3A_102, %add3A_101, %dma_wait3A_106] : memref<2x2500x128xi32, #tpu.memory_space<hbm>> -> memref<1x1x128xi32, #tpu.memory_space<hbm>>
      %dma_wait3A_108 = tpu.memref_squeeze %dma_wait3A_107 : memref<1x1x128xi32, #tpu.memory_space<hbm>> -> memref<128xi32, #tpu.memory_space<hbm>>
      tpu.wait_dma2 semaphore(%arg23 : memref<!tpu.dma_semaphore, #tpu.memory_space<semaphore_mem>>) src(%dma_wait3A_108 : memref<128xi32, #tpu.memory_space<hbm>>) dst(%arg10 : memref<128xi32, #tpu.memory_space<vmem>>)
      %dma_start3A_109 = arith.constant 0 : i32
      %dma_start3A_110 = arith.constant 0 : i32
      %dma_start3A_111 = tpu.memref_slice %arg6[%dma_start3A_109, %dma_start3A_110] : memref<10000x64xf32, #tpu.memory_space<vmem_shared>> -> memref<10000x64xf32, #tpu.memory_space<vmem_shared>>
      tpu.enqueue_indirect_dma source(%arg12 : memref<128x64xf32, #tpu.memory_space<vmem>>) target(%dma_start3A_111 : memref<10000x64xf32, #tpu.memory_space<vmem_shared>>) offsets(%arg10 : memref<128xi32, #tpu.memory_space<vmem>>) semaphore(%arg19 : memref<!tpu.dma_semaphore, #tpu.memory_space<semaphore_mem>>) {add = true}
      %dma_start3A_112 = arith.constant 0 : i32
      %dma_start3A_113 = arith.constant 0 : i32
      %dma_start3A_114 = tpu.memref_slice %arg7[%dma_start3A_112, %dma_start3A_113] : memref<10000x16xf32, #tpu.memory_space<vmem_shared>> -> memref<10000x16xf32, #tpu.memory_space<vmem_shared>>
      tpu.enqueue_indirect_dma source(%arg14 : memref<128x16xf32, #tpu.memory_space<vmem>>) target(%dma_start3A_114 : memref<10000x16xf32, #tpu.memory_space<vmem_shared>>) offsets(%arg10 : memref<128xi32, #tpu.memory_space<vmem>>) semaphore(%arg19 : memref<!tpu.dma_semaphore, #tpu.memory_space<semaphore_mem>>) {add = true}
      %add3A_115 = arith.addi %mul3A_2, %mul3A_90 : i32
      %add3A_116 = arith.constant 1 : i32
      %add3A_117 = arith.addi %add3A_115, %add3A_116 : i32
      %dma_wait3A_118 = arith.constant 0 : i32
      %dma_wait3A_119 = arith.constant 0 : i32
      %dma_wait3A_120 = tpu.memref_slice %arg3[%dma_wait3A_118, %add3A_117, %dma_wait3A_119] : memref<2x2500x128xi32, #tpu.memory_space<hbm>> -> memref<1x1x128xi32, #tpu.memory_space<hbm>>
      %dma_wait3A_121 = tpu.memref_squeeze %dma_wait3A_120 : memref<1x1x128xi32, #tpu.memory_space<hbm>> -> memref<128xi32, #tpu.memory_space<hbm>>
      %dma_wait3A_122 = arith.constant 0 : i32
      %dma_wait3A_123 = tpu.memref_slice %arg3[%dma_wait3A_118, %add3A_117, %dma_wait3A_122] : memref<2x2500x128xi32, #tpu.memory_space<hbm>> -> memref<1x1x128xi32, #tpu.memory_space<hbm>>
      %dma_wait3A_124 = tpu.memref_squeeze %dma_wait3A_123 : memref<1x1x128xi32, #tpu.memory_space<hbm>> -> memref<128xi32, #tpu.memory_space<hbm>>
      tpu.wait_dma2 semaphore(%arg22 : memref<!tpu.dma_semaphore, #tpu.memory_space<semaphore_mem>>) src(%dma_wait3A_124 : memref<128xi32, #tpu.memory_space<hbm>>) dst(%arg9 : memref<128xi32, #tpu.memory_space<vmem>>)
      %gt3A = arith.constant 0 : i32
      %gt3A_125 = arith.cmpi sgt, %scan3A_87, %gt3A : i32
      %convert_element_type3A_126 = arith.extui %gt3A_125 : i1 to i32
      %cond3A_127 = arith.constant 0 : i32
      %cond3A_128 = arith.cmpi ne, %convert_element_type3A_126, %cond3A_127 : i32
      scf.if %cond3A_128 {
        %dma_wait3A_172 = arith.constant 0 : i32
        %dma_wait3A_173 = arith.constant 0 : i32
        %dma_wait3A_174 = tpu.memref_slice %arg6[%dma_wait3A_172, %dma_wait3A_173] : memref<10000x64xf32, #tpu.memory_space<vmem_shared>> -> memref<10000x64xf32, #tpu.memory_space<vmem_shared>>
        tpu.wait_indirect_dma semaphore(%arg20 : memref<!tpu.dma_semaphore, #tpu.memory_space<semaphore_mem>>) src(%arg13 : memref<128x64xf32, #tpu.memory_space<vmem>>) dst(%dma_wait3A_174 : memref<10000x64xf32, #tpu.memory_space<vmem_shared>>)
        %dma_wait3A_175 = arith.constant 0 : i32
        %dma_wait3A_176 = arith.constant 0 : i32
        %dma_wait3A_177 = tpu.memref_slice %arg7[%dma_wait3A_175, %dma_wait3A_176] : memref<10000x16xf32, #tpu.memory_space<vmem_shared>> -> memref<10000x16xf32, #tpu.memory_space<vmem_shared>>
        tpu.wait_indirect_dma semaphore(%arg20 : memref<!tpu.dma_semaphore, #tpu.memory_space<semaphore_mem>>) src(%arg14 : memref<128x16xf32, #tpu.memory_space<vmem>>) dst(%dma_wait3A_177 : memref<10000x16xf32, #tpu.memory_space<vmem_shared>>)
        %add3A_178 = arith.addi %mul3A_2, %mul3A_90 : i32
        %add3A_179 = arith.constant 1 : i32
        %add3A_180 = arith.addi %add3A_178, %add3A_179 : i32
        %dma_start3A_181 = arith.constant 1 : i32
        %dma_start3A_182 = arith.constant 0 : i32
        %dma_start3A_183 = tpu.memref_slice %arg3[%dma_start3A_181, %add3A_180, %dma_start3A_182] : memref<2x2500x128xi32, #tpu.memory_space<hbm>> -> memref<1x1x128xi32, #tpu.memory_space<hbm>>
        %dma_start3A_184 = tpu.memref_squeeze %dma_start3A_183 : memref<1x1x128xi32, #tpu.memory_space<hbm>> -> memref<128xi32, #tpu.memory_space<hbm>>
        %dma_start3A_185 = arith.constant 0 : i32
        %dma_start3A_186 = tpu.memref_slice %arg3[%dma_start3A_181, %add3A_180, %dma_start3A_185] : memref<2x2500x128xi32, #tpu.memory_space<hbm>> -> memref<1x1x128xi32, #tpu.memory_space<hbm>>
        %dma_start3A_187 = tpu.memref_squeeze %dma_start3A_186 : memref<1x1x128xi32, #tpu.memory_space<hbm>> -> memref<128xi32, #tpu.memory_space<hbm>>
        tpu.enqueue_dma source(%dma_start3A_187 : memref<128xi32, #tpu.memory_space<hbm>>) target(%arg11 : memref<128xi32, #tpu.memory_space<vmem>>) target_semaphore(%arg24 : memref<!tpu.dma_semaphore, #tpu.memory_space<semaphore_mem>>)
      } else {
      }
      %dma_start3A_129 = arith.constant 0 : i32
      %dma_start3A_130 = arith.constant 0 : i32
      %dma_start3A_131 = tpu.memref_slice %arg2[%dma_start3A_129, %dma_start3A_130] : memref<10000x64xf32, #tpu.memory_space<hbm>> -> memref<10000x64xf32, #tpu.memory_space<hbm>>
      tpu.enqueue_indirect_dma source(%dma_start3A_131 : memref<10000x64xf32, #tpu.memory_space<hbm>>) target(%arg13 : memref<128x64xf32, #tpu.memory_space<vmem>>) offsets(%arg9 : memref<128xi32, #tpu.memory_space<vmem>>) semaphore(%arg18 : memref<!tpu.dma_semaphore, #tpu.memory_space<semaphore_mem>>)
      %dma_wait3A_132 = arith.constant 0 : i32
      %dma_wait3A_133 = arith.constant 0 : i32
      %dma_wait3A_134 = tpu.memref_slice %arg6[%dma_wait3A_132, %dma_wait3A_133] : memref<10000x64xf32, #tpu.memory_space<vmem_shared>> -> memref<10000x64xf32, #tpu.memory_space<vmem_shared>>
      tpu.wait_indirect_dma semaphore(%arg19 : memref<!tpu.dma_semaphore, #tpu.memory_space<semaphore_mem>>) src(%arg12 : memref<128x64xf32, #tpu.memory_space<vmem>>) dst(%dma_wait3A_134 : memref<10000x64xf32, #tpu.memory_space<vmem_shared>>)
      %dma_wait3A_135 = arith.constant 0 : i32
      %dma_wait3A_136 = arith.constant 0 : i32
      %dma_wait3A_137 = tpu.memref_slice %arg7[%dma_wait3A_135, %dma_wait3A_136] : memref<10000x16xf32, #tpu.memory_space<vmem_shared>> -> memref<10000x16xf32, #tpu.memory_space<vmem_shared>>
      tpu.wait_indirect_dma semaphore(%arg19 : memref<!tpu.dma_semaphore, #tpu.memory_space<semaphore_mem>>) src(%arg14 : memref<128x16xf32, #tpu.memory_space<vmem>>) dst(%dma_wait3A_137 : memref<10000x16xf32, #tpu.memory_space<vmem_shared>>)
      %add3A_138 = arith.constant 2 : i32
      %add3A_139 = arith.addi %mul3A_90, %add3A_138 : i32
      %lt3A_140 = arith.constant 78 : i32
      %lt3A_141 = arith.cmpi slt, %add3A_139, %lt3A_140 : i32
      %convert_element_type3A_142 = arith.extui %lt3A_141 : i1 to i32
      %cond3A_143 = arith.constant 0 : i32
      %cond3A_144 = arith.cmpi ne, %convert_element_type3A_142, %cond3A_143 : i32
      scf.if %cond3A_144 {
        %add3A_172 = arith.addi %mul3A_2, %mul3A_90 : i32
        %add3A_173 = arith.constant 2 : i32
        %add3A_174 = arith.addi %add3A_172, %add3A_173 : i32
        %dma_start3A_175 = arith.constant 1 : i32
        %dma_start3A_176 = arith.constant 0 : i32
        %dma_start3A_177 = tpu.memref_slice %arg3[%dma_start3A_175, %add3A_174, %dma_start3A_176] : memref<2x2500x128xi32, #tpu.memory_space<hbm>> -> memref<1x1x128xi32, #tpu.memory_space<hbm>>
        %dma_start3A_178 = tpu.memref_squeeze %dma_start3A_177 : memref<1x1x128xi32, #tpu.memory_space<hbm>> -> memref<128xi32, #tpu.memory_space<hbm>>
        %dma_start3A_179 = arith.constant 0 : i32
        %dma_start3A_180 = tpu.memref_slice %arg3[%dma_start3A_175, %add3A_174, %dma_start3A_179] : memref<2x2500x128xi32, #tpu.memory_space<hbm>> -> memref<1x1x128xi32, #tpu.memory_space<hbm>>
        %dma_start3A_181 = tpu.memref_squeeze %dma_start3A_180 : memref<1x1x128xi32, #tpu.memory_space<hbm>> -> memref<128xi32, #tpu.memory_space<hbm>>
        tpu.enqueue_dma source(%dma_start3A_181 : memref<128xi32, #tpu.memory_space<hbm>>) target(%arg10 : memref<128xi32, #tpu.memory_space<vmem>>) target_semaphore(%arg23 : memref<!tpu.dma_semaphore, #tpu.memory_space<semaphore_mem>>)
        %add3A_182 = arith.addi %mul3A_2, %mul3A_90 : i32
        %add3A_183 = arith.constant 2 : i32
        %add3A_184 = arith.addi %add3A_182, %add3A_183 : i32
        %dma_wait3A_185 = arith.constant 0 : i32
        %dma_wait3A_186 = arith.constant 0 : i32
        %dma_wait3A_187 = tpu.memref_slice %arg3[%dma_wait3A_185, %add3A_184, %dma_wait3A_186] : memref<2x2500x128xi32, #tpu.memory_space<hbm>> -> memref<1x1x128xi32, #tpu.memory_space<hbm>>
        %dma_wait3A_188 = tpu.memref_squeeze %dma_wait3A_187 : memref<1x1x128xi32, #tpu.memory_space<hbm>> -> memref<128xi32, #tpu.memory_space<hbm>>
        %dma_wait3A_189 = arith.constant 0 : i32
        %dma_wait3A_190 = tpu.memref_slice %arg3[%dma_wait3A_185, %add3A_184, %dma_wait3A_189] : memref<2x2500x128xi32, #tpu.memory_space<hbm>> -> memref<1x1x128xi32, #tpu.memory_space<hbm>>
        %dma_wait3A_191 = tpu.memref_squeeze %dma_wait3A_190 : memref<1x1x128xi32, #tpu.memory_space<hbm>> -> memref<128xi32, #tpu.memory_space<hbm>>
        tpu.wait_dma2 semaphore(%arg21 : memref<!tpu.dma_semaphore, #tpu.memory_space<semaphore_mem>>) src(%dma_wait3A_191 : memref<128xi32, #tpu.memory_space<hbm>>) dst(%arg8 : memref<128xi32, #tpu.memory_space<vmem>>)
        %dma_start3A_192 = arith.constant 0 : i32
        %dma_start3A_193 = arith.constant 0 : i32
        %dma_start3A_194 = tpu.memref_slice %arg2[%dma_start3A_192, %dma_start3A_193] : memref<10000x64xf32, #tpu.memory_space<hbm>> -> memref<10000x64xf32, #tpu.memory_space<hbm>>
        tpu.enqueue_indirect_dma source(%dma_start3A_194 : memref<10000x64xf32, #tpu.memory_space<hbm>>) target(%arg12 : memref<128x64xf32, #tpu.memory_space<vmem>>) offsets(%arg8 : memref<128xi32, #tpu.memory_space<vmem>>) semaphore(%arg17 : memref<!tpu.dma_semaphore, #tpu.memory_space<semaphore_mem>>)
      } else {
      }
      %dma_wait3A_145 = arith.constant 0 : i32
      %dma_wait3A_146 = arith.constant 0 : i32
      %dma_wait3A_147 = tpu.memref_slice %arg2[%dma_wait3A_145, %dma_wait3A_146] : memref<10000x64xf32, #tpu.memory_space<hbm>> -> memref<10000x64xf32, #tpu.memory_space<hbm>>
      tpu.wait_indirect_dma semaphore(%arg18 : memref<!tpu.dma_semaphore, #tpu.memory_space<semaphore_mem>>) src(%dma_wait3A_147 : memref<10000x64xf32, #tpu.memory_space<hbm>>) dst(%arg13 : memref<128x64xf32, #tpu.memory_space<vmem>>)
      %add3A_148 = arith.constant 3 : i32
      %add3A_149 = arith.addi %mul3A_90, %add3A_148 : i32
      %lt3A_150 = arith.constant 78 : i32
      %lt3A_151 = arith.cmpi slt, %add3A_149, %lt3A_150 : i32
      %convert_element_type3A_152 = arith.extui %lt3A_151 : i1 to i32
      %cond3A_153 = arith.constant 0 : i32
      %cond3A_154 = arith.cmpi ne, %convert_element_type3A_152, %cond3A_153 : i32
      scf.if %cond3A_154 {
        %add3A_172 = arith.addi %mul3A_2, %mul3A_90 : i32
        %add3A_173 = arith.constant 3 : i32
        %add3A_174 = arith.addi %add3A_172, %add3A_173 : i32
        %dma_start3A_175 = arith.constant 0 : i32
        %dma_start3A_176 = arith.constant 0 : i32
        %dma_start3A_177 = tpu.memref_slice %arg3[%dma_start3A_175, %add3A_174, %dma_start3A_176] : memref<2x2500x128xi32, #tpu.memory_space<hbm>> -> memref<1x1x128xi32, #tpu.memory_space<hbm>>
        %dma_start3A_178 = tpu.memref_squeeze %dma_start3A_177 : memref<1x1x128xi32, #tpu.memory_space<hbm>> -> memref<128xi32, #tpu.memory_space<hbm>>
        %dma_start3A_179 = arith.constant 0 : i32
        %dma_start3A_180 = tpu.memref_slice %arg3[%dma_start3A_175, %add3A_174, %dma_start3A_179] : memref<2x2500x128xi32, #tpu.memory_space<hbm>> -> memref<1x1x128xi32, #tpu.memory_space<hbm>>
        %dma_start3A_181 = tpu.memref_squeeze %dma_start3A_180 : memref<1x1x128xi32, #tpu.memory_space<hbm>> -> memref<128xi32, #tpu.memory_space<hbm>>
        tpu.enqueue_dma source(%dma_start3A_181 : memref<128xi32, #tpu.memory_space<hbm>>) target(%arg9 : memref<128xi32, #tpu.memory_space<vmem>>) target_semaphore(%arg22 : memref<!tpu.dma_semaphore, #tpu.memory_space<semaphore_mem>>)
      } else {
      }
      %add3A_155 = arith.addi %mul3A_2, %mul3A_90 : i32
      %add3A_156 = arith.constant 1 : i32
      %add3A_157 = arith.addi %add3A_155, %add3A_156 : i32
      %dma_wait3A_158 = arith.constant 1 : i32
      %dma_wait3A_159 = arith.constant 0 : i32
      %dma_wait3A_160 = tpu.memref_slice %arg3[%dma_wait3A_158, %add3A_157, %dma_wait3A_159] : memref<2x2500x128xi32, #tpu.memory_space<hbm>> -> memref<1x1x128xi32, #tpu.memory_space<hbm>>
      %dma_wait3A_161 = tpu.memref_squeeze %dma_wait3A_160 : memref<1x1x128xi32, #tpu.memory_space<hbm>> -> memref<128xi32, #tpu.memory_space<hbm>>
      %dma_wait3A_162 = arith.constant 0 : i32
      %dma_wait3A_163 = tpu.memref_slice %arg3[%dma_wait3A_158, %add3A_157, %dma_wait3A_162] : memref<2x2500x128xi32, #tpu.memory_space<hbm>> -> memref<1x1x128xi32, #tpu.memory_space<hbm>>
      %dma_wait3A_164 = tpu.memref_squeeze %dma_wait3A_163 : memref<1x1x128xi32, #tpu.memory_space<hbm>> -> memref<128xi32, #tpu.memory_space<hbm>>
      tpu.wait_dma2 semaphore(%arg24 : memref<!tpu.dma_semaphore, #tpu.memory_space<semaphore_mem>>) src(%dma_wait3A_164 : memref<128xi32, #tpu.memory_space<hbm>>) dst(%arg11 : memref<128xi32, #tpu.memory_space<vmem>>)
      %dma_start3A_165 = arith.constant 0 : i32
      %dma_start3A_166 = arith.constant 0 : i32
      %dma_start3A_167 = tpu.memref_slice %arg6[%dma_start3A_165, %dma_start3A_166] : memref<10000x64xf32, #tpu.memory_space<vmem_shared>> -> memref<10000x64xf32, #tpu.memory_space<vmem_shared>>
      tpu.enqueue_indirect_dma source(%arg13 : memref<128x64xf32, #tpu.memory_space<vmem>>) target(%dma_start3A_167 : memref<10000x64xf32, #tpu.memory_space<vmem_shared>>) offsets(%arg11 : memref<128xi32, #tpu.memory_space<vmem>>) semaphore(%arg20 : memref<!tpu.dma_semaphore, #tpu.memory_space<semaphore_mem>>) {add = true}
      %dma_start3A_168 = arith.constant 0 : i32
      %dma_start3A_169 = arith.constant 0 : i32
      %dma_start3A_170 = tpu.memref_slice %arg7[%dma_start3A_168, %dma_start3A_169] : memref<10000x16xf32, #tpu.memory_space<vmem_shared>> -> memref<10000x16xf32, #tpu.memory_space<vmem_shared>>
      tpu.enqueue_indirect_dma source(%arg14 : memref<128x16xf32, #tpu.memory_space<vmem>>) target(%dma_start3A_170 : memref<10000x16xf32, #tpu.memory_space<vmem_shared>>) offsets(%arg11 : memref<128xi32, #tpu.memory_space<vmem>>) semaphore(%arg20 : memref<!tpu.dma_semaphore, #tpu.memory_space<semaphore_mem>>) {add = true}
      %scan3A_171 = arith.constant 0 : i32
      scf.yield %scan3A_171 : i32
    }
    %scan3A_65 = arith.constant 39 : i32
    %dma_wait3A = arith.constant 0 : i32
    %dma_wait3A_66 = arith.constant 0 : i32
    %dma_wait3A_67 = tpu.memref_slice %arg6[%dma_wait3A, %dma_wait3A_66] : memref<10000x64xf32, #tpu.memory_space<vmem_shared>> -> memref<10000x64xf32, #tpu.memory_space<vmem_shared>>
    tpu.wait_indirect_dma semaphore(%arg20 : memref<!tpu.dma_semaphore, #tpu.memory_space<semaphore_mem>>) src(%arg13 : memref<128x64xf32, #tpu.memory_space<vmem>>) dst(%dma_wait3A_67 : memref<10000x64xf32, #tpu.memory_space<vmem_shared>>)
    %dma_wait3A_68 = arith.constant 0 : i32
    %dma_wait3A_69 = arith.constant 0 : i32
    %dma_wait3A_70 = tpu.memref_slice %arg7[%dma_wait3A_68, %dma_wait3A_69] : memref<10000x16xf32, #tpu.memory_space<vmem_shared>> -> memref<10000x16xf32, #tpu.memory_space<vmem_shared>>
    tpu.wait_indirect_dma semaphore(%arg20 : memref<!tpu.dma_semaphore, #tpu.memory_space<semaphore_mem>>) src(%arg14 : memref<128x16xf32, #tpu.memory_space<vmem>>) dst(%dma_wait3A_70 : memref<10000x16xf32, #tpu.memory_space<vmem_shared>>)
    %lt3A_71 = arith.constant 4 : i32
    %lt3A_72 = arith.cmpi slt, %add3A, %lt3A_71 : i32
    %convert_element_type3A_73 = arith.extui %lt3A_72 : i1 to i32
    %cond3A_74 = arith.constant 0 : i32
    %cond3A_75 = arith.cmpi ne, %convert_element_type3A_73, %cond3A_74 : i32
    scf.if %cond3A_75 {
      %add3A_87 = arith.constant 2496 : i32
      %add3A_88 = arith.addi %add3A_87, %add3A : i32
      %run_scoped3A_89 = arith.constant 0 : i32
      "tpu.region"() ({
        %run_scoped3A_109 = tpu.sem_alloc : memref<!tpu.dma_semaphore, #tpu.memory_space<semaphore_mem>>
        %dma_start3A_110 = arith.constant 0 : i32
        %dma_start3A_111 = tpu.memref_slice %arg3[%run_scoped3A_89, %add3A_88, %dma_start3A_110] : memref<2x2500x128xi32, #tpu.memory_space<hbm>> -> memref<1x1x128xi32, #tpu.memory_space<hbm>>
        %dma_start3A_112 = tpu.memref_squeeze %dma_start3A_111 : memref<1x1x128xi32, #tpu.memory_space<hbm>> -> memref<128xi32, #tpu.memory_space<hbm>>
        %dma_start3A_113 = arith.constant 0 : i32
        %dma_start3A_114 = tpu.memref_slice %arg3[%run_scoped3A_89, %add3A_88, %dma_start3A_113] : memref<2x2500x128xi32, #tpu.memory_space<hbm>> -> memref<1x1x128xi32, #tpu.memory_space<hbm>>
        %dma_start3A_115 = tpu.memref_squeeze %dma_start3A_114 : memref<1x1x128xi32, #tpu.memory_space<hbm>> -> memref<128xi32, #tpu.memory_space<hbm>>
        tpu.enqueue_dma source(%dma_start3A_115 : memref<128xi32, #tpu.memory_space<hbm>>) target(%arg8 : memref<128xi32, #tpu.memory_space<vmem>>) target_semaphore(%run_scoped3A_109 : memref<!tpu.dma_semaphore, #tpu.memory_space<semaphore_mem>>)
        %dma_wait3A_116 = arith.constant 0 : i32
        %dma_wait3A_117 = tpu.memref_slice %arg3[%run_scoped3A_89, %add3A_88, %dma_wait3A_116] : memref<2x2500x128xi32, #tpu.memory_space<hbm>> -> memref<1x1x128xi32, #tpu.memory_space<hbm>>
        %dma_wait3A_118 = tpu.memref_squeeze %dma_wait3A_117 : memref<1x1x128xi32, #tpu.memory_space<hbm>> -> memref<128xi32, #tpu.memory_space<hbm>>
        %dma_wait3A_119 = arith.constant 0 : i32
        %dma_wait3A_120 = tpu.memref_slice %arg3[%run_scoped3A_89, %add3A_88, %dma_wait3A_119] : memref<2x2500x128xi32, #tpu.memory_space<hbm>> -> memref<1x1x128xi32, #tpu.memory_space<hbm>>
        %dma_wait3A_121 = tpu.memref_squeeze %dma_wait3A_120 : memref<1x1x128xi32, #tpu.memory_space<hbm>> -> memref<128xi32, #tpu.memory_space<hbm>>
        tpu.wait_dma2 semaphore(%run_scoped3A_109 : memref<!tpu.dma_semaphore, #tpu.memory_space<semaphore_mem>>) src(%dma_wait3A_121 : memref<128xi32, #tpu.memory_space<hbm>>) dst(%arg8 : memref<128xi32, #tpu.memory_space<vmem>>)
        tpu.yield
      }) : () -> ()
      %run_scoped3A_90 = arith.constant 1 : i32
      "tpu.region"() ({
        %run_scoped3A_109 = tpu.sem_alloc : memref<!tpu.dma_semaphore, #tpu.memory_space<semaphore_mem>>
        %dma_start3A_110 = arith.constant 0 : i32
        %dma_start3A_111 = tpu.memref_slice %arg3[%run_scoped3A_90, %add3A_88, %dma_start3A_110] : memref<2x2500x128xi32, #tpu.memory_space<hbm>> -> memref<1x1x128xi32, #tpu.memory_space<hbm>>
        %dma_start3A_112 = tpu.memref_squeeze %dma_start3A_111 : memref<1x1x128xi32, #tpu.memory_space<hbm>> -> memref<128xi32, #tpu.memory_space<hbm>>
        %dma_start3A_113 = arith.constant 0 : i32
        %dma_start3A_114 = tpu.memref_slice %arg3[%run_scoped3A_90, %add3A_88, %dma_start3A_113] : memref<2x2500x128xi32, #tpu.memory_space<hbm>> -> memref<1x1x128xi32, #tpu.memory_space<hbm>>
        %dma_start3A_115 = tpu.memref_squeeze %dma_start3A_114 : memref<1x1x128xi32, #tpu.memory_space<hbm>> -> memref<128xi32, #tpu.memory_space<hbm>>
        tpu.enqueue_dma source(%dma_start3A_115 : memref<128xi32, #tpu.memory_space<hbm>>) target(%arg10 : memref<128xi32, #tpu.memory_space<vmem>>) target_semaphore(%run_scoped3A_109 : memref<!tpu.dma_semaphore, #tpu.memory_space<semaphore_mem>>)
        %dma_wait3A_116 = arith.constant 0 : i32
        %dma_wait3A_117 = tpu.memref_slice %arg3[%run_scoped3A_90, %add3A_88, %dma_wait3A_116] : memref<2x2500x128xi32, #tpu.memory_space<hbm>> -> memref<1x1x128xi32, #tpu.memory_space<hbm>>
        %dma_wait3A_118 = tpu.memref_squeeze %dma_wait3A_117 : memref<1x1x128xi32, #tpu.memory_space<hbm>> -> memref<128xi32, #tpu.memory_space<hbm>>
        %dma_wait3A_119 = arith.constant 0 : i32
        %dma_wait3A_120 = tpu.memref_slice %arg3[%run_scoped3A_90, %add3A_88, %dma_wait3A_119] : memref<2x2500x128xi32, #tpu.memory_space<hbm>> -> memref<1x1x128xi32, #tpu.memory_space<hbm>>
        %dma_wait3A_121 = tpu.memref_squeeze %dma_wait3A_120 : memref<1x1x128xi32, #tpu.memory_space<hbm>> -> memref<128xi32, #tpu.memory_space<hbm>>
        tpu.wait_dma2 semaphore(%run_scoped3A_109 : memref<!tpu.dma_semaphore, #tpu.memory_space<semaphore_mem>>) src(%dma_wait3A_121 : memref<128xi32, #tpu.memory_space<hbm>>) dst(%arg10 : memref<128xi32, #tpu.memory_space<vmem>>)
        tpu.yield
      }) : () -> ()
      %dma_start3A_91 = arith.constant 0 : i32
      %dma_start3A_92 = arith.constant 0 : i32
      %dma_start3A_93 = tpu.memref_slice %arg2[%dma_start3A_91, %dma_start3A_92] : memref<10000x64xf32, #tpu.memory_space<hbm>> -> memref<10000x64xf32, #tpu.memory_space<hbm>>
      tpu.enqueue_indirect_dma source(%dma_start3A_93 : memref<10000x64xf32, #tpu.memory_space<hbm>>) target(%arg12 : memref<128x64xf32, #tpu.memory_space<vmem>>) offsets(%arg8 : memref<128xi32, #tpu.memory_space<vmem>>) semaphore(%arg17 : memref<!tpu.dma_semaphore, #tpu.memory_space<semaphore_mem>>)
      %dma_wait3A_94 = arith.constant 0 : i32
      %dma_wait3A_95 = arith.constant 0 : i32
      %dma_wait3A_96 = tpu.memref_slice %arg2[%dma_wait3A_94, %dma_wait3A_95] : memref<10000x64xf32, #tpu.memory_space<hbm>> -> memref<10000x64xf32, #tpu.memory_space<hbm>>
      tpu.wait_indirect_dma semaphore(%arg17 : memref<!tpu.dma_semaphore, #tpu.memory_space<semaphore_mem>>) src(%dma_wait3A_96 : memref<10000x64xf32, #tpu.memory_space<hbm>>) dst(%arg12 : memref<128x64xf32, #tpu.memory_space<vmem>>)
      %dma_start3A_97 = arith.constant 0 : i32
      %dma_start3A_98 = arith.constant 0 : i32
      %dma_start3A_99 = tpu.memref_slice %arg6[%dma_start3A_97, %dma_start3A_98] : memref<10000x64xf32, #tpu.memory_space<vmem_shared>> -> memref<10000x64xf32, #tpu.memory_space<vmem_shared>>
      tpu.enqueue_indirect_dma source(%arg12 : memref<128x64xf32, #tpu.memory_space<vmem>>) target(%dma_start3A_99 : memref<10000x64xf32, #tpu.memory_space<vmem_shared>>) offsets(%arg10 : memref<128xi32, #tpu.memory_space<vmem>>) semaphore(%arg19 : memref<!tpu.dma_semaphore, #tpu.memory_space<semaphore_mem>>) {add = true}
      %dma_start3A_100 = arith.constant 0 : i32
      %dma_start3A_101 = arith.constant 0 : i32
      %dma_start3A_102 = tpu.memref_slice %arg7[%dma_start3A_100, %dma_start3A_101] : memref<10000x16xf32, #tpu.memory_space<vmem_shared>> -> memref<10000x16xf32, #tpu.memory_space<vmem_shared>>
      tpu.enqueue_indirect_dma source(%arg14 : memref<128x16xf32, #tpu.memory_space<vmem>>) target(%dma_start3A_102 : memref<10000x16xf32, #tpu.memory_space<vmem_shared>>) offsets(%arg10 : memref<128xi32, #tpu.memory_space<vmem>>) semaphore(%arg19 : memref<!tpu.dma_semaphore, #tpu.memory_space<semaphore_mem>>) {add = true}
      %dma_wait3A_103 = arith.constant 0 : i32
      %dma_wait3A_104 = arith.constant 0 : i32
      %dma_wait3A_105 = tpu.memref_slice %arg6[%dma_wait3A_103, %dma_wait3A_104] : memref<10000x64xf32, #tpu.memory_space<vmem_shared>> -> memref<10000x64xf32, #tpu.memory_space<vmem_shared>>
      tpu.wait_indirect_dma semaphore(%arg19 : memref<!tpu.dma_semaphore, #tpu.memory_space<semaphore_mem>>) src(%arg12 : memref<128x64xf32, #tpu.memory_space<vmem>>) dst(%dma_wait3A_105 : memref<10000x64xf32, #tpu.memory_space<vmem_shared>>)
      %dma_wait3A_106 = arith.constant 0 : i32
      %dma_wait3A_107 = arith.constant 0 : i32
      %dma_wait3A_108 = tpu.memref_slice %arg7[%dma_wait3A_106, %dma_wait3A_107] : memref<10000x16xf32, #tpu.memory_space<vmem_shared>> -> memref<10000x16xf32, #tpu.memory_space<vmem_shared>>
      tpu.wait_indirect_dma semaphore(%arg19 : memref<!tpu.dma_semaphore, #tpu.memory_space<semaphore_mem>>) src(%arg14 : memref<128x16xf32, #tpu.memory_space<vmem>>) dst(%dma_wait3A_108 : memref<10000x16xf32, #tpu.memory_space<vmem_shared>>)
    } else {
    }
    %barrier3A_76 = arith.constant 0 : index
    tpu.barrier barrier_id(%barrier3A_76)
    %lt3A_77 = arith.constant 15 : i32
    %lt3A_78 = arith.cmpi slt, %arg1, %lt3A_77 : i32
    %convert_element_type3A_79 = arith.extui %lt3A_78 : i1 to i32
    %cond3A_80 = arith.constant 0 : i32
    %cond3A_81 = arith.cmpi ne, %convert_element_type3A_79, %cond3A_80 : i32
    scf.if %cond3A_81 {
      %mul3A_87 = arith.constant 640 : i32
      %mul3A_88 = arith.muli %arg1, %mul3A_87 : i32
      %dma_start3A_89 = arith.constant 0 : i32
      %dma_start3A_90 = tpu.memref_slice %arg4[%arg0, %mul3A_88, %dma_start3A_89] : memref<2x10000x64xf32, #tpu.memory_space<hbm>> -> memref<1x640x64xf32, #tpu.memory_space<hbm>>
      %dma_start3A_91 = tpu.memref_squeeze %dma_start3A_90 : memref<1x640x64xf32, #tpu.memory_space<hbm>> -> memref<640x64xf32, #tpu.memory_space<hbm>>
      %dma_start3A_92 = arith.constant 0 : i32
      %dma_start3A_93 = tpu.memref_slice %arg6[%mul3A_88, %dma_start3A_92] : memref<10000x64xf32, #tpu.memory_space<vmem_shared>> -> memref<640x64xf32, #tpu.memory_space<vmem_shared>>
      tpu.enqueue_dma source(%dma_start3A_93 : memref<640x64xf32, #tpu.memory_space<vmem_shared>>) target(%dma_start3A_91 : memref<640x64xf32, #tpu.memory_space<hbm>>) target_semaphore(%arg25 : memref<!tpu.dma_semaphore, #tpu.memory_space<semaphore_mem>>)
      %dma_start3A_94 = arith.constant 0 : i32
      %dma_start3A_95 = tpu.memref_slice %arg5[%arg0, %mul3A_88, %dma_start3A_94] : memref<2x10000x16xf32, #tpu.memory_space<hbm>> -> memref<1x640x16xf32, #tpu.memory_space<hbm>>
      %dma_start3A_96 = tpu.memref_squeeze %dma_start3A_95 : memref<1x640x16xf32, #tpu.memory_space<hbm>> -> memref<640x16xf32, #tpu.memory_space<hbm>>
      %dma_start3A_97 = arith.constant 0 : i32
      %dma_start3A_98 = tpu.memref_slice %arg7[%mul3A_88, %dma_start3A_97] : memref<10000x16xf32, #tpu.memory_space<vmem_shared>> -> memref<640x16xf32, #tpu.memory_space<vmem_shared>>
      tpu.enqueue_dma source(%dma_start3A_98 : memref<640x16xf32, #tpu.memory_space<vmem_shared>>) target(%dma_start3A_96 : memref<640x16xf32, #tpu.memory_space<hbm>>) target_semaphore(%arg25 : memref<!tpu.dma_semaphore, #tpu.memory_space<semaphore_mem>>)
      %dma_wait3A_99 = arith.constant 0 : i32
      %dma_wait3A_100 = tpu.memref_slice %arg4[%arg0, %mul3A_88, %dma_wait3A_99] : memref<2x10000x64xf32, #tpu.memory_space<hbm>> -> memref<1x640x64xf32, #tpu.memory_space<hbm>>
      %dma_wait3A_101 = tpu.memref_squeeze %dma_wait3A_100 : memref<1x640x64xf32, #tpu.memory_space<hbm>> -> memref<640x64xf32, #tpu.memory_space<hbm>>
      %dma_wait3A_102 = arith.constant 0 : i32
      %dma_wait3A_103 = tpu.memref_slice %arg6[%mul3A_88, %dma_wait3A_102] : memref<10000x64xf32, #tpu.memory_space<vmem_shared>> -> memref<640x64xf32, #tpu.memory_space<vmem_shared>>
      tpu.wait_dma2 semaphore(%arg25 : memref<!tpu.dma_semaphore, #tpu.memory_space<semaphore_mem>>) src(%dma_wait3A_103 : memref<640x64xf32, #tpu.memory_space<vmem_shared>>) dst(%dma_wait3A_101 : memref<640x64xf32, #tpu.memory_space<hbm>>)
      %dma_wait3A_104 = arith.constant 0 : i32
      %dma_wait3A_105 = tpu.memref_slice %arg5[%arg0, %mul3A_88, %dma_wait3A_104] : memref<2x10000x16xf32, #tpu.memory_space<hbm>> -> memref<1x640x16xf32, #tpu.memory_space<hbm>>
      %dma_wait3A_106 = tpu.memref_squeeze %dma_wait3A_105 : memref<1x640x16xf32, #tpu.memory_space<hbm>> -> memref<640x16xf32, #tpu.memory_space<hbm>>
      %dma_wait3A_107 = arith.constant 0 : i32
      %dma_wait3A_108 = tpu.memref_slice %arg7[%mul3A_88, %dma_wait3A_107] : memref<10000x16xf32, #tpu.memory_space<vmem_shared>> -> memref<640x16xf32, #tpu.memory_space<vmem_shared>>
      tpu.wait_dma2 semaphore(%arg25 : memref<!tpu.dma_semaphore, #tpu.memory_space<semaphore_mem>>) src(%dma_wait3A_108 : memref<640x16xf32, #tpu.memory_space<vmem_shared>>) dst(%dma_wait3A_106 : memref<640x16xf32, #tpu.memory_space<hbm>>)
    } else {
    }
    %eq3A_82 = arith.constant 15 : i32
    %eq3A_83 = arith.cmpi eq, %arg1, %eq3A_82 : i32
    %convert_element_type3A_84 = arith.extui %eq3A_83 : i1 to i32
    %cond3A_85 = arith.constant 0 : i32
    %cond3A_86 = arith.cmpi ne, %convert_element_type3A_84, %cond3A_85 : i32
    scf.if %cond3A_86 {
      %dma_start3A_87 = arith.constant 9600 : i32
      %dma_start3A_88 = arith.constant 0 : i32
      %dma_start3A_89 = tpu.memref_slice %arg4[%arg0, %dma_start3A_87, %dma_start3A_88] : memref<2x10000x64xf32, #tpu.memory_space<hbm>> -> memref<1x400x64xf32, #tpu.memory_space<hbm>>
      %dma_start3A_90 = tpu.memref_squeeze %dma_start3A_89 : memref<1x400x64xf32, #tpu.memory_space<hbm>> -> memref<400x64xf32, #tpu.memory_space<hbm>>
      %dma_start3A_91 = arith.constant 9600 : i32
      %dma_start3A_92 = arith.constant 0 : i32
      %dma_start3A_93 = tpu.memref_slice %arg6[%dma_start3A_91, %dma_start3A_92] : memref<10000x64xf32, #tpu.memory_space<vmem_shared>> -> memref<400x64xf32, #tpu.memory_space<vmem_shared>>
      tpu.enqueue_dma source(%dma_start3A_93 : memref<400x64xf32, #tpu.memory_space<vmem_shared>>) target(%dma_start3A_90 : memref<400x64xf32, #tpu.memory_space<hbm>>) target_semaphore(%arg25 : memref<!tpu.dma_semaphore, #tpu.memory_space<semaphore_mem>>)
      %dma_start3A_94 = arith.constant 9600 : i32
      %dma_start3A_95 = arith.constant 0 : i32
      %dma_start3A_96 = tpu.memref_slice %arg5[%arg0, %dma_start3A_94, %dma_start3A_95] : memref<2x10000x16xf32, #tpu.memory_space<hbm>> -> memref<1x400x16xf32, #tpu.memory_space<hbm>>
      %dma_start3A_97 = tpu.memref_squeeze %dma_start3A_96 : memref<1x400x16xf32, #tpu.memory_space<hbm>> -> memref<400x16xf32, #tpu.memory_space<hbm>>
      %dma_start3A_98 = arith.constant 9600 : i32
      %dma_start3A_99 = arith.constant 0 : i32
      %dma_start3A_100 = tpu.memref_slice %arg7[%dma_start3A_98, %dma_start3A_99] : memref<10000x16xf32, #tpu.memory_space<vmem_shared>> -> memref<400x16xf32, #tpu.memory_space<vmem_shared>>
      tpu.enqueue_dma source(%dma_start3A_100 : memref<400x16xf32, #tpu.memory_space<vmem_shared>>) target(%dma_start3A_97 : memref<400x16xf32, #tpu.memory_space<hbm>>) target_semaphore(%arg25 : memref<!tpu.dma_semaphore, #tpu.memory_space<semaphore_mem>>)
      %dma_wait3A_101 = arith.constant 9600 : i32
      %dma_wait3A_102 = arith.constant 0 : i32
      %dma_wait3A_103 = tpu.memref_slice %arg4[%arg0, %dma_wait3A_101, %dma_wait3A_102] : memref<2x10000x64xf32, #tpu.memory_space<hbm>> -> memref<1x400x64xf32, #tpu.memory_space<hbm>>
      %dma_wait3A_104 = tpu.memref_squeeze %dma_wait3A_103 : memref<1x400x64xf32, #tpu.memory_space<hbm>> -> memref<400x64xf32, #tpu.memory_space<hbm>>
      %dma_wait3A_105 = arith.constant 9600 : i32
      %dma_wait3A_106 = arith.constant 0 : i32
      %dma_wait3A_107 = tpu.memref_slice %arg6[%dma_wait3A_105, %dma_wait3A_106] : memref<10000x64xf32, #tpu.memory_space<vmem_shared>> -> memref<400x64xf32, #tpu.memory_space<vmem_shared>>
      tpu.wait_dma2 semaphore(%arg25 : memref<!tpu.dma_semaphore, #tpu.memory_space<semaphore_mem>>) src(%dma_wait3A_107 : memref<400x64xf32, #tpu.memory_space<vmem_shared>>) dst(%dma_wait3A_104 : memref<400x64xf32, #tpu.memory_space<hbm>>)
      %dma_wait3A_108 = arith.constant 9600 : i32
      %dma_wait3A_109 = arith.constant 0 : i32
      %dma_wait3A_110 = tpu.memref_slice %arg5[%arg0, %dma_wait3A_108, %dma_wait3A_109] : memref<2x10000x16xf32, #tpu.memory_space<hbm>> -> memref<1x400x16xf32, #tpu.memory_space<hbm>>
      %dma_wait3A_111 = tpu.memref_squeeze %dma_wait3A_110 : memref<1x400x16xf32, #tpu.memory_space<hbm>> -> memref<400x16xf32, #tpu.memory_space<hbm>>
      %dma_wait3A_112 = arith.constant 9600 : i32
      %dma_wait3A_113 = arith.constant 0 : i32
      %dma_wait3A_114 = tpu.memref_slice %arg7[%dma_wait3A_112, %dma_wait3A_113] : memref<10000x16xf32, #tpu.memory_space<vmem_shared>> -> memref<400x16xf32, #tpu.memory_space<vmem_shared>>
      tpu.wait_dma2 semaphore(%arg25 : memref<!tpu.dma_semaphore, #tpu.memory_space<semaphore_mem>>) src(%dma_wait3A_114 : memref<400x16xf32, #tpu.memory_space<vmem_shared>>) dst(%dma_wait3A_111 : memref<400x16xf32, #tpu.memory_space<hbm>>)
    } else {
    }
    return
  }
}

#map = affine_map<(d0, d1) -> (0, 0)>
#map1 = affine_map<(d0, d1) -> (0, 0, 0)>
module attributes {stable_mosaic.version = 14 : i64} {
  func.func @agg(%arg0: i32, %arg1: i32, %arg2: memref<10000x128xf32, #tpu.memory_space<hbm>>, %arg3: memref<2x2500x128xi32, #tpu.memory_space<hbm>>, %arg4: memref<2x10000x128xf32, #tpu.memory_space<hbm>>, %arg5: memref<2x10000x16xf32, #tpu.memory_space<hbm>>, %arg6: memref<10000x128xf32, #tpu.memory_space<vmem_shared>>, %arg7: memref<10000x16xf32, #tpu.memory_space<vmem_shared>>, %arg8: memref<128xi32, #tpu.memory_space<vmem>>, %arg9: memref<128xi32, #tpu.memory_space<vmem>>, %arg10: memref<128xi32, #tpu.memory_space<vmem>>, %arg11: memref<128xi32, #tpu.memory_space<vmem>>, %arg12: memref<128x128xf32, #tpu.memory_space<vmem>>, %arg13: memref<128x128xf32, #tpu.memory_space<vmem>>, %arg14: memref<128x16xf32, #tpu.memory_space<vmem>>, %arg15: memref<16x128xf32, #tpu.memory_space<vmem>>, %arg16: memref<16x16xf32, #tpu.memory_space<vmem>>, %arg17: memref<!tpu.dma_semaphore, #tpu.memory_space<semaphore_mem>>, %arg18: memref<!tpu.dma_semaphore, #tpu.memory_space<semaphore_mem>>, %arg19: memref<!tpu.dma_semaphore, #tpu.memory_space<semaphore_mem>>, %arg20: memref<!tpu.dma_semaphore, #tpu.memory_space<semaphore_mem>>, %arg21: memref<!tpu.dma_semaphore, #tpu.memory_space<semaphore_mem>>, %arg22: memref<!tpu.dma_semaphore, #tpu.memory_space<semaphore_mem>>, %arg23: memref<!tpu.dma_semaphore, #tpu.memory_space<semaphore_mem>>, %arg24: memref<!tpu.dma_semaphore, #tpu.memory_space<semaphore_mem>>, %arg25: memref<!tpu.dma_semaphore, #tpu.memory_space<semaphore_mem>>) attributes {dimension_semantics = [#tpu.dimension_semantics<core_parallel>, #tpu.dimension_semantics<subcore_parallel>], iteration_bounds = array<i64: 2, 16>, scalar_prefetch = 0 : i64, scratch_operands = 20 : i64, tpu.core_type = #tpu.core_type<sc_vector_subcore>, window_params = [{transform_indices = #map}, {transform_indices = #map1}, {transform_indices = #map1}, {transform_indices = #map1}]} {
    %mul3A = arith.constant 16 : i32
    %mul3A_0 = arith.muli %arg0, %mul3A : i32
    %add3A = arith.addi %mul3A_0, %arg1 : i32
    %mul3A_1 = arith.constant 78 : i32
    %mul3A_2 = arith.muli %add3A, %mul3A_1 : i32
    %broadcast_in_dim3A = arith.constant 0.000000e+00 : f32
    %broadcast_in_dim3A_3 = vector.broadcast %broadcast_in_dim3A : f32 to vector<16xf32>
    %broadcast_in_dim3A_4 = arith.constant 1.000000e+00 : f32
    %broadcast_in_dim3A_5 = vector.broadcast %broadcast_in_dim3A_4 : f32 to vector<16xf32>
    %scan3A = arith.constant 0 : i32
    %scan3A_6 = arith.constant 0 : i32
    %scan3A_7 = arith.constant 128 : i32
    %scan3A_8 = arith.addi %scan3A_6, %scan3A_7 : i32
    %scan3A_9 = arith.constant 1 : i32
    %scan3A_10 = scf.for %scan3A_87 = %scan3A_6 to %scan3A_8 step %scan3A_9 iter_args(%scan3A_88 = %scan3A) -> (i32)  : i32 {
      %jit3A = arith.constant 8 : i32
      %div3A = arith.divsi %scan3A_87, %jit3A : i32
      %sign3A = arith.constant 0 : i32
      %sign3A_89 = arith.cmpi sgt, %scan3A_87, %sign3A : i32
      %sign3A_90 = arith.extui %sign3A_89 : i1 to i32
      %sign3A_91 = arith.constant 0 : i32
      %sign3A_92 = arith.cmpi slt, %scan3A_87, %sign3A_91 : i32
      %sign3A_93 = arith.extui %sign3A_92 : i1 to i32
      %sign3A_94 = arith.subi %sign3A_90, %sign3A_93 : i32
      %sign3A_95 = arith.constant 0 : i32
      %sign3A_96 = arith.cmpi sgt, %jit3A, %sign3A_95 : i32
      %sign3A_97 = arith.extui %sign3A_96 : i1 to i32
      %sign3A_98 = arith.constant 0 : i32
      %sign3A_99 = arith.cmpi slt, %jit3A, %sign3A_98 : i32
      %sign3A_100 = arith.extui %sign3A_99 : i1 to i32
      %sign3A_101 = arith.subi %sign3A_97, %sign3A_100 : i32
      %ne3A = arith.cmpi ne, %sign3A_94, %sign3A_101 : i32
      %rem3A = arith.remsi %scan3A_87, %jit3A : i32
      %ne3A_102 = arith.constant 0 : i32
      %ne3A_103 = arith.cmpi ne, %rem3A, %ne3A_102 : i32
      %and3A = arith.andi %ne3A, %ne3A_103 : i1
      %sub3A = arith.constant 1 : i32
      %sub3A_104 = arith.subi %div3A, %sub3A : i32
      %select_n3A = arith.select %and3A, %sub3A_104, %div3A : i32
      %jit3A_105 = arith.constant 8 : i32
      %eq3A_106 = arith.constant 0 : i32
      %eq3A_107 = arith.cmpi eq, %jit3A_105, %eq3A_106 : i32
      %jit3A_108 = arith.constant 1 : i32
      %select_n3A_109 = arith.select %eq3A_107, %jit3A_108, %jit3A_105 : i32
      %rem3A_110 = arith.remsi %scan3A_87, %select_n3A_109 : i32
      %ne3A_111 = arith.constant 0 : i32
      %ne3A_112 = arith.cmpi ne, %rem3A_110, %ne3A_111 : i32
      %lt3A_113 = arith.constant 0 : i32
      %lt3A_114 = arith.cmpi slt, %rem3A_110, %lt3A_113 : i32
      %lt3A_115 = arith.constant 0 : i32
      %lt3A_116 = arith.cmpi slt, %select_n3A_109, %lt3A_115 : i32
      %ne3A_117 = arith.xori %lt3A_114, %lt3A_116 : i1
      %and3A_118 = arith.andi %ne3A_117, %ne3A_112 : i1
      %add3A_119 = arith.addi %rem3A_110, %select_n3A_109 : i32
      %select_n3A_120 = arith.select %and3A_118, %add3A_119, %rem3A_110 : i32
      %mul3A_121 = arith.constant 16 : i32
      %mul3A_122 = arith.muli %select_n3A_120, %mul3A_121 : i32
      %swap3A = arith.index_cast %select_n3A : i32 to index
      %swap3A_123 = arith.index_cast %mul3A_122 : i32 to index
      %swap3A_124 = tpu.vector_load %arg15[%swap3A, %swap3A_123] {strides = array<i32>} : memref<16x128xf32, #tpu.memory_space<vmem>>, vector<1x16xf32>,
      %swap3A_125 = vector.shape_cast %swap3A_124 : vector<1x16xf32> to vector<16xf32>
      %swap3A_126 = vector.shape_cast %broadcast_in_dim3A_3 : vector<16xf32> to vector<1x16xf32>
      tpu.vector_store %arg15[%swap3A, %swap3A_123], %swap3A_126 {strides = array<i32>} : memref<16x128xf32, #tpu.memory_space<vmem>>, vector<1x16xf32>,
      %scan3A_127 = arith.constant 0 : i32
      scf.yield %scan3A_127 : i32
    }
    %scan3A_11 = arith.constant 128 : i32
    %scan3A_12 = arith.constant 0 : i32
    %scan3A_13 = arith.constant 0 : i32
    %scan3A_14 = arith.constant 16 : i32
    %scan3A_15 = arith.addi %scan3A_13, %scan3A_14 : i32
    %scan3A_16 = arith.constant 1 : i32
    %scan3A_17 = scf.for %scan3A_87 = %scan3A_13 to %scan3A_15 step %scan3A_16 iter_args(%scan3A_88 = %scan3A_12) -> (i32)  : i32 {
      %jit3A = arith.constant 1 : i32
      %div3A = arith.divsi %scan3A_87, %jit3A : i32
      %sign3A = arith.constant 0 : i32
      %sign3A_89 = arith.cmpi sgt, %scan3A_87, %sign3A : i32
      %sign3A_90 = arith.extui %sign3A_89 : i1 to i32
      %sign3A_91 = arith.constant 0 : i32
      %sign3A_92 = arith.cmpi slt, %scan3A_87, %sign3A_91 : i32
      %sign3A_93 = arith.extui %sign3A_92 : i1 to i32
      %sign3A_94 = arith.subi %sign3A_90, %sign3A_93 : i32
      %sign3A_95 = arith.constant 0 : i32
      %sign3A_96 = arith.cmpi sgt, %jit3A, %sign3A_95 : i32
      %sign3A_97 = arith.extui %sign3A_96 : i1 to i32
      %sign3A_98 = arith.constant 0 : i32
      %sign3A_99 = arith.cmpi slt, %jit3A, %sign3A_98 : i32
      %sign3A_100 = arith.extui %sign3A_99 : i1 to i32
      %sign3A_101 = arith.subi %sign3A_97, %sign3A_100 : i32
      %ne3A = arith.cmpi ne, %sign3A_94, %sign3A_101 : i32
      %rem3A = arith.remsi %scan3A_87, %jit3A : i32
      %ne3A_102 = arith.constant 0 : i32
      %ne3A_103 = arith.cmpi ne, %rem3A, %ne3A_102 : i32
      %and3A = arith.andi %ne3A, %ne3A_103 : i1
      %sub3A = arith.constant 1 : i32
      %sub3A_104 = arith.subi %div3A, %sub3A : i32
      %select_n3A = arith.select %and3A, %sub3A_104, %div3A : i32
      %jit3A_105 = arith.constant 1 : i32
      %eq3A_106 = arith.constant 0 : i32
      %eq3A_107 = arith.cmpi eq, %jit3A_105, %eq3A_106 : i32
      %jit3A_108 = arith.constant 1 : i32
      %select_n3A_109 = arith.select %eq3A_107, %jit3A_108, %jit3A_105 : i32
      %rem3A_110 = arith.remsi %scan3A_87, %select_n3A_109 : i32
      %ne3A_111 = arith.constant 0 : i32
      %ne3A_112 = arith.cmpi ne, %rem3A_110, %ne3A_111 : i32
      %lt3A_113 = arith.constant 0 : i32
      %lt3A_114 = arith.cmpi slt, %rem3A_110, %lt3A_113 : i32
      %lt3A_115 = arith.constant 0 : i32
      %lt3A_116 = arith.cmpi slt, %select_n3A_109, %lt3A_115 : i32
      %ne3A_117 = arith.xori %lt3A_114, %lt3A_116 : i1
      %and3A_118 = arith.andi %ne3A_117, %ne3A_112 : i1
      %add3A_119 = arith.addi %rem3A_110, %select_n3A_109 : i32
      %select_n3A_120 = arith.select %and3A_118, %add3A_119, %rem3A_110 : i32
      %mul3A_121 = arith.constant 16 : i32
      %mul3A_122 = arith.muli %select_n3A_120, %mul3A_121 : i32
      %swap3A = arith.index_cast %select_n3A : i32 to index
      %swap3A_123 = arith.index_cast %mul3A_122 : i32 to index
      %swap3A_124 = tpu.vector_load %arg16[%swap3A, %swap3A_123] {strides = array<i32>} : memref<16x16xf32, #tpu.memory_space<vmem>>, vector<1x16xf32>,
      %swap3A_125 = vector.shape_cast %swap3A_124 : vector<1x16xf32> to vector<16xf32>
      %swap3A_126 = vector.shape_cast %broadcast_in_dim3A_3 : vector<16xf32> to vector<1x16xf32>
      tpu.vector_store %arg16[%swap3A, %swap3A_123], %swap3A_126 {strides = array<i32>} : memref<16x16xf32, #tpu.memory_space<vmem>>, vector<1x16xf32>,
      %scan3A_127 = arith.constant 0 : i32
      scf.yield %scan3A_127 : i32
    }
    %scan3A_18 = arith.constant 16 : i32
    %scan3A_19 = arith.constant 0 : i32
    %scan3A_20 = arith.constant 0 : i32
    %scan3A_21 = arith.constant 128 : i32
    %scan3A_22 = arith.addi %scan3A_20, %scan3A_21 : i32
    %scan3A_23 = arith.constant 1 : i32
    %scan3A_24 = scf.for %scan3A_87 = %scan3A_20 to %scan3A_22 step %scan3A_23 iter_args(%scan3A_88 = %scan3A_19) -> (i32)  : i32 {
      %jit3A = arith.constant 1 : i32
      %div3A = arith.divsi %scan3A_87, %jit3A : i32
      %sign3A = arith.constant 0 : i32
      %sign3A_89 = arith.cmpi sgt, %scan3A_87, %sign3A : i32
      %sign3A_90 = arith.extui %sign3A_89 : i1 to i32
      %sign3A_91 = arith.constant 0 : i32
      %sign3A_92 = arith.cmpi slt, %scan3A_87, %sign3A_91 : i32
      %sign3A_93 = arith.extui %sign3A_92 : i1 to i32
      %sign3A_94 = arith.subi %sign3A_90, %sign3A_93 : i32
      %sign3A_95 = arith.constant 0 : i32
      %sign3A_96 = arith.cmpi sgt, %jit3A, %sign3A_95 : i32
      %sign3A_97 = arith.extui %sign3A_96 : i1 to i32
      %sign3A_98 = arith.constant 0 : i32
      %sign3A_99 = arith.cmpi slt, %jit3A, %sign3A_98 : i32
      %sign3A_100 = arith.extui %sign3A_99 : i1 to i32
      %sign3A_101 = arith.subi %sign3A_97, %sign3A_100 : i32
      %ne3A = arith.cmpi ne, %sign3A_94, %sign3A_101 : i32
      %rem3A = arith.remsi %scan3A_87, %jit3A : i32
      %ne3A_102 = arith.constant 0 : i32
      %ne3A_103 = arith.cmpi ne, %rem3A, %ne3A_102 : i32
      %and3A = arith.andi %ne3A, %ne3A_103 : i1
      %sub3A = arith.constant 1 : i32
      %sub3A_104 = arith.subi %div3A, %sub3A : i32
      %select_n3A = arith.select %and3A, %sub3A_104, %div3A : i32
      %jit3A_105 = arith.constant 1 : i32
      %eq3A_106 = arith.constant 0 : i32
      %eq3A_107 = arith.cmpi eq, %jit3A_105, %eq3A_106 : i32
      %jit3A_108 = arith.constant 1 : i32
      %select_n3A_109 = arith.select %eq3A_107, %jit3A_108, %jit3A_105 : i32
      %rem3A_110 = arith.remsi %scan3A_87, %select_n3A_109 : i32
      %ne3A_111 = arith.constant 0 : i32
      %ne3A_112 = arith.cmpi ne, %rem3A_110, %ne3A_111 : i32
      %lt3A_113 = arith.constant 0 : i32
      %lt3A_114 = arith.cmpi slt, %rem3A_110, %lt3A_113 : i32
      %lt3A_115 = arith.constant 0 : i32
      %lt3A_116 = arith.cmpi slt, %select_n3A_109, %lt3A_115 : i32
      %ne3A_117 = arith.xori %lt3A_114, %lt3A_116 : i1
      %and3A_118 = arith.andi %ne3A_117, %ne3A_112 : i1
      %add3A_119 = arith.addi %rem3A_110, %select_n3A_109 : i32
      %select_n3A_120 = arith.select %and3A_118, %add3A_119, %rem3A_110 : i32
      %mul3A_121 = arith.constant 16 : i32
      %mul3A_122 = arith.muli %select_n3A_120, %mul3A_121 : i32
      %swap3A = arith.index_cast %select_n3A : i32 to index
      %swap3A_123 = arith.index_cast %mul3A_122 : i32 to index
      %swap3A_124 = tpu.vector_load %arg14[%swap3A, %swap3A_123] {strides = array<i32>} : memref<128x16xf32, #tpu.memory_space<vmem>>, vector<1x16xf32>,
      %swap3A_125 = vector.shape_cast %swap3A_124 : vector<1x16xf32> to vector<16xf32>
      %swap3A_126 = vector.shape_cast %broadcast_in_dim3A_5 : vector<16xf32> to vector<1x16xf32>
      tpu.vector_store %arg14[%swap3A, %swap3A_123], %swap3A_126 {strides = array<i32>} : memref<128x16xf32, #tpu.memory_space<vmem>>, vector<1x16xf32>,
      %scan3A_127 = arith.constant 0 : i32
      scf.yield %scan3A_127 : i32
    }
    %scan3A_25 = arith.constant 128 : i32
    %lt3A = arith.constant 15 : i32
    %lt3A_26 = arith.cmpi slt, %arg1, %lt3A : i32
    %convert_element_type3A = arith.extui %lt3A_26 : i1 to i32
    %cond3A = arith.constant 0 : i32
    %cond3A_27 = arith.cmpi ne, %convert_element_type3A, %cond3A : i32
    scf.if %cond3A_27 {
      %mul3A_87 = arith.constant 640 : i32
      %mul3A_88 = arith.muli %arg1, %mul3A_87 : i32
      %scan3A_89 = arith.constant 0 : i32
      %scan3A_90 = arith.constant 0 : i32
      %scan3A_91 = arith.constant 5 : i32
      %scan3A_92 = arith.addi %scan3A_90, %scan3A_91 : i32
      %scan3A_93 = arith.constant 1 : i32
      %scan3A_94 = scf.for %scan3A_96 = %scan3A_90 to %scan3A_92 step %scan3A_93 iter_args(%scan3A_97 = %scan3A_89) -> (i32)  : i32 {
        %mul3A_98 = arith.constant 8 : i32
        %mul3A_99 = arith.muli %scan3A_96, %mul3A_98 : i32
        %scan3A_100 = arith.constant 0 : i32
        %scan3A_101 = arith.constant 0 : i32
        %scan3A_102 = arith.constant 8 : i32
        %scan3A_103 = arith.addi %scan3A_101, %scan3A_102 : i32
        %scan3A_104 = arith.constant 1 : i32
        %scan3A_105 = scf.for %scan3A_115 = %scan3A_101 to %scan3A_103 step %scan3A_104 iter_args(%scan3A_116 = %scan3A_100) -> (i32)  : i32 {
          %add3A_117 = arith.addi %mul3A_99, %scan3A_115 : i32
          %mul3A_118 = arith.constant 16 : i32
          %mul3A_119 = arith.muli %add3A_117, %mul3A_118 : i32
          %add3A_120 = arith.addi %mul3A_88, %mul3A_119 : i32
          %dma_start3A_121 = arith.constant 0 : i32
          %dma_start3A_122 = tpu.memref_slice %arg6[%add3A_120, %dma_start3A_121] : memref<10000x128xf32, #tpu.memory_space<vmem_shared>> -> memref<16x128xf32, #tpu.memory_space<vmem_shared>>
          %dma_start3A_123 = arith.constant 0 : i32
          %dma_start3A_124 = tpu.memref_slice %arg6[%add3A_120, %dma_start3A_123] : memref<10000x128xf32, #tpu.memory_space<vmem_shared>> -> memref<16x128xf32, #tpu.memory_space<vmem_shared>>
          tpu.enqueue_dma source(%arg15 : memref<16x128xf32, #tpu.memory_space<vmem>>) target(%dma_start3A_124 : memref<16x128xf32, #tpu.memory_space<vmem_shared>>) target_semaphore(%arg25 : memref<!tpu.dma_semaphore, #tpu.memory_space<semaphore_mem>>)
          %dma_start3A_125 = arith.constant 0 : i32
          %dma_start3A_126 = tpu.memref_slice %arg7[%add3A_120, %dma_start3A_125] : memref<10000x16xf32, #tpu.memory_space<vmem_shared>> -> memref<16x16xf32, #tpu.memory_space<vmem_shared>>
          %dma_start3A_127 = arith.constant 0 : i32
          %dma_start3A_128 = tpu.memref_slice %arg7[%add3A_120, %dma_start3A_127] : memref<10000x16xf32, #tpu.memory_space<vmem_shared>> -> memref<16x16xf32, #tpu.memory_space<vmem_shared>>
          tpu.enqueue_dma source(%arg16 : memref<16x16xf32, #tpu.memory_space<vmem>>) target(%dma_start3A_128 : memref<16x16xf32, #tpu.memory_space<vmem_shared>>) target_semaphore(%arg25 : memref<!tpu.dma_semaphore, #tpu.memory_space<semaphore_mem>>)
          %scan3A_129 = arith.constant 0 : i32
          scf.yield %scan3A_129 : i32
        }
        %scan3A_106 = arith.constant 8 : i32
        %scan3A_107 = arith.constant 0 : i32
        %scan3A_108 = arith.constant 0 : i32
        %scan3A_109 = arith.constant 8 : i32
        %scan3A_110 = arith.addi %scan3A_108, %scan3A_109 : i32
        %scan3A_111 = arith.constant 1 : i32
        %scan3A_112 = scf.for %scan3A_115 = %scan3A_108 to %scan3A_110 step %scan3A_111 iter_args(%scan3A_116 = %scan3A_107) -> (i32)  : i32 {
          %add3A_117 = arith.addi %mul3A_99, %scan3A_115 : i32
          %mul3A_118 = arith.constant 16 : i32
          %mul3A_119 = arith.muli %add3A_117, %mul3A_118 : i32
          %add3A_120 = arith.addi %mul3A_88, %mul3A_119 : i32
          %dma_wait3A_121 = arith.constant 0 : i32
          %dma_wait3A_122 = tpu.memref_slice %arg6[%add3A_120, %dma_wait3A_121] : memref<10000x128xf32, #tpu.memory_space<vmem_shared>> -> memref<16x128xf32, #tpu.memory_space<vmem_shared>>
          %dma_wait3A_123 = arith.constant 0 : i32
          %dma_wait3A_124 = tpu.memref_slice %arg6[%add3A_120, %dma_wait3A_123] : memref<10000x128xf32, #tpu.memory_space<vmem_shared>> -> memref<16x128xf32, #tpu.memory_space<vmem_shared>>
          tpu.wait_dma2 semaphore(%arg25 : memref<!tpu.dma_semaphore, #tpu.memory_space<semaphore_mem>>) src(%arg15 : memref<16x128xf32, #tpu.memory_space<vmem>>) dst(%dma_wait3A_124 : memref<16x128xf32, #tpu.memory_space<vmem_shared>>)
          %dma_wait3A_125 = arith.constant 0 : i32
          %dma_wait3A_126 = tpu.memref_slice %arg7[%add3A_120, %dma_wait3A_125] : memref<10000x16xf32, #tpu.memory_space<vmem_shared>> -> memref<16x16xf32, #tpu.memory_space<vmem_shared>>
          %dma_wait3A_127 = arith.constant 0 : i32
          %dma_wait3A_128 = tpu.memref_slice %arg7[%add3A_120, %dma_wait3A_127] : memref<10000x16xf32, #tpu.memory_space<vmem_shared>> -> memref<16x16xf32, #tpu.memory_space<vmem_shared>>
          tpu.wait_dma2 semaphore(%arg25 : memref<!tpu.dma_semaphore, #tpu.memory_space<semaphore_mem>>) src(%arg16 : memref<16x16xf32, #tpu.memory_space<vmem>>) dst(%dma_wait3A_128 : memref<16x16xf32, #tpu.memory_space<vmem_shared>>)
          %scan3A_129 = arith.constant 0 : i32
          scf.yield %scan3A_129 : i32
        }
        %scan3A_113 = arith.constant 8 : i32
        %scan3A_114 = arith.constant 0 : i32
        scf.yield %scan3A_114 : i32
      }
      %scan3A_95 = arith.constant 5 : i32
    } else {
    }
    %eq3A = arith.constant 15 : i32
    %eq3A_28 = arith.cmpi eq, %arg1, %eq3A : i32
    %convert_element_type3A_29 = arith.extui %eq3A_28 : i1 to i32
    %cond3A_30 = arith.constant 0 : i32
    %cond3A_31 = arith.cmpi ne, %convert_element_type3A_29, %cond3A_30 : i32
    scf.if %cond3A_31 {
      %scan3A_87 = arith.constant 0 : i32
      %scan3A_88 = arith.constant 0 : i32
      %scan3A_89 = arith.constant 3 : i32
      %scan3A_90 = arith.addi %scan3A_88, %scan3A_89 : i32
      %scan3A_91 = arith.constant 1 : i32
      %scan3A_92 = scf.for %scan3A_94 = %scan3A_88 to %scan3A_90 step %scan3A_91 iter_args(%scan3A_95 = %scan3A_87) -> (i32)  : i32 {
        %mul3A_96 = arith.constant 8 : i32
        %mul3A_97 = arith.muli %scan3A_94, %mul3A_96 : i32
        %scan3A_98 = arith.constant 0 : i32
        %scan3A_99 = arith.constant 0 : i32
        %scan3A_100 = arith.constant 8 : i32
        %scan3A_101 = arith.addi %scan3A_99, %scan3A_100 : i32
        %scan3A_102 = arith.constant 1 : i32
        %scan3A_103 = scf.for %scan3A_113 = %scan3A_99 to %scan3A_101 step %scan3A_102 iter_args(%scan3A_114 = %scan3A_98) -> (i32)  : i32 {
          %add3A_115 = arith.addi %mul3A_97, %scan3A_113 : i32
          %mul3A_116 = arith.constant 16 : i32
          %mul3A_117 = arith.muli %add3A_115, %mul3A_116 : i32
          %add3A_118 = arith.constant 9600 : i32
          %add3A_119 = arith.addi %add3A_118, %mul3A_117 : i32
          %dma_start3A_120 = arith.constant 0 : i32
          %dma_start3A_121 = tpu.memref_slice %arg6[%add3A_119, %dma_start3A_120] : memref<10000x128xf32, #tpu.memory_space<vmem_shared>> -> memref<16x128xf32, #tpu.memory_space<vmem_shared>>
          %dma_start3A_122 = arith.constant 0 : i32
          %dma_start3A_123 = tpu.memref_slice %arg6[%add3A_119, %dma_start3A_122] : memref<10000x128xf32, #tpu.memory_space<vmem_shared>> -> memref<16x128xf32, #tpu.memory_space<vmem_shared>>
          tpu.enqueue_dma source(%arg15 : memref<16x128xf32, #tpu.memory_space<vmem>>) target(%dma_start3A_123 : memref<16x128xf32, #tpu.memory_space<vmem_shared>>) target_semaphore(%arg25 : memref<!tpu.dma_semaphore, #tpu.memory_space<semaphore_mem>>)
          %dma_start3A_124 = arith.constant 0 : i32
          %dma_start3A_125 = tpu.memref_slice %arg7[%add3A_119, %dma_start3A_124] : memref<10000x16xf32, #tpu.memory_space<vmem_shared>> -> memref<16x16xf32, #tpu.memory_space<vmem_shared>>
          %dma_start3A_126 = arith.constant 0 : i32
          %dma_start3A_127 = tpu.memref_slice %arg7[%add3A_119, %dma_start3A_126] : memref<10000x16xf32, #tpu.memory_space<vmem_shared>> -> memref<16x16xf32, #tpu.memory_space<vmem_shared>>
          tpu.enqueue_dma source(%arg16 : memref<16x16xf32, #tpu.memory_space<vmem>>) target(%dma_start3A_127 : memref<16x16xf32, #tpu.memory_space<vmem_shared>>) target_semaphore(%arg25 : memref<!tpu.dma_semaphore, #tpu.memory_space<semaphore_mem>>)
          %scan3A_128 = arith.constant 0 : i32
          scf.yield %scan3A_128 : i32
        }
        %scan3A_104 = arith.constant 8 : i32
        %scan3A_105 = arith.constant 0 : i32
        %scan3A_106 = arith.constant 0 : i32
        %scan3A_107 = arith.constant 8 : i32
        %scan3A_108 = arith.addi %scan3A_106, %scan3A_107 : i32
        %scan3A_109 = arith.constant 1 : i32
        %scan3A_110 = scf.for %scan3A_113 = %scan3A_106 to %scan3A_108 step %scan3A_109 iter_args(%scan3A_114 = %scan3A_105) -> (i32)  : i32 {
          %add3A_115 = arith.addi %mul3A_97, %scan3A_113 : i32
          %mul3A_116 = arith.constant 16 : i32
          %mul3A_117 = arith.muli %add3A_115, %mul3A_116 : i32
          %add3A_118 = arith.constant 9600 : i32
          %add3A_119 = arith.addi %add3A_118, %mul3A_117 : i32
          %dma_wait3A_120 = arith.constant 0 : i32
          %dma_wait3A_121 = tpu.memref_slice %arg6[%add3A_119, %dma_wait3A_120] : memref<10000x128xf32, #tpu.memory_space<vmem_shared>> -> memref<16x128xf32, #tpu.memory_space<vmem_shared>>
          %dma_wait3A_122 = arith.constant 0 : i32
          %dma_wait3A_123 = tpu.memref_slice %arg6[%add3A_119, %dma_wait3A_122] : memref<10000x128xf32, #tpu.memory_space<vmem_shared>> -> memref<16x128xf32, #tpu.memory_space<vmem_shared>>
          tpu.wait_dma2 semaphore(%arg25 : memref<!tpu.dma_semaphore, #tpu.memory_space<semaphore_mem>>) src(%arg15 : memref<16x128xf32, #tpu.memory_space<vmem>>) dst(%dma_wait3A_123 : memref<16x128xf32, #tpu.memory_space<vmem_shared>>)
          %dma_wait3A_124 = arith.constant 0 : i32
          %dma_wait3A_125 = tpu.memref_slice %arg7[%add3A_119, %dma_wait3A_124] : memref<10000x16xf32, #tpu.memory_space<vmem_shared>> -> memref<16x16xf32, #tpu.memory_space<vmem_shared>>
          %dma_wait3A_126 = arith.constant 0 : i32
          %dma_wait3A_127 = tpu.memref_slice %arg7[%add3A_119, %dma_wait3A_126] : memref<10000x16xf32, #tpu.memory_space<vmem_shared>> -> memref<16x16xf32, #tpu.memory_space<vmem_shared>>
          tpu.wait_dma2 semaphore(%arg25 : memref<!tpu.dma_semaphore, #tpu.memory_space<semaphore_mem>>) src(%arg16 : memref<16x16xf32, #tpu.memory_space<vmem>>) dst(%dma_wait3A_127 : memref<16x16xf32, #tpu.memory_space<vmem_shared>>)
          %scan3A_128 = arith.constant 0 : i32
          scf.yield %scan3A_128 : i32
        }
        %scan3A_111 = arith.constant 8 : i32
        %scan3A_112 = arith.constant 0 : i32
        scf.yield %scan3A_112 : i32
      }
      %scan3A_93 = arith.constant 3 : i32
      "tpu.region"() ({
        %run_scoped3A_94 = tpu.sem_alloc : memref<!tpu.dma_semaphore, #tpu.memory_space<semaphore_mem>>
        %dma_start3A_95 = arith.constant 9984 : i32
        %dma_start3A_96 = arith.constant 0 : i32
        %dma_start3A_97 = tpu.memref_slice %arg6[%dma_start3A_95, %dma_start3A_96] : memref<10000x128xf32, #tpu.memory_space<vmem_shared>> -> memref<16x128xf32, #tpu.memory_space<vmem_shared>>
        %dma_start3A_98 = arith.constant 9984 : i32
        %dma_start3A_99 = arith.constant 0 : i32
        %dma_start3A_100 = tpu.memref_slice %arg6[%dma_start3A_98, %dma_start3A_99] : memref<10000x128xf32, #tpu.memory_space<vmem_shared>> -> memref<16x128xf32, #tpu.memory_space<vmem_shared>>
        tpu.enqueue_dma source(%arg15 : memref<16x128xf32, #tpu.memory_space<vmem>>) target(%dma_start3A_100 : memref<16x128xf32, #tpu.memory_space<vmem_shared>>) target_semaphore(%run_scoped3A_94 : memref<!tpu.dma_semaphore, #tpu.memory_space<semaphore_mem>>)
        %dma_wait3A_101 = arith.constant 9984 : i32
        %dma_wait3A_102 = arith.constant 0 : i32
        %dma_wait3A_103 = tpu.memref_slice %arg6[%dma_wait3A_101, %dma_wait3A_102] : memref<10000x128xf32, #tpu.memory_space<vmem_shared>> -> memref<16x128xf32, #tpu.memory_space<vmem_shared>>
        %dma_wait3A_104 = arith.constant 9984 : i32
        %dma_wait3A_105 = arith.constant 0 : i32
        %dma_wait3A_106 = tpu.memref_slice %arg6[%dma_wait3A_104, %dma_wait3A_105] : memref<10000x128xf32, #tpu.memory_space<vmem_shared>> -> memref<16x128xf32, #tpu.memory_space<vmem_shared>>
        tpu.wait_dma2 semaphore(%run_scoped3A_94 : memref<!tpu.dma_semaphore, #tpu.memory_space<semaphore_mem>>) src(%arg15 : memref<16x128xf32, #tpu.memory_space<vmem>>) dst(%dma_wait3A_106 : memref<16x128xf32, #tpu.memory_space<vmem_shared>>)
        tpu.yield
      }) : () -> ()
      "tpu.region"() ({
        %run_scoped3A_94 = tpu.sem_alloc : memref<!tpu.dma_semaphore, #tpu.memory_space<semaphore_mem>>
        %dma_start3A_95 = arith.constant 9984 : i32
        %dma_start3A_96 = arith.constant 0 : i32
        %dma_start3A_97 = tpu.memref_slice %arg7[%dma_start3A_95, %dma_start3A_96] : memref<10000x16xf32, #tpu.memory_space<vmem_shared>> -> memref<16x16xf32, #tpu.memory_space<vmem_shared>>
        %dma_start3A_98 = arith.constant 9984 : i32
        %dma_start3A_99 = arith.constant 0 : i32
        %dma_start3A_100 = tpu.memref_slice %arg7[%dma_start3A_98, %dma_start3A_99] : memref<10000x16xf32, #tpu.memory_space<vmem_shared>> -> memref<16x16xf32, #tpu.memory_space<vmem_shared>>
        tpu.enqueue_dma source(%arg16 : memref<16x16xf32, #tpu.memory_space<vmem>>) target(%dma_start3A_100 : memref<16x16xf32, #tpu.memory_space<vmem_shared>>) target_semaphore(%run_scoped3A_94 : memref<!tpu.dma_semaphore, #tpu.memory_space<semaphore_mem>>)
        %dma_wait3A_101 = arith.constant 9984 : i32
        %dma_wait3A_102 = arith.constant 0 : i32
        %dma_wait3A_103 = tpu.memref_slice %arg7[%dma_wait3A_101, %dma_wait3A_102] : memref<10000x16xf32, #tpu.memory_space<vmem_shared>> -> memref<16x16xf32, #tpu.memory_space<vmem_shared>>
        %dma_wait3A_104 = arith.constant 9984 : i32
        %dma_wait3A_105 = arith.constant 0 : i32
        %dma_wait3A_106 = tpu.memref_slice %arg7[%dma_wait3A_104, %dma_wait3A_105] : memref<10000x16xf32, #tpu.memory_space<vmem_shared>> -> memref<16x16xf32, #tpu.memory_space<vmem_shared>>
        tpu.wait_dma2 semaphore(%run_scoped3A_94 : memref<!tpu.dma_semaphore, #tpu.memory_space<semaphore_mem>>) src(%arg16 : memref<16x16xf32, #tpu.memory_space<vmem>>) dst(%dma_wait3A_106 : memref<16x16xf32, #tpu.memory_space<vmem_shared>>)
        tpu.yield
      }) : () -> ()
    } else {
    }
    %barrier3A = arith.constant 0 : index
    tpu.barrier barrier_id(%barrier3A)
    %run_scoped3A = arith.constant 0 : i32
    "tpu.region"() ({
      %run_scoped3A_87 = tpu.sem_alloc : memref<!tpu.dma_semaphore, #tpu.memory_space<semaphore_mem>>
      %dma_start3A_88 = arith.constant 0 : i32
      %dma_start3A_89 = tpu.memref_slice %arg3[%run_scoped3A, %mul3A_2, %dma_start3A_88] : memref<2x2500x128xi32, #tpu.memory_space<hbm>> -> memref<1x1x128xi32, #tpu.memory_space<hbm>>
      %dma_start3A_90 = tpu.memref_squeeze %dma_start3A_89 : memref<1x1x128xi32, #tpu.memory_space<hbm>> -> memref<128xi32, #tpu.memory_space<hbm>>
      %dma_start3A_91 = arith.constant 0 : i32
      %dma_start3A_92 = tpu.memref_slice %arg3[%run_scoped3A, %mul3A_2, %dma_start3A_91] : memref<2x2500x128xi32, #tpu.memory_space<hbm>> -> memref<1x1x128xi32, #tpu.memory_space<hbm>>
      %dma_start3A_93 = tpu.memref_squeeze %dma_start3A_92 : memref<1x1x128xi32, #tpu.memory_space<hbm>> -> memref<128xi32, #tpu.memory_space<hbm>>
      tpu.enqueue_dma source(%dma_start3A_93 : memref<128xi32, #tpu.memory_space<hbm>>) target(%arg8 : memref<128xi32, #tpu.memory_space<vmem>>) target_semaphore(%run_scoped3A_87 : memref<!tpu.dma_semaphore, #tpu.memory_space<semaphore_mem>>)
      %dma_wait3A_94 = arith.constant 0 : i32
      %dma_wait3A_95 = tpu.memref_slice %arg3[%run_scoped3A, %mul3A_2, %dma_wait3A_94] : memref<2x2500x128xi32, #tpu.memory_space<hbm>> -> memref<1x1x128xi32, #tpu.memory_space<hbm>>
      %dma_wait3A_96 = tpu.memref_squeeze %dma_wait3A_95 : memref<1x1x128xi32, #tpu.memory_space<hbm>> -> memref<128xi32, #tpu.memory_space<hbm>>
      %dma_wait3A_97 = arith.constant 0 : i32
      %dma_wait3A_98 = tpu.memref_slice %arg3[%run_scoped3A, %mul3A_2, %dma_wait3A_97] : memref<2x2500x128xi32, #tpu.memory_space<hbm>> -> memref<1x1x128xi32, #tpu.memory_space<hbm>>
      %dma_wait3A_99 = tpu.memref_squeeze %dma_wait3A_98 : memref<1x1x128xi32, #tpu.memory_space<hbm>> -> memref<128xi32, #tpu.memory_space<hbm>>
      tpu.wait_dma2 semaphore(%run_scoped3A_87 : memref<!tpu.dma_semaphore, #tpu.memory_space<semaphore_mem>>) src(%dma_wait3A_99 : memref<128xi32, #tpu.memory_space<hbm>>) dst(%arg8 : memref<128xi32, #tpu.memory_space<vmem>>)
      tpu.yield
    }) : () -> ()
    %dma_start3A = arith.constant 0 : i32
    %dma_start3A_32 = arith.constant 0 : i32
    %dma_start3A_33 = tpu.memref_slice %arg2[%dma_start3A, %dma_start3A_32] : memref<10000x128xf32, #tpu.memory_space<hbm>> -> memref<10000x128xf32, #tpu.memory_space<hbm>>
    tpu.enqueue_indirect_dma source(%dma_start3A_33 : memref<10000x128xf32, #tpu.memory_space<hbm>>) target(%arg12 : memref<128x128xf32, #tpu.memory_space<vmem>>) offsets(%arg8 : memref<128xi32, #tpu.memory_space<vmem>>) semaphore(%arg17 : memref<!tpu.dma_semaphore, #tpu.memory_space<semaphore_mem>>)
    %dma_start3A_34 = arith.constant 1 : i32
    %dma_start3A_35 = arith.constant 0 : i32
    %dma_start3A_36 = tpu.memref_slice %arg3[%dma_start3A_34, %mul3A_2, %dma_start3A_35] : memref<2x2500x128xi32, #tpu.memory_space<hbm>> -> memref<1x1x128xi32, #tpu.memory_space<hbm>>
    %dma_start3A_37 = tpu.memref_squeeze %dma_start3A_36 : memref<1x1x128xi32, #tpu.memory_space<hbm>> -> memref<128xi32, #tpu.memory_space<hbm>>
    %dma_start3A_38 = arith.constant 0 : i32
    %dma_start3A_39 = tpu.memref_slice %arg3[%dma_start3A_34, %mul3A_2, %dma_start3A_38] : memref<2x2500x128xi32, #tpu.memory_space<hbm>> -> memref<1x1x128xi32, #tpu.memory_space<hbm>>
    %dma_start3A_40 = tpu.memref_squeeze %dma_start3A_39 : memref<1x1x128xi32, #tpu.memory_space<hbm>> -> memref<128xi32, #tpu.memory_space<hbm>>
    tpu.enqueue_dma source(%dma_start3A_40 : memref<128xi32, #tpu.memory_space<hbm>>) target(%arg10 : memref<128xi32, #tpu.memory_space<vmem>>) target_semaphore(%arg23 : memref<!tpu.dma_semaphore, #tpu.memory_space<semaphore_mem>>)
    %add3A_41 = arith.constant 1 : i32
    %add3A_42 = arith.addi %mul3A_2, %add3A_41 : i32
    %dma_start3A_43 = arith.constant 0 : i32
    %dma_start3A_44 = arith.constant 0 : i32
    %dma_start3A_45 = tpu.memref_slice %arg3[%dma_start3A_43, %add3A_42, %dma_start3A_44] : memref<2x2500x128xi32, #tpu.memory_space<hbm>> -> memref<1x1x128xi32, #tpu.memory_space<hbm>>
    %dma_start3A_46 = tpu.memref_squeeze %dma_start3A_45 : memref<1x1x128xi32, #tpu.memory_space<hbm>> -> memref<128xi32, #tpu.memory_space<hbm>>
    %dma_start3A_47 = arith.constant 0 : i32
    %dma_start3A_48 = tpu.memref_slice %arg3[%dma_start3A_43, %add3A_42, %dma_start3A_47] : memref<2x2500x128xi32, #tpu.memory_space<hbm>> -> memref<1x1x128xi32, #tpu.memory_space<hbm>>
    %dma_start3A_49 = tpu.memref_squeeze %dma_start3A_48 : memref<1x1x128xi32, #tpu.memory_space<hbm>> -> memref<128xi32, #tpu.memory_space<hbm>>
    tpu.enqueue_dma source(%dma_start3A_49 : memref<128xi32, #tpu.memory_space<hbm>>) target(%arg9 : memref<128xi32, #tpu.memory_space<vmem>>) target_semaphore(%arg22 : memref<!tpu.dma_semaphore, #tpu.memory_space<semaphore_mem>>)
    %add3A_50 = arith.constant 1 : i32
    %add3A_51 = arith.addi %mul3A_2, %add3A_50 : i32
    %dma_start3A_52 = arith.constant 1 : i32
    %dma_start3A_53 = arith.constant 0 : i32
    %dma_start3A_54 = tpu.memref_slice %arg3[%dma_start3A_52, %add3A_51, %dma_start3A_53] : memref<2x2500x128xi32, #tpu.memory_space<hbm>> -> memref<1x1x128xi32, #tpu.memory_space<hbm>>
    %dma_start3A_55 = tpu.memref_squeeze %dma_start3A_54 : memref<1x1x128xi32, #tpu.memory_space<hbm>> -> memref<128xi32, #tpu.memory_space<hbm>>
    %dma_start3A_56 = arith.constant 0 : i32
    %dma_start3A_57 = tpu.memref_slice %arg3[%dma_start3A_52, %add3A_51, %dma_start3A_56] : memref<2x2500x128xi32, #tpu.memory_space<hbm>> -> memref<1x1x128xi32, #tpu.memory_space<hbm>>
    %dma_start3A_58 = tpu.memref_squeeze %dma_start3A_57 : memref<1x1x128xi32, #tpu.memory_space<hbm>> -> memref<128xi32, #tpu.memory_space<hbm>>
    tpu.enqueue_dma source(%dma_start3A_58 : memref<128xi32, #tpu.memory_space<hbm>>) target(%arg11 : memref<128xi32, #tpu.memory_space<vmem>>) target_semaphore(%arg24 : memref<!tpu.dma_semaphore, #tpu.memory_space<semaphore_mem>>)
    %scan3A_59 = arith.constant 0 : i32
    %scan3A_60 = arith.constant 0 : i32
    %scan3A_61 = arith.constant 39 : i32
    %scan3A_62 = arith.addi %scan3A_60, %scan3A_61 : i32
    %scan3A_63 = arith.constant 1 : i32
    %scan3A_64 = scf.for %scan3A_87 = %scan3A_60 to %scan3A_62 step %scan3A_63 iter_args(%scan3A_88 = %scan3A_59) -> (i32)  : i32 {
      %mul3A_89 = arith.constant 2 : i32
      %mul3A_90 = arith.muli %mul3A_89, %scan3A_87 : i32
      %dma_wait3A_91 = arith.constant 0 : i32
      %dma_wait3A_92 = arith.constant 0 : i32
      %dma_wait3A_93 = tpu.memref_slice %arg2[%dma_wait3A_91, %dma_wait3A_92] : memref<10000x128xf32, #tpu.memory_space<hbm>> -> memref<10000x128xf32, #tpu.memory_space<hbm>>
      tpu.wait_indirect_dma semaphore(%arg17 : memref<!tpu.dma_semaphore, #tpu.memory_space<semaphore_mem>>) src(%dma_wait3A_93 : memref<10000x128xf32, #tpu.memory_space<hbm>>) dst(%arg12 : memref<128x128xf32, #tpu.memory_space<vmem>>)
      %add3A_94 = arith.constant 2 : i32
      %add3A_95 = arith.addi %mul3A_90, %add3A_94 : i32
      %lt3A_96 = arith.constant 78 : i32
      %lt3A_97 = arith.cmpi slt, %add3A_95, %lt3A_96 : i32
      %convert_element_type3A_98 = arith.extui %lt3A_97 : i1 to i32
      %cond3A_99 = arith.constant 0 : i32
      %cond3A_100 = arith.cmpi ne, %convert_element_type3A_98, %cond3A_99 : i32
      scf.if %cond3A_100 {
        %add3A_172 = arith.addi %mul3A_2, %mul3A_90 : i32
        %add3A_173 = arith.constant 2 : i32
        %add3A_174 = arith.addi %add3A_172, %add3A_173 : i32
        %dma_start3A_175 = arith.constant 0 : i32
        %dma_start3A_176 = arith.constant 0 : i32
        %dma_start3A_177 = tpu.memref_slice %arg3[%dma_start3A_175, %add3A_174, %dma_start3A_176] : memref<2x2500x128xi32, #tpu.memory_space<hbm>> -> memref<1x1x128xi32, #tpu.memory_space<hbm>>
        %dma_start3A_178 = tpu.memref_squeeze %dma_start3A_177 : memref<1x1x128xi32, #tpu.memory_space<hbm>> -> memref<128xi32, #tpu.memory_space<hbm>>
        %dma_start3A_179 = arith.constant 0 : i32
        %dma_start3A_180 = tpu.memref_slice %arg3[%dma_start3A_175, %add3A_174, %dma_start3A_179] : memref<2x2500x128xi32, #tpu.memory_space<hbm>> -> memref<1x1x128xi32, #tpu.memory_space<hbm>>
        %dma_start3A_181 = tpu.memref_squeeze %dma_start3A_180 : memref<1x1x128xi32, #tpu.memory_space<hbm>> -> memref<128xi32, #tpu.memory_space<hbm>>
        tpu.enqueue_dma source(%dma_start3A_181 : memref<128xi32, #tpu.memory_space<hbm>>) target(%arg8 : memref<128xi32, #tpu.memory_space<vmem>>) target_semaphore(%arg21 : memref<!tpu.dma_semaphore, #tpu.memory_space<semaphore_mem>>)
      } else {
      }
      %add3A_101 = arith.addi %mul3A_2, %mul3A_90 : i32
      %dma_wait3A_102 = arith.constant 1 : i32
      %dma_wait3A_103 = arith.constant 0 : i32
      %dma_wait3A_104 = tpu.memref_slice %arg3[%dma_wait3A_102, %add3A_101, %dma_wait3A_103] : memref<2x2500x128xi32, #tpu.memory_space<hbm>> -> memref<1x1x128xi32, #tpu.memory_space<hbm>>
      %dma_wait3A_105 = tpu.memref_squeeze %dma_wait3A_104 : memref<1x1x128xi32, #tpu.memory_space<hbm>> -> memref<128xi32, #tpu.memory_space<hbm>>
      %dma_wait3A_106 = arith.constant 0 : i32
      %dma_wait3A_107 = tpu.memref_slice %arg3[%dma_wait3A_102, %add3A_101, %dma_wait3A_106] : memref<2x2500x128xi32, #tpu.memory_space<hbm>> -> memref<1x1x128xi32, #tpu.memory_space<hbm>>
      %dma_wait3A_108 = tpu.memref_squeeze %dma_wait3A_107 : memref<1x1x128xi32, #tpu.memory_space<hbm>> -> memref<128xi32, #tpu.memory_space<hbm>>
      tpu.wait_dma2 semaphore(%arg23 : memref<!tpu.dma_semaphore, #tpu.memory_space<semaphore_mem>>) src(%dma_wait3A_108 : memref<128xi32, #tpu.memory_space<hbm>>) dst(%arg10 : memref<128xi32, #tpu.memory_space<vmem>>)
      %dma_start3A_109 = arith.constant 0 : i32
      %dma_start3A_110 = arith.constant 0 : i32
      %dma_start3A_111 = tpu.memref_slice %arg6[%dma_start3A_109, %dma_start3A_110] : memref<10000x128xf32, #tpu.memory_space<vmem_shared>> -> memref<10000x128xf32, #tpu.memory_space<vmem_shared>>
      tpu.enqueue_indirect_dma source(%arg12 : memref<128x128xf32, #tpu.memory_space<vmem>>) target(%dma_start3A_111 : memref<10000x128xf32, #tpu.memory_space<vmem_shared>>) offsets(%arg10 : memref<128xi32, #tpu.memory_space<vmem>>) semaphore(%arg19 : memref<!tpu.dma_semaphore, #tpu.memory_space<semaphore_mem>>) {add = true}
      %dma_start3A_112 = arith.constant 0 : i32
      %dma_start3A_113 = arith.constant 0 : i32
      %dma_start3A_114 = tpu.memref_slice %arg7[%dma_start3A_112, %dma_start3A_113] : memref<10000x16xf32, #tpu.memory_space<vmem_shared>> -> memref<10000x16xf32, #tpu.memory_space<vmem_shared>>
      tpu.enqueue_indirect_dma source(%arg14 : memref<128x16xf32, #tpu.memory_space<vmem>>) target(%dma_start3A_114 : memref<10000x16xf32, #tpu.memory_space<vmem_shared>>) offsets(%arg10 : memref<128xi32, #tpu.memory_space<vmem>>) semaphore(%arg19 : memref<!tpu.dma_semaphore, #tpu.memory_space<semaphore_mem>>) {add = true}
      %add3A_115 = arith.addi %mul3A_2, %mul3A_90 : i32
      %add3A_116 = arith.constant 1 : i32
      %add3A_117 = arith.addi %add3A_115, %add3A_116 : i32
      %dma_wait3A_118 = arith.constant 0 : i32
      %dma_wait3A_119 = arith.constant 0 : i32
      %dma_wait3A_120 = tpu.memref_slice %arg3[%dma_wait3A_118, %add3A_117, %dma_wait3A_119] : memref<2x2500x128xi32, #tpu.memory_space<hbm>> -> memref<1x1x128xi32, #tpu.memory_space<hbm>>
      %dma_wait3A_121 = tpu.memref_squeeze %dma_wait3A_120 : memref<1x1x128xi32, #tpu.memory_space<hbm>> -> memref<128xi32, #tpu.memory_space<hbm>>
      %dma_wait3A_122 = arith.constant 0 : i32
      %dma_wait3A_123 = tpu.memref_slice %arg3[%dma_wait3A_118, %add3A_117, %dma_wait3A_122] : memref<2x2500x128xi32, #tpu.memory_space<hbm>> -> memref<1x1x128xi32, #tpu.memory_space<hbm>>
      %dma_wait3A_124 = tpu.memref_squeeze %dma_wait3A_123 : memref<1x1x128xi32, #tpu.memory_space<hbm>> -> memref<128xi32, #tpu.memory_space<hbm>>
      tpu.wait_dma2 semaphore(%arg22 : memref<!tpu.dma_semaphore, #tpu.memory_space<semaphore_mem>>) src(%dma_wait3A_124 : memref<128xi32, #tpu.memory_space<hbm>>) dst(%arg9 : memref<128xi32, #tpu.memory_space<vmem>>)
      %gt3A = arith.constant 0 : i32
      %gt3A_125 = arith.cmpi sgt, %scan3A_87, %gt3A : i32
      %convert_element_type3A_126 = arith.extui %gt3A_125 : i1 to i32
      %cond3A_127 = arith.constant 0 : i32
      %cond3A_128 = arith.cmpi ne, %convert_element_type3A_126, %cond3A_127 : i32
      scf.if %cond3A_128 {
        %dma_wait3A_172 = arith.constant 0 : i32
        %dma_wait3A_173 = arith.constant 0 : i32
        %dma_wait3A_174 = tpu.memref_slice %arg6[%dma_wait3A_172, %dma_wait3A_173] : memref<10000x128xf32, #tpu.memory_space<vmem_shared>> -> memref<10000x128xf32, #tpu.memory_space<vmem_shared>>
        tpu.wait_indirect_dma semaphore(%arg20 : memref<!tpu.dma_semaphore, #tpu.memory_space<semaphore_mem>>) src(%arg13 : memref<128x128xf32, #tpu.memory_space<vmem>>) dst(%dma_wait3A_174 : memref<10000x128xf32, #tpu.memory_space<vmem_shared>>)
        %dma_wait3A_175 = arith.constant 0 : i32
        %dma_wait3A_176 = arith.constant 0 : i32
        %dma_wait3A_177 = tpu.memref_slice %arg7[%dma_wait3A_175, %dma_wait3A_176] : memref<10000x16xf32, #tpu.memory_space<vmem_shared>> -> memref<10000x16xf32, #tpu.memory_space<vmem_shared>>
        tpu.wait_indirect_dma semaphore(%arg20 : memref<!tpu.dma_semaphore, #tpu.memory_space<semaphore_mem>>) src(%arg14 : memref<128x16xf32, #tpu.memory_space<vmem>>) dst(%dma_wait3A_177 : memref<10000x16xf32, #tpu.memory_space<vmem_shared>>)
        %add3A_178 = arith.addi %mul3A_2, %mul3A_90 : i32
        %add3A_179 = arith.constant 1 : i32
        %add3A_180 = arith.addi %add3A_178, %add3A_179 : i32
        %dma_start3A_181 = arith.constant 1 : i32
        %dma_start3A_182 = arith.constant 0 : i32
        %dma_start3A_183 = tpu.memref_slice %arg3[%dma_start3A_181, %add3A_180, %dma_start3A_182] : memref<2x2500x128xi32, #tpu.memory_space<hbm>> -> memref<1x1x128xi32, #tpu.memory_space<hbm>>
        %dma_start3A_184 = tpu.memref_squeeze %dma_start3A_183 : memref<1x1x128xi32, #tpu.memory_space<hbm>> -> memref<128xi32, #tpu.memory_space<hbm>>
        %dma_start3A_185 = arith.constant 0 : i32
        %dma_start3A_186 = tpu.memref_slice %arg3[%dma_start3A_181, %add3A_180, %dma_start3A_185] : memref<2x2500x128xi32, #tpu.memory_space<hbm>> -> memref<1x1x128xi32, #tpu.memory_space<hbm>>
        %dma_start3A_187 = tpu.memref_squeeze %dma_start3A_186 : memref<1x1x128xi32, #tpu.memory_space<hbm>> -> memref<128xi32, #tpu.memory_space<hbm>>
        tpu.enqueue_dma source(%dma_start3A_187 : memref<128xi32, #tpu.memory_space<hbm>>) target(%arg11 : memref<128xi32, #tpu.memory_space<vmem>>) target_semaphore(%arg24 : memref<!tpu.dma_semaphore, #tpu.memory_space<semaphore_mem>>)
      } else {
      }
      %dma_start3A_129 = arith.constant 0 : i32
      %dma_start3A_130 = arith.constant 0 : i32
      %dma_start3A_131 = tpu.memref_slice %arg2[%dma_start3A_129, %dma_start3A_130] : memref<10000x128xf32, #tpu.memory_space<hbm>> -> memref<10000x128xf32, #tpu.memory_space<hbm>>
      tpu.enqueue_indirect_dma source(%dma_start3A_131 : memref<10000x128xf32, #tpu.memory_space<hbm>>) target(%arg13 : memref<128x128xf32, #tpu.memory_space<vmem>>) offsets(%arg9 : memref<128xi32, #tpu.memory_space<vmem>>) semaphore(%arg18 : memref<!tpu.dma_semaphore, #tpu.memory_space<semaphore_mem>>)
      %dma_wait3A_132 = arith.constant 0 : i32
      %dma_wait3A_133 = arith.constant 0 : i32
      %dma_wait3A_134 = tpu.memref_slice %arg6[%dma_wait3A_132, %dma_wait3A_133] : memref<10000x128xf32, #tpu.memory_space<vmem_shared>> -> memref<10000x128xf32, #tpu.memory_space<vmem_shared>>
      tpu.wait_indirect_dma semaphore(%arg19 : memref<!tpu.dma_semaphore, #tpu.memory_space<semaphore_mem>>) src(%arg12 : memref<128x128xf32, #tpu.memory_space<vmem>>) dst(%dma_wait3A_134 : memref<10000x128xf32, #tpu.memory_space<vmem_shared>>)
      %dma_wait3A_135 = arith.constant 0 : i32
      %dma_wait3A_136 = arith.constant 0 : i32
      %dma_wait3A_137 = tpu.memref_slice %arg7[%dma_wait3A_135, %dma_wait3A_136] : memref<10000x16xf32, #tpu.memory_space<vmem_shared>> -> memref<10000x16xf32, #tpu.memory_space<vmem_shared>>
      tpu.wait_indirect_dma semaphore(%arg19 : memref<!tpu.dma_semaphore, #tpu.memory_space<semaphore_mem>>) src(%arg14 : memref<128x16xf32, #tpu.memory_space<vmem>>) dst(%dma_wait3A_137 : memref<10000x16xf32, #tpu.memory_space<vmem_shared>>)
      %add3A_138 = arith.constant 2 : i32
      %add3A_139 = arith.addi %mul3A_90, %add3A_138 : i32
      %lt3A_140 = arith.constant 78 : i32
      %lt3A_141 = arith.cmpi slt, %add3A_139, %lt3A_140 : i32
      %convert_element_type3A_142 = arith.extui %lt3A_141 : i1 to i32
      %cond3A_143 = arith.constant 0 : i32
      %cond3A_144 = arith.cmpi ne, %convert_element_type3A_142, %cond3A_143 : i32
      scf.if %cond3A_144 {
        %add3A_172 = arith.addi %mul3A_2, %mul3A_90 : i32
        %add3A_173 = arith.constant 2 : i32
        %add3A_174 = arith.addi %add3A_172, %add3A_173 : i32
        %dma_start3A_175 = arith.constant 1 : i32
        %dma_start3A_176 = arith.constant 0 : i32
        %dma_start3A_177 = tpu.memref_slice %arg3[%dma_start3A_175, %add3A_174, %dma_start3A_176] : memref<2x2500x128xi32, #tpu.memory_space<hbm>> -> memref<1x1x128xi32, #tpu.memory_space<hbm>>
        %dma_start3A_178 = tpu.memref_squeeze %dma_start3A_177 : memref<1x1x128xi32, #tpu.memory_space<hbm>> -> memref<128xi32, #tpu.memory_space<hbm>>
        %dma_start3A_179 = arith.constant 0 : i32
        %dma_start3A_180 = tpu.memref_slice %arg3[%dma_start3A_175, %add3A_174, %dma_start3A_179] : memref<2x2500x128xi32, #tpu.memory_space<hbm>> -> memref<1x1x128xi32, #tpu.memory_space<hbm>>
        %dma_start3A_181 = tpu.memref_squeeze %dma_start3A_180 : memref<1x1x128xi32, #tpu.memory_space<hbm>> -> memref<128xi32, #tpu.memory_space<hbm>>
        tpu.enqueue_dma source(%dma_start3A_181 : memref<128xi32, #tpu.memory_space<hbm>>) target(%arg10 : memref<128xi32, #tpu.memory_space<vmem>>) target_semaphore(%arg23 : memref<!tpu.dma_semaphore, #tpu.memory_space<semaphore_mem>>)
        %add3A_182 = arith.addi %mul3A_2, %mul3A_90 : i32
        %add3A_183 = arith.constant 2 : i32
        %add3A_184 = arith.addi %add3A_182, %add3A_183 : i32
        %dma_wait3A_185 = arith.constant 0 : i32
        %dma_wait3A_186 = arith.constant 0 : i32
        %dma_wait3A_187 = tpu.memref_slice %arg3[%dma_wait3A_185, %add3A_184, %dma_wait3A_186] : memref<2x2500x128xi32, #tpu.memory_space<hbm>> -> memref<1x1x128xi32, #tpu.memory_space<hbm>>
        %dma_wait3A_188 = tpu.memref_squeeze %dma_wait3A_187 : memref<1x1x128xi32, #tpu.memory_space<hbm>> -> memref<128xi32, #tpu.memory_space<hbm>>
        %dma_wait3A_189 = arith.constant 0 : i32
        %dma_wait3A_190 = tpu.memref_slice %arg3[%dma_wait3A_185, %add3A_184, %dma_wait3A_189] : memref<2x2500x128xi32, #tpu.memory_space<hbm>> -> memref<1x1x128xi32, #tpu.memory_space<hbm>>
        %dma_wait3A_191 = tpu.memref_squeeze %dma_wait3A_190 : memref<1x1x128xi32, #tpu.memory_space<hbm>> -> memref<128xi32, #tpu.memory_space<hbm>>
        tpu.wait_dma2 semaphore(%arg21 : memref<!tpu.dma_semaphore, #tpu.memory_space<semaphore_mem>>) src(%dma_wait3A_191 : memref<128xi32, #tpu.memory_space<hbm>>) dst(%arg8 : memref<128xi32, #tpu.memory_space<vmem>>)
        %dma_start3A_192 = arith.constant 0 : i32
        %dma_start3A_193 = arith.constant 0 : i32
        %dma_start3A_194 = tpu.memref_slice %arg2[%dma_start3A_192, %dma_start3A_193] : memref<10000x128xf32, #tpu.memory_space<hbm>> -> memref<10000x128xf32, #tpu.memory_space<hbm>>
        tpu.enqueue_indirect_dma source(%dma_start3A_194 : memref<10000x128xf32, #tpu.memory_space<hbm>>) target(%arg12 : memref<128x128xf32, #tpu.memory_space<vmem>>) offsets(%arg8 : memref<128xi32, #tpu.memory_space<vmem>>) semaphore(%arg17 : memref<!tpu.dma_semaphore, #tpu.memory_space<semaphore_mem>>)
      } else {
      }
      %dma_wait3A_145 = arith.constant 0 : i32
      %dma_wait3A_146 = arith.constant 0 : i32
      %dma_wait3A_147 = tpu.memref_slice %arg2[%dma_wait3A_145, %dma_wait3A_146] : memref<10000x128xf32, #tpu.memory_space<hbm>> -> memref<10000x128xf32, #tpu.memory_space<hbm>>
      tpu.wait_indirect_dma semaphore(%arg18 : memref<!tpu.dma_semaphore, #tpu.memory_space<semaphore_mem>>) src(%dma_wait3A_147 : memref<10000x128xf32, #tpu.memory_space<hbm>>) dst(%arg13 : memref<128x128xf32, #tpu.memory_space<vmem>>)
      %add3A_148 = arith.constant 3 : i32
      %add3A_149 = arith.addi %mul3A_90, %add3A_148 : i32
      %lt3A_150 = arith.constant 78 : i32
      %lt3A_151 = arith.cmpi slt, %add3A_149, %lt3A_150 : i32
      %convert_element_type3A_152 = arith.extui %lt3A_151 : i1 to i32
      %cond3A_153 = arith.constant 0 : i32
      %cond3A_154 = arith.cmpi ne, %convert_element_type3A_152, %cond3A_153 : i32
      scf.if %cond3A_154 {
        %add3A_172 = arith.addi %mul3A_2, %mul3A_90 : i32
        %add3A_173 = arith.constant 3 : i32
        %add3A_174 = arith.addi %add3A_172, %add3A_173 : i32
        %dma_start3A_175 = arith.constant 0 : i32
        %dma_start3A_176 = arith.constant 0 : i32
        %dma_start3A_177 = tpu.memref_slice %arg3[%dma_start3A_175, %add3A_174, %dma_start3A_176] : memref<2x2500x128xi32, #tpu.memory_space<hbm>> -> memref<1x1x128xi32, #tpu.memory_space<hbm>>
        %dma_start3A_178 = tpu.memref_squeeze %dma_start3A_177 : memref<1x1x128xi32, #tpu.memory_space<hbm>> -> memref<128xi32, #tpu.memory_space<hbm>>
        %dma_start3A_179 = arith.constant 0 : i32
        %dma_start3A_180 = tpu.memref_slice %arg3[%dma_start3A_175, %add3A_174, %dma_start3A_179] : memref<2x2500x128xi32, #tpu.memory_space<hbm>> -> memref<1x1x128xi32, #tpu.memory_space<hbm>>
        %dma_start3A_181 = tpu.memref_squeeze %dma_start3A_180 : memref<1x1x128xi32, #tpu.memory_space<hbm>> -> memref<128xi32, #tpu.memory_space<hbm>>
        tpu.enqueue_dma source(%dma_start3A_181 : memref<128xi32, #tpu.memory_space<hbm>>) target(%arg9 : memref<128xi32, #tpu.memory_space<vmem>>) target_semaphore(%arg22 : memref<!tpu.dma_semaphore, #tpu.memory_space<semaphore_mem>>)
      } else {
      }
      %add3A_155 = arith.addi %mul3A_2, %mul3A_90 : i32
      %add3A_156 = arith.constant 1 : i32
      %add3A_157 = arith.addi %add3A_155, %add3A_156 : i32
      %dma_wait3A_158 = arith.constant 1 : i32
      %dma_wait3A_159 = arith.constant 0 : i32
      %dma_wait3A_160 = tpu.memref_slice %arg3[%dma_wait3A_158, %add3A_157, %dma_wait3A_159] : memref<2x2500x128xi32, #tpu.memory_space<hbm>> -> memref<1x1x128xi32, #tpu.memory_space<hbm>>
      %dma_wait3A_161 = tpu.memref_squeeze %dma_wait3A_160 : memref<1x1x128xi32, #tpu.memory_space<hbm>> -> memref<128xi32, #tpu.memory_space<hbm>>
      %dma_wait3A_162 = arith.constant 0 : i32
      %dma_wait3A_163 = tpu.memref_slice %arg3[%dma_wait3A_158, %add3A_157, %dma_wait3A_162] : memref<2x2500x128xi32, #tpu.memory_space<hbm>> -> memref<1x1x128xi32, #tpu.memory_space<hbm>>
      %dma_wait3A_164 = tpu.memref_squeeze %dma_wait3A_163 : memref<1x1x128xi32, #tpu.memory_space<hbm>> -> memref<128xi32, #tpu.memory_space<hbm>>
      tpu.wait_dma2 semaphore(%arg24 : memref<!tpu.dma_semaphore, #tpu.memory_space<semaphore_mem>>) src(%dma_wait3A_164 : memref<128xi32, #tpu.memory_space<hbm>>) dst(%arg11 : memref<128xi32, #tpu.memory_space<vmem>>)
      %dma_start3A_165 = arith.constant 0 : i32
      %dma_start3A_166 = arith.constant 0 : i32
      %dma_start3A_167 = tpu.memref_slice %arg6[%dma_start3A_165, %dma_start3A_166] : memref<10000x128xf32, #tpu.memory_space<vmem_shared>> -> memref<10000x128xf32, #tpu.memory_space<vmem_shared>>
      tpu.enqueue_indirect_dma source(%arg13 : memref<128x128xf32, #tpu.memory_space<vmem>>) target(%dma_start3A_167 : memref<10000x128xf32, #tpu.memory_space<vmem_shared>>) offsets(%arg11 : memref<128xi32, #tpu.memory_space<vmem>>) semaphore(%arg20 : memref<!tpu.dma_semaphore, #tpu.memory_space<semaphore_mem>>) {add = true}
      %dma_start3A_168 = arith.constant 0 : i32
      %dma_start3A_169 = arith.constant 0 : i32
      %dma_start3A_170 = tpu.memref_slice %arg7[%dma_start3A_168, %dma_start3A_169] : memref<10000x16xf32, #tpu.memory_space<vmem_shared>> -> memref<10000x16xf32, #tpu.memory_space<vmem_shared>>
      tpu.enqueue_indirect_dma source(%arg14 : memref<128x16xf32, #tpu.memory_space<vmem>>) target(%dma_start3A_170 : memref<10000x16xf32, #tpu.memory_space<vmem_shared>>) offsets(%arg11 : memref<128xi32, #tpu.memory_space<vmem>>) semaphore(%arg20 : memref<!tpu.dma_semaphore, #tpu.memory_space<semaphore_mem>>) {add = true}
      %scan3A_171 = arith.constant 0 : i32
      scf.yield %scan3A_171 : i32
    }
    %scan3A_65 = arith.constant 39 : i32
    %dma_wait3A = arith.constant 0 : i32
    %dma_wait3A_66 = arith.constant 0 : i32
    %dma_wait3A_67 = tpu.memref_slice %arg6[%dma_wait3A, %dma_wait3A_66] : memref<10000x128xf32, #tpu.memory_space<vmem_shared>> -> memref<10000x128xf32, #tpu.memory_space<vmem_shared>>
    tpu.wait_indirect_dma semaphore(%arg20 : memref<!tpu.dma_semaphore, #tpu.memory_space<semaphore_mem>>) src(%arg13 : memref<128x128xf32, #tpu.memory_space<vmem>>) dst(%dma_wait3A_67 : memref<10000x128xf32, #tpu.memory_space<vmem_shared>>)
    %dma_wait3A_68 = arith.constant 0 : i32
    %dma_wait3A_69 = arith.constant 0 : i32
    %dma_wait3A_70 = tpu.memref_slice %arg7[%dma_wait3A_68, %dma_wait3A_69] : memref<10000x16xf32, #tpu.memory_space<vmem_shared>> -> memref<10000x16xf32, #tpu.memory_space<vmem_shared>>
    tpu.wait_indirect_dma semaphore(%arg20 : memref<!tpu.dma_semaphore, #tpu.memory_space<semaphore_mem>>) src(%arg14 : memref<128x16xf32, #tpu.memory_space<vmem>>) dst(%dma_wait3A_70 : memref<10000x16xf32, #tpu.memory_space<vmem_shared>>)
    %lt3A_71 = arith.constant 4 : i32
    %lt3A_72 = arith.cmpi slt, %add3A, %lt3A_71 : i32
    %convert_element_type3A_73 = arith.extui %lt3A_72 : i1 to i32
    %cond3A_74 = arith.constant 0 : i32
    %cond3A_75 = arith.cmpi ne, %convert_element_type3A_73, %cond3A_74 : i32
    scf.if %cond3A_75 {
      %add3A_87 = arith.constant 2496 : i32
      %add3A_88 = arith.addi %add3A_87, %add3A : i32
      %run_scoped3A_89 = arith.constant 0 : i32
      "tpu.region"() ({
        %run_scoped3A_109 = tpu.sem_alloc : memref<!tpu.dma_semaphore, #tpu.memory_space<semaphore_mem>>
        %dma_start3A_110 = arith.constant 0 : i32
        %dma_start3A_111 = tpu.memref_slice %arg3[%run_scoped3A_89, %add3A_88, %dma_start3A_110] : memref<2x2500x128xi32, #tpu.memory_space<hbm>> -> memref<1x1x128xi32, #tpu.memory_space<hbm>>
        %dma_start3A_112 = tpu.memref_squeeze %dma_start3A_111 : memref<1x1x128xi32, #tpu.memory_space<hbm>> -> memref<128xi32, #tpu.memory_space<hbm>>
        %dma_start3A_113 = arith.constant 0 : i32
        %dma_start3A_114 = tpu.memref_slice %arg3[%run_scoped3A_89, %add3A_88, %dma_start3A_113] : memref<2x2500x128xi32, #tpu.memory_space<hbm>> -> memref<1x1x128xi32, #tpu.memory_space<hbm>>
        %dma_start3A_115 = tpu.memref_squeeze %dma_start3A_114 : memref<1x1x128xi32, #tpu.memory_space<hbm>> -> memref<128xi32, #tpu.memory_space<hbm>>
        tpu.enqueue_dma source(%dma_start3A_115 : memref<128xi32, #tpu.memory_space<hbm>>) target(%arg8 : memref<128xi32, #tpu.memory_space<vmem>>) target_semaphore(%run_scoped3A_109 : memref<!tpu.dma_semaphore, #tpu.memory_space<semaphore_mem>>)
        %dma_wait3A_116 = arith.constant 0 : i32
        %dma_wait3A_117 = tpu.memref_slice %arg3[%run_scoped3A_89, %add3A_88, %dma_wait3A_116] : memref<2x2500x128xi32, #tpu.memory_space<hbm>> -> memref<1x1x128xi32, #tpu.memory_space<hbm>>
        %dma_wait3A_118 = tpu.memref_squeeze %dma_wait3A_117 : memref<1x1x128xi32, #tpu.memory_space<hbm>> -> memref<128xi32, #tpu.memory_space<hbm>>
        %dma_wait3A_119 = arith.constant 0 : i32
        %dma_wait3A_120 = tpu.memref_slice %arg3[%run_scoped3A_89, %add3A_88, %dma_wait3A_119] : memref<2x2500x128xi32, #tpu.memory_space<hbm>> -> memref<1x1x128xi32, #tpu.memory_space<hbm>>
        %dma_wait3A_121 = tpu.memref_squeeze %dma_wait3A_120 : memref<1x1x128xi32, #tpu.memory_space<hbm>> -> memref<128xi32, #tpu.memory_space<hbm>>
        tpu.wait_dma2 semaphore(%run_scoped3A_109 : memref<!tpu.dma_semaphore, #tpu.memory_space<semaphore_mem>>) src(%dma_wait3A_121 : memref<128xi32, #tpu.memory_space<hbm>>) dst(%arg8 : memref<128xi32, #tpu.memory_space<vmem>>)
        tpu.yield
      }) : () -> ()
      %run_scoped3A_90 = arith.constant 1 : i32
      "tpu.region"() ({
        %run_scoped3A_109 = tpu.sem_alloc : memref<!tpu.dma_semaphore, #tpu.memory_space<semaphore_mem>>
        %dma_start3A_110 = arith.constant 0 : i32
        %dma_start3A_111 = tpu.memref_slice %arg3[%run_scoped3A_90, %add3A_88, %dma_start3A_110] : memref<2x2500x128xi32, #tpu.memory_space<hbm>> -> memref<1x1x128xi32, #tpu.memory_space<hbm>>
        %dma_start3A_112 = tpu.memref_squeeze %dma_start3A_111 : memref<1x1x128xi32, #tpu.memory_space<hbm>> -> memref<128xi32, #tpu.memory_space<hbm>>
        %dma_start3A_113 = arith.constant 0 : i32
        %dma_start3A_114 = tpu.memref_slice %arg3[%run_scoped3A_90, %add3A_88, %dma_start3A_113] : memref<2x2500x128xi32, #tpu.memory_space<hbm>> -> memref<1x1x128xi32, #tpu.memory_space<hbm>>
        %dma_start3A_115 = tpu.memref_squeeze %dma_start3A_114 : memref<1x1x128xi32, #tpu.memory_space<hbm>> -> memref<128xi32, #tpu.memory_space<hbm>>
        tpu.enqueue_dma source(%dma_start3A_115 : memref<128xi32, #tpu.memory_space<hbm>>) target(%arg10 : memref<128xi32, #tpu.memory_space<vmem>>) target_semaphore(%run_scoped3A_109 : memref<!tpu.dma_semaphore, #tpu.memory_space<semaphore_mem>>)
        %dma_wait3A_116 = arith.constant 0 : i32
        %dma_wait3A_117 = tpu.memref_slice %arg3[%run_scoped3A_90, %add3A_88, %dma_wait3A_116] : memref<2x2500x128xi32, #tpu.memory_space<hbm>> -> memref<1x1x128xi32, #tpu.memory_space<hbm>>
        %dma_wait3A_118 = tpu.memref_squeeze %dma_wait3A_117 : memref<1x1x128xi32, #tpu.memory_space<hbm>> -> memref<128xi32, #tpu.memory_space<hbm>>
        %dma_wait3A_119 = arith.constant 0 : i32
        %dma_wait3A_120 = tpu.memref_slice %arg3[%run_scoped3A_90, %add3A_88, %dma_wait3A_119] : memref<2x2500x128xi32, #tpu.memory_space<hbm>> -> memref<1x1x128xi32, #tpu.memory_space<hbm>>
        %dma_wait3A_121 = tpu.memref_squeeze %dma_wait3A_120 : memref<1x1x128xi32, #tpu.memory_space<hbm>> -> memref<128xi32, #tpu.memory_space<hbm>>
        tpu.wait_dma2 semaphore(%run_scoped3A_109 : memref<!tpu.dma_semaphore, #tpu.memory_space<semaphore_mem>>) src(%dma_wait3A_121 : memref<128xi32, #tpu.memory_space<hbm>>) dst(%arg10 : memref<128xi32, #tpu.memory_space<vmem>>)
        tpu.yield
      }) : () -> ()
      %dma_start3A_91 = arith.constant 0 : i32
      %dma_start3A_92 = arith.constant 0 : i32
      %dma_start3A_93 = tpu.memref_slice %arg2[%dma_start3A_91, %dma_start3A_92] : memref<10000x128xf32, #tpu.memory_space<hbm>> -> memref<10000x128xf32, #tpu.memory_space<hbm>>
      tpu.enqueue_indirect_dma source(%dma_start3A_93 : memref<10000x128xf32, #tpu.memory_space<hbm>>) target(%arg12 : memref<128x128xf32, #tpu.memory_space<vmem>>) offsets(%arg8 : memref<128xi32, #tpu.memory_space<vmem>>) semaphore(%arg17 : memref<!tpu.dma_semaphore, #tpu.memory_space<semaphore_mem>>)
      %dma_wait3A_94 = arith.constant 0 : i32
      %dma_wait3A_95 = arith.constant 0 : i32
      %dma_wait3A_96 = tpu.memref_slice %arg2[%dma_wait3A_94, %dma_wait3A_95] : memref<10000x128xf32, #tpu.memory_space<hbm>> -> memref<10000x128xf32, #tpu.memory_space<hbm>>
      tpu.wait_indirect_dma semaphore(%arg17 : memref<!tpu.dma_semaphore, #tpu.memory_space<semaphore_mem>>) src(%dma_wait3A_96 : memref<10000x128xf32, #tpu.memory_space<hbm>>) dst(%arg12 : memref<128x128xf32, #tpu.memory_space<vmem>>)
      %dma_start3A_97 = arith.constant 0 : i32
      %dma_start3A_98 = arith.constant 0 : i32
      %dma_start3A_99 = tpu.memref_slice %arg6[%dma_start3A_97, %dma_start3A_98] : memref<10000x128xf32, #tpu.memory_space<vmem_shared>> -> memref<10000x128xf32, #tpu.memory_space<vmem_shared>>
      tpu.enqueue_indirect_dma source(%arg12 : memref<128x128xf32, #tpu.memory_space<vmem>>) target(%dma_start3A_99 : memref<10000x128xf32, #tpu.memory_space<vmem_shared>>) offsets(%arg10 : memref<128xi32, #tpu.memory_space<vmem>>) semaphore(%arg19 : memref<!tpu.dma_semaphore, #tpu.memory_space<semaphore_mem>>) {add = true}
      %dma_start3A_100 = arith.constant 0 : i32
      %dma_start3A_101 = arith.constant 0 : i32
      %dma_start3A_102 = tpu.memref_slice %arg7[%dma_start3A_100, %dma_start3A_101] : memref<10000x16xf32, #tpu.memory_space<vmem_shared>> -> memref<10000x16xf32, #tpu.memory_space<vmem_shared>>
      tpu.enqueue_indirect_dma source(%arg14 : memref<128x16xf32, #tpu.memory_space<vmem>>) target(%dma_start3A_102 : memref<10000x16xf32, #tpu.memory_space<vmem_shared>>) offsets(%arg10 : memref<128xi32, #tpu.memory_space<vmem>>) semaphore(%arg19 : memref<!tpu.dma_semaphore, #tpu.memory_space<semaphore_mem>>) {add = true}
      %dma_wait3A_103 = arith.constant 0 : i32
      %dma_wait3A_104 = arith.constant 0 : i32
      %dma_wait3A_105 = tpu.memref_slice %arg6[%dma_wait3A_103, %dma_wait3A_104] : memref<10000x128xf32, #tpu.memory_space<vmem_shared>> -> memref<10000x128xf32, #tpu.memory_space<vmem_shared>>
      tpu.wait_indirect_dma semaphore(%arg19 : memref<!tpu.dma_semaphore, #tpu.memory_space<semaphore_mem>>) src(%arg12 : memref<128x128xf32, #tpu.memory_space<vmem>>) dst(%dma_wait3A_105 : memref<10000x128xf32, #tpu.memory_space<vmem_shared>>)
      %dma_wait3A_106 = arith.constant 0 : i32
      %dma_wait3A_107 = arith.constant 0 : i32
      %dma_wait3A_108 = tpu.memref_slice %arg7[%dma_wait3A_106, %dma_wait3A_107] : memref<10000x16xf32, #tpu.memory_space<vmem_shared>> -> memref<10000x16xf32, #tpu.memory_space<vmem_shared>>
      tpu.wait_indirect_dma semaphore(%arg19 : memref<!tpu.dma_semaphore, #tpu.memory_space<semaphore_mem>>) src(%arg14 : memref<128x16xf32, #tpu.memory_space<vmem>>) dst(%dma_wait3A_108 : memref<10000x16xf32, #tpu.memory_space<vmem_shared>>)
    } else {
    }
    %barrier3A_76 = arith.constant 0 : index
    tpu.barrier barrier_id(%barrier3A_76)
    %lt3A_77 = arith.constant 15 : i32
    %lt3A_78 = arith.cmpi slt, %arg1, %lt3A_77 : i32
    %convert_element_type3A_79 = arith.extui %lt3A_78 : i1 to i32
    %cond3A_80 = arith.constant 0 : i32
    %cond3A_81 = arith.cmpi ne, %convert_element_type3A_79, %cond3A_80 : i32
    scf.if %cond3A_81 {
      %mul3A_87 = arith.constant 640 : i32
      %mul3A_88 = arith.muli %arg1, %mul3A_87 : i32
      %dma_start3A_89 = arith.constant 0 : i32
      %dma_start3A_90 = tpu.memref_slice %arg4[%arg0, %mul3A_88, %dma_start3A_89] : memref<2x10000x128xf32, #tpu.memory_space<hbm>> -> memref<1x640x128xf32, #tpu.memory_space<hbm>>
      %dma_start3A_91 = tpu.memref_squeeze %dma_start3A_90 : memref<1x640x128xf32, #tpu.memory_space<hbm>> -> memref<640x128xf32, #tpu.memory_space<hbm>>
      %dma_start3A_92 = arith.constant 0 : i32
      %dma_start3A_93 = tpu.memref_slice %arg6[%mul3A_88, %dma_start3A_92] : memref<10000x128xf32, #tpu.memory_space<vmem_shared>> -> memref<640x128xf32, #tpu.memory_space<vmem_shared>>
      tpu.enqueue_dma source(%dma_start3A_93 : memref<640x128xf32, #tpu.memory_space<vmem_shared>>) target(%dma_start3A_91 : memref<640x128xf32, #tpu.memory_space<hbm>>) target_semaphore(%arg25 : memref<!tpu.dma_semaphore, #tpu.memory_space<semaphore_mem>>)
      %dma_start3A_94 = arith.constant 0 : i32
      %dma_start3A_95 = tpu.memref_slice %arg5[%arg0, %mul3A_88, %dma_start3A_94] : memref<2x10000x16xf32, #tpu.memory_space<hbm>> -> memref<1x640x16xf32, #tpu.memory_space<hbm>>
      %dma_start3A_96 = tpu.memref_squeeze %dma_start3A_95 : memref<1x640x16xf32, #tpu.memory_space<hbm>> -> memref<640x16xf32, #tpu.memory_space<hbm>>
      %dma_start3A_97 = arith.constant 0 : i32
      %dma_start3A_98 = tpu.memref_slice %arg7[%mul3A_88, %dma_start3A_97] : memref<10000x16xf32, #tpu.memory_space<vmem_shared>> -> memref<640x16xf32, #tpu.memory_space<vmem_shared>>
      tpu.enqueue_dma source(%dma_start3A_98 : memref<640x16xf32, #tpu.memory_space<vmem_shared>>) target(%dma_start3A_96 : memref<640x16xf32, #tpu.memory_space<hbm>>) target_semaphore(%arg25 : memref<!tpu.dma_semaphore, #tpu.memory_space<semaphore_mem>>)
      %dma_wait3A_99 = arith.constant 0 : i32
      %dma_wait3A_100 = tpu.memref_slice %arg4[%arg0, %mul3A_88, %dma_wait3A_99] : memref<2x10000x128xf32, #tpu.memory_space<hbm>> -> memref<1x640x128xf32, #tpu.memory_space<hbm>>
      %dma_wait3A_101 = tpu.memref_squeeze %dma_wait3A_100 : memref<1x640x128xf32, #tpu.memory_space<hbm>> -> memref<640x128xf32, #tpu.memory_space<hbm>>
      %dma_wait3A_102 = arith.constant 0 : i32
      %dma_wait3A_103 = tpu.memref_slice %arg6[%mul3A_88, %dma_wait3A_102] : memref<10000x128xf32, #tpu.memory_space<vmem_shared>> -> memref<640x128xf32, #tpu.memory_space<vmem_shared>>
      tpu.wait_dma2 semaphore(%arg25 : memref<!tpu.dma_semaphore, #tpu.memory_space<semaphore_mem>>) src(%dma_wait3A_103 : memref<640x128xf32, #tpu.memory_space<vmem_shared>>) dst(%dma_wait3A_101 : memref<640x128xf32, #tpu.memory_space<hbm>>)
      %dma_wait3A_104 = arith.constant 0 : i32
      %dma_wait3A_105 = tpu.memref_slice %arg5[%arg0, %mul3A_88, %dma_wait3A_104] : memref<2x10000x16xf32, #tpu.memory_space<hbm>> -> memref<1x640x16xf32, #tpu.memory_space<hbm>>
      %dma_wait3A_106 = tpu.memref_squeeze %dma_wait3A_105 : memref<1x640x16xf32, #tpu.memory_space<hbm>> -> memref<640x16xf32, #tpu.memory_space<hbm>>
      %dma_wait3A_107 = arith.constant 0 : i32
      %dma_wait3A_108 = tpu.memref_slice %arg7[%mul3A_88, %dma_wait3A_107] : memref<10000x16xf32, #tpu.memory_space<vmem_shared>> -> memref<640x16xf32, #tpu.memory_space<vmem_shared>>
      tpu.wait_dma2 semaphore(%arg25 : memref<!tpu.dma_semaphore, #tpu.memory_space<semaphore_mem>>) src(%dma_wait3A_108 : memref<640x16xf32, #tpu.memory_space<vmem_shared>>) dst(%dma_wait3A_106 : memref<640x16xf32, #tpu.memory_space<hbm>>)
    } else {
    }
    %eq3A_82 = arith.constant 15 : i32
    %eq3A_83 = arith.cmpi eq, %arg1, %eq3A_82 : i32
    %convert_element_type3A_84 = arith.extui %eq3A_83 : i1 to i32
    %cond3A_85 = arith.constant 0 : i32
    %cond3A_86 = arith.cmpi ne, %convert_element_type3A_84, %cond3A_85 : i32
    scf.if %cond3A_86 {
      %dma_start3A_87 = arith.constant 9600 : i32
      %dma_start3A_88 = arith.constant 0 : i32
      %dma_start3A_89 = tpu.memref_slice %arg4[%arg0, %dma_start3A_87, %dma_start3A_88] : memref<2x10000x128xf32, #tpu.memory_space<hbm>> -> memref<1x400x128xf32, #tpu.memory_space<hbm>>
      %dma_start3A_90 = tpu.memref_squeeze %dma_start3A_89 : memref<1x400x128xf32, #tpu.memory_space<hbm>> -> memref<400x128xf32, #tpu.memory_space<hbm>>
      %dma_start3A_91 = arith.constant 9600 : i32
      %dma_start3A_92 = arith.constant 0 : i32
      %dma_start3A_93 = tpu.memref_slice %arg6[%dma_start3A_91, %dma_start3A_92] : memref<10000x128xf32, #tpu.memory_space<vmem_shared>> -> memref<400x128xf32, #tpu.memory_space<vmem_shared>>
      tpu.enqueue_dma source(%dma_start3A_93 : memref<400x128xf32, #tpu.memory_space<vmem_shared>>) target(%dma_start3A_90 : memref<400x128xf32, #tpu.memory_space<hbm>>) target_semaphore(%arg25 : memref<!tpu.dma_semaphore, #tpu.memory_space<semaphore_mem>>)
      %dma_start3A_94 = arith.constant 9600 : i32
      %dma_start3A_95 = arith.constant 0 : i32
      %dma_start3A_96 = tpu.memref_slice %arg5[%arg0, %dma_start3A_94, %dma_start3A_95] : memref<2x10000x16xf32, #tpu.memory_space<hbm>> -> memref<1x400x16xf32, #tpu.memory_space<hbm>>
      %dma_start3A_97 = tpu.memref_squeeze %dma_start3A_96 : memref<1x400x16xf32, #tpu.memory_space<hbm>> -> memref<400x16xf32, #tpu.memory_space<hbm>>
      %dma_start3A_98 = arith.constant 9600 : i32
      %dma_start3A_99 = arith.constant 0 : i32
      %dma_start3A_100 = tpu.memref_slice %arg7[%dma_start3A_98, %dma_start3A_99] : memref<10000x16xf32, #tpu.memory_space<vmem_shared>> -> memref<400x16xf32, #tpu.memory_space<vmem_shared>>
      tpu.enqueue_dma source(%dma_start3A_100 : memref<400x16xf32, #tpu.memory_space<vmem_shared>>) target(%dma_start3A_97 : memref<400x16xf32, #tpu.memory_space<hbm>>) target_semaphore(%arg25 : memref<!tpu.dma_semaphore, #tpu.memory_space<semaphore_mem>>)
      %dma_wait3A_101 = arith.constant 9600 : i32
      %dma_wait3A_102 = arith.constant 0 : i32
      %dma_wait3A_103 = tpu.memref_slice %arg4[%arg0, %dma_wait3A_101, %dma_wait3A_102] : memref<2x10000x128xf32, #tpu.memory_space<hbm>> -> memref<1x400x128xf32, #tpu.memory_space<hbm>>
      %dma_wait3A_104 = tpu.memref_squeeze %dma_wait3A_103 : memref<1x400x128xf32, #tpu.memory_space<hbm>> -> memref<400x128xf32, #tpu.memory_space<hbm>>
      %dma_wait3A_105 = arith.constant 9600 : i32
      %dma_wait3A_106 = arith.constant 0 : i32
      %dma_wait3A_107 = tpu.memref_slice %arg6[%dma_wait3A_105, %dma_wait3A_106] : memref<10000x128xf32, #tpu.memory_space<vmem_shared>> -> memref<400x128xf32, #tpu.memory_space<vmem_shared>>
      tpu.wait_dma2 semaphore(%arg25 : memref<!tpu.dma_semaphore, #tpu.memory_space<semaphore_mem>>) src(%dma_wait3A_107 : memref<400x128xf32, #tpu.memory_space<vmem_shared>>) dst(%dma_wait3A_104 : memref<400x128xf32, #tpu.memory_space<hbm>>)
      %dma_wait3A_108 = arith.constant 9600 : i32
      %dma_wait3A_109 = arith.constant 0 : i32
      %dma_wait3A_110 = tpu.memref_slice %arg5[%arg0, %dma_wait3A_108, %dma_wait3A_109] : memref<2x10000x16xf32, #tpu.memory_space<hbm>> -> memref<1x400x16xf32, #tpu.memory_space<hbm>>
      %dma_wait3A_111 = tpu.memref_squeeze %dma_wait3A_110 : memref<1x400x16xf32, #tpu.memory_space<hbm>> -> memref<400x16xf32, #tpu.memory_space<hbm>>
      %dma_wait3A_112 = arith.constant 9600 : i32
      %dma_wait3A_113 = arith.constant 0 : i32
      %dma_wait3A_114 = tpu.memref_slice %arg7[%dma_wait3A_112, %dma_wait3A_113] : memref<10000x16xf32, #tpu.memory_space<vmem_shared>> -> memref<400x16xf32, #tpu.memory_space<vmem_shared>>
      tpu.wait_dma2 semaphore(%arg25 : memref<!tpu.dma_semaphore, #tpu.memory_space<semaphore_mem>>) src(%dma_wait3A_114 : memref<400x16xf32, #tpu.memory_space<vmem_shared>>) dst(%dma_wait3A_111 : memref<400x16xf32, #tpu.memory_space<hbm>>)
    } else {
    }
    return
  }
}

module attributes {stable_mosaic.version = 14 : i64} {
  func.func @body(%arg0: i32, %arg1: memref<2x2000x128xf32, #tpu.memory_space<vmem>>, %arg2: memref<2x2000x16xf32, #tpu.memory_space<vmem>>, %arg3: memref<128x256xf32, #tpu.memory_space<vmem>>, %arg4: memref<1x256xf32, #tpu.memory_space<vmem>>, %arg5: memref<256x64xf32, #tpu.memory_space<vmem>>, %arg6: memref<2000x64xf32, #tpu.memory_space<vmem>>) attributes {dimension_semantics = [#tpu.dimension_semantics<arbitrary>], iteration_bounds = array<i64: 5>, scalar_prefetch = 0 : i64, scratch_operands = 0 : i64, tpu.core_type = #tpu.core_type<tc>, window_params = [{transform_indices = @transform_0, window_bounds = array<i64: 2, 2000, 128>}, {transform_indices = @transform_1, window_bounds = array<i64: 2, 2000, 16>}, {pipeline_mode = #tpu.pipeline_mode<synchronous>, transform_indices = @transform_2, window_bounds = array<i64: 128, 256>}, {pipeline_mode = #tpu.pipeline_mode<synchronous>, transform_indices = @transform_3, window_bounds = array<i64: 1, 256>}, {pipeline_mode = #tpu.pipeline_mode<synchronous>, transform_indices = @transform_4, window_bounds = array<i64: 256, 64>}, {transform_indices = @transform_5, window_bounds = array<i64: 2000, 64>}]} {
    %get3A = arith.constant 0 : index
    %get3A_0 = arith.constant 0 : index
    %get3A_1 = arith.constant 0 : index
    %get3A_2 = vector.load %arg1[%get3A, %get3A_0, %get3A_1] : memref<2x2000x128xf32, #tpu.memory_space<vmem>>, vector<1x2000x128xf32>
    %get3A_3 = vector.shape_cast %get3A_2 : vector<1x2000x128xf32> to vector<2000x128xf32>
    %get3A_4 = arith.constant 1 : index
    %get3A_5 = arith.constant 0 : index
    %get3A_6 = arith.constant 0 : index
    %get3A_7 = vector.load %arg1[%get3A_4, %get3A_5, %get3A_6] : memref<2x2000x128xf32, #tpu.memory_space<vmem>>, vector<1x2000x128xf32>
    %get3A_8 = vector.shape_cast %get3A_7 : vector<1x2000x128xf32> to vector<2000x128xf32>
    %add3A = arith.addf %get3A_3, %get3A_8 : vector<2000x128xf32>
    %get3A_9 = arith.constant 0 : index
    %get3A_10 = arith.constant 0 : index
    %get3A_11 = arith.constant 0 : index
    %get3A_12 = vector.load %arg2[%get3A_9, %get3A_10, %get3A_11] : memref<2x2000x16xf32, #tpu.memory_space<vmem>>, vector<1x2000x16xf32>
    %get3A_13 = vector.shape_cast %get3A_12 : vector<1x2000x16xf32> to vector<2000x16xf32>
    %get3A_14 = arith.constant 1 : index
    %get3A_15 = arith.constant 0 : index
    %get3A_16 = arith.constant 0 : index
    %get3A_17 = vector.load %arg2[%get3A_14, %get3A_15, %get3A_16] : memref<2x2000x16xf32, #tpu.memory_space<vmem>>, vector<1x2000x16xf32>
    %get3A_18 = vector.shape_cast %get3A_17 : vector<1x2000x16xf32> to vector<2000x16xf32>
    %add3A_19 = arith.addf %get3A_13, %get3A_18 : vector<2000x16xf32>
    %slice3A = vector.extract_strided_slice %add3A_19 {offsets = [0, 0], sizes = [2000, 1], strides = [1, 1]} : vector<2000x16xf32> to vector<2000x1xf32>
    %max3A = arith.constant 1.000000e+00 : f32
    %max3A_20 = vector.broadcast %max3A : f32 to vector<2000x1xf32>
    %max3A_21 = arith.maximumf %slice3A, %max3A_20 : vector<2000x1xf32>
    %div3A = arith.constant 1.000000e+00 : f32
    %div3A_22 = vector.broadcast %div3A : f32 to vector<2000x1xf32>
    %div3A_23 = arith.divf %div3A_22, %max3A_21 : vector<2000x1xf32>
    %gt3A = arith.constant 0.000000e+00 : f32
    %gt3A_24 = vector.broadcast %gt3A : f32 to vector<2000x1xf32>
    %gt3A_25 = arith.cmpf ogt, %slice3A, %gt3A_24 : vector<2000x1xf32>
    %convert_element_type3A = arith.extui %gt3A_25 : vector<2000x1xi1> to vector<2000x1xi32>
    %convert_element_type3A_26 = arith.sitofp %convert_element_type3A : vector<2000x1xi32> to vector<2000x1xf32>
    %mul3A = vector.broadcast %div3A_23 : vector<2000x1xf32> to vector<2000x128xf32>
    %mul3A_27 = arith.mulf %add3A, %mul3A : vector<2000x128xf32>
    %get3A_28 = arith.constant 0 : index
    %get3A_29 = arith.constant 0 : index
    %get3A_30 = vector.load %arg3[%get3A_28, %get3A_29] : memref<128x256xf32, #tpu.memory_space<vmem>>, vector<128x256xf32>
    %dot_general3A = arith.constant dense<0.000000e+00> : vector<2000x256xf32>
    %dot_general3A_31 = tpu.matmul %mul3A_27, %get3A_30, %dot_general3A {dimension_numbers = #tpu.dot_dimension_numbers<[1], [0], [0], [1], [0, 0, 1, 1], [], []>, transpose_lhs_hint = false} : vector<2000x128xf32>, vector<128x256xf32>, vector<2000x256xf32> -> vector<2000x256xf32>
    %get3A_32 = arith.constant 0 : index
    %get3A_33 = arith.constant 0 : index
    %get3A_34 = vector.load %arg4[%get3A_32, %get3A_33] : memref<1x256xf32, #tpu.memory_space<vmem>>, vector<1x256xf32>
    %mul3A_35 = vector.broadcast %get3A_34 : vector<1x256xf32> to vector<2000x256xf32>
    %mul3A_36 = vector.broadcast %convert_element_type3A_26 : vector<2000x1xf32> to vector<2000x256xf32>
    %mul3A_37 = arith.mulf %mul3A_35, %mul3A_36 : vector<2000x256xf32>
    %add3A_38 = arith.addf %dot_general3A_31, %mul3A_37 : vector<2000x256xf32>
    %max3A_39 = arith.constant 0.000000e+00 : f32
    %max3A_40 = vector.broadcast %max3A_39 : f32 to vector<2000x256xf32>
    %max3A_41 = arith.maximumf %add3A_38, %max3A_40 : vector<2000x256xf32>
    %get3A_42 = arith.constant 0 : index
    %get3A_43 = arith.constant 0 : index
    %get3A_44 = vector.load %arg5[%get3A_42, %get3A_43] : memref<256x64xf32, #tpu.memory_space<vmem>>, vector<256x64xf32>
    %dot_general3A_45 = arith.constant dense<0.000000e+00> : vector<2000x64xf32>
    %dot_general3A_46 = tpu.matmul %max3A_41, %get3A_44, %dot_general3A_45 {dimension_numbers = #tpu.dot_dimension_numbers<[1], [0], [0], [1], [0, 0, 1, 1], [], []>, transpose_lhs_hint = false} : vector<2000x256xf32>, vector<256x64xf32>, vector<2000x64xf32> -> vector<2000x64xf32>
    %swap3A = arith.constant 0 : index
    %swap3A_47 = arith.constant 0 : index
    %swap3A_48 = vector.load %arg6[%swap3A, %swap3A_47] : memref<2000x64xf32, #tpu.memory_space<vmem>>, vector<2000x64xf32>
    tpu.vector_store %arg6[%swap3A, %swap3A_47], %dot_general3A_46 {strides = array<i32>} : memref<2000x64xf32, #tpu.memory_space<vmem>>, vector<2000x64xf32>,
    return
  }
  func.func @transform_0(%arg0: i32) -> (i32, i32, i32) {
    %c0_i32 = arith.constant 0 : i32
    %c0_i32_0 = arith.constant 0 : i32
    %c0_i32_1 = arith.constant 0 : i32
    return %c0_i32, %arg0, %c0_i32_0 : i32, i32, i32
  }
  func.func @transform_1(%arg0: i32) -> (i32, i32, i32) {
    %c0_i32 = arith.constant 0 : i32
    %c0_i32_0 = arith.constant 0 : i32
    %c0_i32_1 = arith.constant 0 : i32
    return %c0_i32, %arg0, %c0_i32_0 : i32, i32, i32
  }
  func.func @transform_2(%arg0: i32) -> (i32, i32) {
    %c0_i32 = arith.constant 0 : i32
    %c0_i32_0 = arith.constant 0 : i32
    %c0_i32_1 = arith.constant 0 : i32
    return %c0_i32, %c0_i32_0 : i32, i32
  }
  func.func @transform_3(%arg0: i32) -> (i32, i32) {
    %c0_i32 = arith.constant 0 : i32
    %c0_i32_0 = arith.constant 0 : i32
    %c0_i32_1 = arith.constant 0 : i32
    return %c0_i32, %c0_i32_0 : i32, i32
  }
  func.func @transform_4(%arg0: i32) -> (i32, i32) {
    %c0_i32 = arith.constant 0 : i32
    %c0_i32_0 = arith.constant 0 : i32
    %c0_i32_1 = arith.constant 0 : i32
    return %c0_i32, %c0_i32_0 : i32, i32
  }
  func.func @transform_5(%arg0: i32) -> (i32, i32) {
    %c0_i32 = arith.constant 0 : i32
    %c0_i32_0 = arith.constant 0 : i32
    return %arg0, %c0_i32 : i32, i32
  }
}

module attributes {stable_mosaic.version = 14 : i64} {
  func.func @body(%arg0: i32, %arg1: memref<2x1000x64xf32, #tpu.memory_space<vmem>>, %arg2: memref<2x1000x16xf32, #tpu.memory_space<vmem>>, %arg3: memref<1x64xf32, #tpu.memory_space<vmem>>, %arg4: memref<1000x64xf32, #tpu.memory_space<vmem>>) attributes {dimension_semantics = [#tpu.dimension_semantics<arbitrary>], iteration_bounds = array<i64: 10>, scalar_prefetch = 0 : i64, scratch_operands = 0 : i64, tpu.core_type = #tpu.core_type<tc>, window_params = [{transform_indices = @transform_0, window_bounds = array<i64: 2, 1000, 64>}, {transform_indices = @transform_1, window_bounds = array<i64: 2, 1000, 16>}, {pipeline_mode = #tpu.pipeline_mode<synchronous>, transform_indices = @transform_2, window_bounds = array<i64: 1, 64>}, {transform_indices = @transform_3, window_bounds = array<i64: 1000, 64>}]} {
    %get3A = arith.constant 0 : index
    %get3A_0 = arith.constant 0 : index
    %get3A_1 = arith.constant 0 : index
    %get3A_2 = vector.load %arg1[%get3A, %get3A_0, %get3A_1] : memref<2x1000x64xf32, #tpu.memory_space<vmem>>, vector<1x1000x64xf32>
    %get3A_3 = vector.shape_cast %get3A_2 : vector<1x1000x64xf32> to vector<1000x64xf32>
    %get3A_4 = arith.constant 1 : index
    %get3A_5 = arith.constant 0 : index
    %get3A_6 = arith.constant 0 : index
    %get3A_7 = vector.load %arg1[%get3A_4, %get3A_5, %get3A_6] : memref<2x1000x64xf32, #tpu.memory_space<vmem>>, vector<1x1000x64xf32>
    %get3A_8 = vector.shape_cast %get3A_7 : vector<1x1000x64xf32> to vector<1000x64xf32>
    %add3A = arith.addf %get3A_3, %get3A_8 : vector<1000x64xf32>
    %get3A_9 = arith.constant 0 : index
    %get3A_10 = arith.constant 0 : index
    %get3A_11 = arith.constant 0 : index
    %get3A_12 = vector.load %arg2[%get3A_9, %get3A_10, %get3A_11] : memref<2x1000x16xf32, #tpu.memory_space<vmem>>, vector<1x1000x16xf32>
    %get3A_13 = vector.shape_cast %get3A_12 : vector<1x1000x16xf32> to vector<1000x16xf32>
    %get3A_14 = arith.constant 1 : index
    %get3A_15 = arith.constant 0 : index
    %get3A_16 = arith.constant 0 : index
    %get3A_17 = vector.load %arg2[%get3A_14, %get3A_15, %get3A_16] : memref<2x1000x16xf32, #tpu.memory_space<vmem>>, vector<1x1000x16xf32>
    %get3A_18 = vector.shape_cast %get3A_17 : vector<1x1000x16xf32> to vector<1000x16xf32>
    %add3A_19 = arith.addf %get3A_13, %get3A_18 : vector<1000x16xf32>
    %slice3A = vector.extract_strided_slice %add3A_19 {offsets = [0, 0], sizes = [1000, 1], strides = [1, 1]} : vector<1000x16xf32> to vector<1000x1xf32>
    %max3A = arith.constant 1.000000e+00 : f32
    %max3A_20 = vector.broadcast %max3A : f32 to vector<1000x1xf32>
    %max3A_21 = arith.maximumf %slice3A, %max3A_20 : vector<1000x1xf32>
    %div3A = arith.constant 1.000000e+00 : f32
    %div3A_22 = vector.broadcast %div3A : f32 to vector<1000x1xf32>
    %div3A_23 = arith.divf %div3A_22, %max3A_21 : vector<1000x1xf32>
    %gt3A = arith.constant 0.000000e+00 : f32
    %gt3A_24 = vector.broadcast %gt3A : f32 to vector<1000x1xf32>
    %gt3A_25 = arith.cmpf ogt, %slice3A, %gt3A_24 : vector<1000x1xf32>
    %convert_element_type3A = arith.extui %gt3A_25 : vector<1000x1xi1> to vector<1000x1xi32>
    %convert_element_type3A_26 = arith.sitofp %convert_element_type3A : vector<1000x1xi32> to vector<1000x1xf32>
    %mul3A = vector.broadcast %div3A_23 : vector<1000x1xf32> to vector<1000x64xf32>
    %mul3A_27 = arith.mulf %add3A, %mul3A : vector<1000x64xf32>
    %get3A_28 = arith.constant 0 : index
    %get3A_29 = arith.constant 0 : index
    %get3A_30 = vector.load %arg3[%get3A_28, %get3A_29] : memref<1x64xf32, #tpu.memory_space<vmem>>, vector<1x64xf32>
    %mul3A_31 = vector.broadcast %get3A_30 : vector<1x64xf32> to vector<1000x64xf32>
    %mul3A_32 = vector.broadcast %convert_element_type3A_26 : vector<1000x1xf32> to vector<1000x64xf32>
    %mul3A_33 = arith.mulf %mul3A_31, %mul3A_32 : vector<1000x64xf32>
    %add3A_34 = arith.addf %mul3A_27, %mul3A_33 : vector<1000x64xf32>
    %swap3A = arith.constant 0 : index
    %swap3A_35 = arith.constant 0 : index
    %swap3A_36 = vector.load %arg4[%swap3A, %swap3A_35] : memref<1000x64xf32, #tpu.memory_space<vmem>>, vector<1000x64xf32>
    tpu.vector_store %arg4[%swap3A, %swap3A_35], %add3A_34 {strides = array<i32>} : memref<1000x64xf32, #tpu.memory_space<vmem>>, vector<1000x64xf32>,
    return
  }
  func.func @transform_0(%arg0: i32) -> (i32, i32, i32) {
    %c0_i32 = arith.constant 0 : i32
    %c0_i32_0 = arith.constant 0 : i32
    %c0_i32_1 = arith.constant 0 : i32
    return %c0_i32, %arg0, %c0_i32_0 : i32, i32, i32
  }
  func.func @transform_1(%arg0: i32) -> (i32, i32, i32) {
    %c0_i32 = arith.constant 0 : i32
    %c0_i32_0 = arith.constant 0 : i32
    %c0_i32_1 = arith.constant 0 : i32
    return %c0_i32, %arg0, %c0_i32_0 : i32, i32, i32
  }
  func.func @transform_2(%arg0: i32) -> (i32, i32) {
    %c0_i32 = arith.constant 0 : i32
    %c0_i32_0 = arith.constant 0 : i32
    %c0_i32_1 = arith.constant 0 : i32
    return %c0_i32, %c0_i32_0 : i32, i32
  }
  func.func @transform_3(%arg0: i32) -> (i32, i32) {
    %c0_i32 = arith.constant 0 : i32
    %c0_i32_0 = arith.constant 0 : i32
    return %arg0, %c0_i32 : i32, i32
  }
}

</mosaic_0001>

<sc_bundles>
// kernel: kernel.6.cloned.1.call-start
scs
__scs_entry_jumppad:
0x0: {  	(pc) =	sbr.rel $0x88, $3  }
0x1: {  	(tag) =	ssettag $0x0;
	lr =	simm.s32 $0x1  }
0x2: {  	[smem:$0x3F9A] =	sst lr;
	_ =	strace $0xD0000000  }
0x3: {  	_ = 	snop  }
0x4: {  	_ = 	snop  }
0x5: {  	_ = 	snop  }
0x6: {  	_ = 	snop  }
0x7: {  	_ = 	snop  }
__scs_overlays_trampoline_lowered:
0x8: {  	[smem:$0x3FA9] =	sst s0  }
0x9: {  	[smem:$0x3FAA] =	sst s1  }
0xa: {  	[smem:$0x3FAB] =	sst s2  }
0xb: {  	[smem:$0x3FAC] =	sst s3  }
0xc: {  	[smem:$0x3FAD] =	sst s4  }
0xd: {  	[smem:$0x3FAE] =	sst s5  }
0xe: {  	[smem:$0x3FAF] =	sst s6  }
0xf: {  	[smem:$0x3FB0] =	sst s7  }
0x10: {  	[smem:$0x3FB1] =	sst s8  }
0x11: {  	[smem:$0x3FB2] =	sst s9;
	s0 =	simm.s32 @!p0 $0x0  }
0x12: {  	s1 =	sld [smem:$0x3F98];
	s0 =	simm.s32 @p0 $0x1  }
0x13: {  	[smem:$0x3FB3] =	sst s0;
	s0 =	simm.s32 @!p1 $0x0  }
0x14: {  	s2 =	sld [smem:$0x3F97];
	s0 =	simm.s32 @p1 $0x1  }
0x15: {  	[smem:$0x3FB4] =	sst s0;
	s0 =	simm.s32 @!p2 $0x0  }
0x16: {  	s3 =	sld [smem:$0x3FDB];
	s0 =	simm.s32 @p2 $0x1  }
0x17: {  	s4 =	simm.s32 $0x1BF5;
	[smem:$0x3FB6] =	sst s0  }
0x18: {  	s0 =	sld [smem:$0x3F99];
	_ =	swait.ge [sflag:s4], $0x0  }
0x19: {  	s7 =	sld [smem:$0x3F9A]  }
0x1a: {  	s8 =	sadd.s32 $0xFFFFE003, lr  }
0x1b: {  	s9 =	sadd.s32 $0xFFFFFEF7, lr;
	s5 =	simm.s32 $0xFFFFFFFF;
	p2 =	slt.u32 s8, $0xFFFFF086  }
0x1c: {  	p1 =	slt.u32 s9, $0xF7A;
	s5 =	simm.s32 @!p2 $0x0  }
0x1d: {  	s5 =	simm.s32 @p1 $0x1;
	p0 =	seq.s32 s7, s2  }
0x1e: {  	s7 =	smul.u32 @!p0 $0xF7A, s2;
	p2 =	seq.s32 @!p0 s5, $0x0  }
0x1f: {  	s9 =	smul.u32 $0xF7A, s1;
	s8 =	simm.s32 @!p0 $0x1BF5;
	p2 =	por !p2, p0  }
0x20: {  	[sflag:s8] =	ssyncset.s32 @!p0 $0xFFFFF086;
	s6 =	sadd.s32 @!p0 s3, s7;
	s7 =	simm.s32 @!p0 $0x108  }
0x21: {  	s3 =	sadd.s32 s3, s9;
	s6 =	sadd.s32 @!p0 $0x88, s6;
	s7 =	simm.s32 @p2 $0x1082  }
0x22: {  	[simem:s7], [sflag:s8] =	dma.local @!p0 [hbm:s6], $0xF7A  }
0x23: {  	s9 =	sor.u32 $0xD0000000, s2;
	s6 =	simm.s32 $0x108;
	_ =	swait.ge @!p0 [sflag:s8], $0x0  }
0x24: {  	s3 =	sadd.s32 $0x88, s3;
	s6 =	simm.s32 @!p1 $0x1082;
	[sflag:s4] =	ssyncset.s32 $0xFFFFF086  }
0x25: {  	[simem:s6], [sflag:s4] =	dma.local [hbm:s3], $0xF7A  }
0x26: {  	[smem:$0x3F9A] =	sst s1;
	(tag) =	ssettag s2;
	_ =	strace s9  }
0x27: {  	s1 =	sld [smem:$0x3FAA]  }
0x28: {  	s2 =	sld [smem:$0x3FAB]  }
0x29: {  	s4 =	sld [smem:$0x3FAD]  }
0x2a: {  	p0 =	seq.s32 s5, $0x0;
	s5 =	sld [smem:$0x3FAE]  }
0x2b: {  	s6 =	sld [smem:$0x3FAF]  }
0x2c: {  	s7 =	sld [smem:$0x3FB0]  }
0x2d: {  	s3 =	simm.s32 $0x108;
	s8 =	sld [smem:$0x3FB1]  }
0x2e: {  	s3 =	simm.s32 @!p0 $0x1082;
	s9 =	sld [smem:$0x3FB2]  }
0x2f: {  	lr =	sadd.s32 s0, s3;
	s0 =	sld [smem:$0x3FA9]  }
0x30: {  	s3 =	sld [smem:$0x3FAC]  }
0x31: {  	[smem:$0x3FB5] =	sst s10  }
0x32: {  	s10 =	sld [smem:$0x3FB3];
	_ =	sdelay $0x3  }
0x33: {  	p0 =	seq.s32 s10, $0x1;
	s10 =	sld [smem:$0x3FB5];
	_ =	sdelay $0x3  }
0x34: {  	[smem:$0x3FB5] =	sst s10  }
0x35: {  	s10 =	sld [smem:$0x3FB4];
	_ =	sdelay $0x3  }
0x36: {  	p1 =	seq.s32 s10, $0x1;
	s10 =	sld [smem:$0x3FB5];
	_ =	sdelay $0x3  }
0x37: {  	[smem:$0x3FB5] =	sst s10  }
0x38: {  	s10 =	sld [smem:$0x3FB6]  }
0x39: {  	_ = 	snop;
	(pc) =	sbr.ind lr, $3  }
0x3a: {  	_ = 	snop  }
0x3b: {  	_ = 	snop  }
0x3c: {  	p2 =	seq.s32 s10, $0x1;
	s10 =	sld [smem:$0x3FB5]  }
0x3d: {  	_ =	shalt  }
0x3e: {  	_ =	shalt  }
0x3f: {  	_ =	shalt  }
0x40: {  	_ =	shalt  }
0x41: {  	_ =	shalt  }
0x42: {  	_ =	shalt  }
0x43: {  	_ =	shalt  }
0x44: {  	_ =	shalt  }
0x45: {  	_ =	shalt  }
0x46: {  	_ =	shalt  }
0x47: {  	_ =	shalt  }
0x48: {  	_ =	shalt  }
0x49: {  	_ =	shalt  }
0x4a: {  	_ =	shalt  }
0x4b: {  	_ =	shalt  }
0x4c: {  	_ =	shalt  }
0x4d: {  	_ =	shalt  }
0x4e: {  	_ =	shalt  }
0x4f: {  	_ =	shalt  }
0x50: {  	_ =	shalt  }
0x51: {  	_ =	shalt  }
0x52: {  	_ =	shalt  }
0x53: {  	_ =	shalt  }
0x54: {  	_ =	shalt  }
0x55: {  	_ =	shalt  }
0x56: {  	_ =	shalt  }
0x57: {  	_ =	shalt  }
0x58: {  	_ =	shalt  }
0x59: {  	_ =	shalt  }
0x5a: {  	_ =	shalt  }
0x5b: {  	_ =	shalt  }
0x5c: {  	_ =	shalt  }
0x5d: {  	_ =	shalt  }
0x5e: {  	_ =	shalt  }
0x5f: {  	_ =	shalt  }
0x60: {  	_ =	shalt  }
0x61: {  	_ =	shalt  }
0x62: {  	_ =	shalt  }
0x63: {  	_ =	shalt  }
0x64: {  	_ =	shalt  }
0x65: {  	_ =	shalt  }
0x66: {  	_ =	shalt  }
0x67: {  	_ =	shalt  }
0x68: {  	_ =	shalt  }
0x69: {  	_ =	shalt  }
0x6a: {  	_ =	shalt  }
0x6b: {  	_ =	shalt  }
0x6c: {  	_ =	shalt  }
0x6d: {  	_ =	shalt  }
0x6e: {  	_ =	shalt  }
0x6f: {  	_ =	shalt  }
0x70: {  	_ =	shalt  }
0x71: {  	_ =	shalt  }
0x72: {  	_ =	shalt  }
0x73: {  	_ =	shalt  }
0x74: {  	_ =	shalt  }
0x75: {  	_ =	shalt  }
0x76: {  	_ =	shalt  }
0x77: {  	_ =	shalt  }
0x78: {  	_ =	shalt  }
0x79: {  	_ =	shalt  }
0x7a: {  	_ =	shalt  }
0x7b: {  	_ =	shalt  }
0x7c: {  	_ =	shalt  }
0x7d: {  	_ =	shalt  }
0x7e: {  	_ =	shalt  }
0x7f: {  	_ =	shalt  }
0x80: {  	_ =	shalt  }
0x81: {  	_ =	shalt  }
0x82: {  	_ =	shalt  }
0x83: {  	_ =	shalt  }
0x84: {  	_ =	shalt  }
0x85: {  	_ =	shalt  }
0x86: {  	_ =	shalt  }
0x87: {  	_ =	shalt  }
.Lfunc_end0:
.L_simem_size_0:
called_computation_lowered:
.L_overlay_start_0:
0x88: {  	s2 =	sld [smem:$0x3FD9]  }
0x89: {  	s3 =	sld [smem:$0x3FFE];
	_ =	sdelay $0x1  }
0x8a: {  	s1 =	srdreg.scid  }
0x8b: {  	s0 =	sand.u32 $0x1, s1  }
0x8c: {  	s17 =	sshll.u32 s0, $0xA;
	s2 =	sadd.s32 s3, s2  }
0x8d: {  	s2 =	sadd.s32 s2, s17  }
0x8e: {  	[smem:$0x3FC1] =	sst s2  }
0x8f: {  	_ = 	snop  }
0x90: {  	s2 =	sld [smem:$0x3FC9]  }
0x91: {  	s18 =	sld [smem:$0x3FD0];
	(tm) =	ssettm $0x1  }
0x92: {  	s4 =	sld [smem:$0x3FFB];
	_ =	sdelay $0x3  }
0x93: {  	_ =	strace s4  }
0x94: {  	s4 =	sld [smem:$0x3FFC];
	_ =	sdelay $0x3  }
0x95: {  	_ =	strace s4  }
0x96: {  	s4 =	sld [smem:$0x3FFD];
	_ =	sdelay $0x3  }
0x97: {  	_ =	strace s4  }
0x98: {  	_ =	strace $0x8FFFFFFF  }
0x99: {  	s19 =	sld [smem:$0x3FDB];
	_ =	sdelay $0x1  }
0x9a: {  	s5 =	simm.s32 $_scs_section_size  }
0x9b: {  	s6 =	simm.s32 $_size__tile_overlayer_lowered;
	s7 =	simm.s32 $_tile_overlayer_lowered  }
0x9c: {  	s22 =	simm.s32 $0x1BFF;
	s21 =	sshll.u32 s7, $0x1;
	s4 =	sadd.s32 s5, s19  }
0x9d: {  	s8 =	simm.s32 $0x0;
	s20 =	sshll.u32 s6, $0x1;
	s6 =	sadd.s32 s21, s4  }
0x9e: {  	[timem:s8], [sflag:s22] =	dma.local [hbm:s6], s20  }
0x9f: {  	_ =	swait.ge [sflag:s22], s20  }
0xa0: {  	s5 =	ssub.s32 $0x0, s20;
	[sflag:s22] =	ssyncset.done $0x0  }
0xa1: {  	[sflag:s22] =	ssyncadd.s32 s5;
	_ =	sdelay $0x1  }
0xa2: {  	s23 =	simm.s32 $0x1B8B  }
0xa3: {  	_ =	swait.ge [sflag:s23], $0x1  }
0xa4: {  	[sflag:s23] =	ssyncset.done $0x0  }
0xa5: {  	s25 =	simm.s32 $0x1B8E;
	s24 =	sld [smem:$0x3FFE];
	[sflag:s23] =	ssyncadd.s32 $0xFFFFFFFF  }
0xa6: {  	s26 =	simm.s32 $execute0_lowered;
	[smem:$0x3FD2] =	sst s25  }
0xa7: {  	s6 =	sshll.u32 s26, $0x1;
	_ =	strace $0x80000046;
	[dreg:$0x1] =	wrdreg $0xFFFFFFFF  }
0xa8: {  	s28 =	simm.s32 $_size_execute0_lowered;
	s4 =	sadd.s32 s4, s6;
	[dreg:$0x0] =	wrdreg $0x0  }
0xa9: {  	s6 =	sshll.u32 s28, $0x1;
	[dreg:$0x2] =	wrdreg s4  }
0xaa: {  	[dreg:$0x3] =	wrdreg s6  }
0xab: {  	[dreg:$0x4] =	wrdreg $0xC0  }
0xac: {  	_ =	task [dreg:s8], $0x5FFFF  }
0xad: {  	[dreg:$0x1] =	wrdreg $0xFFFFFFFF  }
0xae: {  	[dreg:$0x0] =	wrdreg $0x60  }
0xaf: {  	[dreg:$0x2] =	wrdreg s2  }
0xb0: {  	[dreg:$0x3] =	wrdreg s18  }
0xb1: {  	[dreg:$0x4] =	wrdreg s24  }
0xb2: {  	[dreg:$0x5] =	wrdreg $0x0  }
0xb3: {  	[dreg:$0x6] =	wrdreg $0x138800  }
0xb4: {  	[dreg:$0x7] =	wrdreg $0x9  }
0xb5: {  	_ =	task.clear_ibuf [dreg:s8], $0x8FFFF;
	_ =	strace $0x90000046  }
0xb6: {  	s29 =	simm.s32 $0x9;
	_ =	strace $0x80000048  }
0xb7: {  	_ =	swait.ge [sflag:s29], $0x1  }
0xb8: {  	[sflag:s29] =	ssyncadd.s32 $0xFFFFFFFF  }
0xb9: {  	_ =	strace $0x90000048  }
0xba: {  	_ =	sfence  }
0xbb: {  	s30 =	sld [smem:$0x0];
	_ =	sdelay $0x2  }
0xbc: {  	s31 =	sshll.u32 s1, $0xD;
	s1 =	sshrl.u32 s1, $0x2  }
0xbd: {  	s3 =	sand.u32 $0x4000, s31;
	s1 =	sadd.s32 s1, s30  }
0xbe: {  	s0 =	sor.u32 s3, s0;
	s1 =	sshll.u32 s1, $0x11  }
0xbf: {  	s0 =	sor.u32 s1, s0  }
0xc0: {  	s0 =	sadd.s32 $0x8F2B, s0  }
0xc1: {  	[sflag:s0] =	ssyncadd.remote.s32 $0x1  }
0xc2: {  	_ =	sfence.sel $0xFFFF  }
0xc3: {  	[dreg:$0x0] =	wrdreg $0xFFFFFFFF;
	(pc) =	sbr.abs _section_cstart, $3  }
0xc4: {  	[dreg:$0x1] =	wrdreg $0xFFFFFFFF  }
0xc5: {  	_ =	task.clear_ibuf [dreg:s8], $0x2FFFF;
	_ =	strace $0x9FFFFFFF  }
0xc6: {  	(tm) =	ssettm $0x7FFFFFFF  }
0xc7: {  	_ =	shalt  }
tec
execute0_lowered:
.L_overlay_start_1:
0x0: {  	(tag) =	ssettag $0x1  }
0x1: {  	s0 =	rddreg [dreg:$0x0]  }
0x2: {  	s1 =	rddreg [dreg:$0x1]  }
0x3: {  	s2 =	rddreg [dreg:$0x2]  }
0x4: {  	s4 =	srdreg.scid;
	s3 =	rddreg [dreg:$0x3]  }
0x5: {  	s5 =	stileid.u32;
	s8 =	simm.s32 $0x0;
	s28 =	simm.s32 $0x1E990  }
0x6: {  	s29 =	simm.s32 $0x1F190;
	s6 =	sand.u32 $0x1, s4;
	s4 =	rddreg [dreg:$0x4]  }
0x7: {  	s30 =	simm.s32 $0x9;
	s31 =	simm.s32 $0xA;
	[smem:$0x7FF] =	sst s8  }
0x8: {  	s10 =	sadd.s32 $0xBC00, s2;
	s2 =	sadd.s32 $0x1E00, s2;
	s14 =	smul.u32 $0x14000, s5  }
0x9: {  	s25 =	sadd.s32 $0x138000, s3;
	s22 =	smul.u32 $0x2800, s5;
	s15 =	sadd.s32 $0x12C000, s3  }
0xa: {  	p1 =	seq.s32 s5, $0xF;
	s7 =	sshll.u32 s6, $0x4;
	s26 =	smul.u32 $0x138800, s6  }
0xb: {  	s24 =	ssub.s32 $0x2, s6;
	_ =	strace $0x80000047;
	s18 =	smul.u32 $0x27100, s6  }
0xc: {  	[dreg:$0x6] =	wrdreg s25;
	s16 =	sadd.s32 $0x27000, s4;
	s6 =	smul.u32 $0x4E00, s6  }
0xd: {  	s25 =	smul.u32 $0x4E0, s5;
	s7 =	sor.u32 s5, s7;
	s11 =	sshrl.u32 s24, $0x1  }
0xe: {  	[dreg:$0x8] =	wrdreg s16;
	s9 =	smul.u32 $0x2700, s7;
	s8 =	ssub.s32 s24, s11  }
0xf: {  	s19 =	sshrl.u32 s26, $0x3;
	s20 =	sshrl.u32 s18, $0x3;
	s11 =	sadd.s32 s22, s18  }
0x10: {  	s24 =	sshll.u32 s5, $0x4;
	p0 =	sgt.u32 s7, $0x3;
	s22 =	sadd.s32 s22, s4  }
0x11: {  	s21 =	sadd.s32 s2, s20;
	s23 =	sshrl.u32 s11, $0x3;
	s11 =	smul.u32 $0xA000, s5  }
0x12: {  	s8 =	smax.u32 s8, $0x1;
	s9 =	sshrl.u32 s9, $0x3;
	s2 =	sadd.s32 s2, s23  }
0x13: {  	[dreg:$0x12] =	wrdreg s8;
	s8 =	simm.s32 $0x7;
	s12 =	sadd.s32 s1, s9  }
0x14: {  	s9 =	sadd.s32 s14, s26;
	[dreg:$0xf] =	wrdreg s2;
	s26 =	sadd.s32 s24, s1  }
0x15: {  	s1 =	sadd.s32 s6, s1;
	s24 =	sshrl.u32 s22, $0x3;
	s2 =	simm.s32 $0x16110  }
0x16: {  	s22 =	simm.s32 $0x8;
	s17 =	sadd.s32 $0x9C40, s12;
	s13 =	sadd.s32 $0x10, s12  }
0x17: {  	[dreg:$0x7] =	wrdreg s12;
	s12 =	sadd.s32 $0x9C50, s12;
	s9 =	sshrl.u32 s9, $0x3  }
0x18: {  	s16 =	sadd.s32 s25, s1;
	s18 =	sadd.s32 $0x13840, s26;
	[dreg:$0x14] =	wrdreg s24  }
0x19: {  	s1 =	sshrl.u32 s11, $0x2;
	s25 =	sshrl.u32 s15, $0x3;
	[dreg:$0x9] =	wrdreg s17  }
0x1a: {  	s11 =	sadd.s32 $0x12F800, s3;
	s24 =	simm.s32 $0x16090;
	[dreg:$0xa] =	wrdreg s13  }
0x1b: {  	s15 =	simm.s32 $0x3;
	[dreg:$0xb] =	wrdreg s12;
	s12 =	sadd.s32 s10, s19  }
0x1c: {  	s9 =	sadd.s32 s10, s9;
	s10 =	smul.u32 $0x50000, s5;
	s17 =	sadd.s32 $0x9C00, s26  }
0x1d: {  	[dreg:$0x11] =	wrdreg s18;
	s19 =	sadd.s32 s14, s3;
	s1 =	sadd.s32 s1, s4  }
0x1e: {  	[dreg:$0x15] =	wrdreg s25;
	s13 =	simm.s32 $0x16190;
	s25 =	simm.s32 $0x16010  }
0x1f: {  	s18 =	simm.s32 $0x6;
	s14 =	simm.s32 $0x1A190;
	[dreg:$0xe] =	wrdreg s9  }
0x20: {  	s12 =	sadd.s32 $0x25800, s12;
	[dreg:$0x10] =	wrdreg s17;
	s23 =	sshrl.u32 s19, $0x3  }
.Ltmp0:
0x21: {  	s17 =	simm.s32 $0x1E190;
	s9 =	simm.s32 $0x0;
	(pc) =	sbr.rel .LBB2_1-.Ltmp0, $4  }
0x22: {  	[dreg:$0xc] =	wrdreg s12;
	s12 =	sadd.s32 $0x4B00, s21;
	s6 =	sshrl.u32 s10, $0x2  }
0x23: {  	s21 =	sadd.s32 $0x700, s1;
	[dreg:$0xd] =	wrdreg s12;
	s12 =	sadd.s32 $0x25800, s4  }
0x24: {  	[dreg:$0x13] =	wrdreg s23;
	s20 =	sadd.s32 s6, s3;
	s26 =	sshrl.u32 s12, $0x3  }
0x25: {  	v0 =	vimm.f32 $0.0e+00;
	v1 =	vimm.f32 $1.000000000e+00;
	s6 =	simm.s32 $0x1;
	s12 =	simm.s32 $0x80;
	[dreg:$0x16] =	wrdreg s26  }
.LBB2_18:
0x26: {  	s1 =	rddreg [dreg:$0xc]  }
0x27: {  	s5 =	rddreg [dreg:$0x15];
	s7 =	simm.s32 $0x1FC9  }
0x28: {  	[hbm:s1], [sflag:s7] =	dma.local [spmem:s5], $0x1900  }
0x29: {  	s1 =	rddreg [dreg:$0xd]  }
0x2a: {  	s5 =	rddreg [dreg:$0x16]  }
0x2b: {  	[hbm:s1], [sflag:s7] =	dma.local [spmem:s5], $0x320  }
0x2c: {  	_ =	swait.ge [sflag:s30], $0x1900  }
0x2d: {  	[sflag:s30] =	ssyncset.done $0x0  }
0x2e: {  	[sflag:s30] =	ssyncadd.s32 $0xFFFFE700  }
0x2f: {  	_ =	swait.ge [sflag:s30], $0x320  }
0x30: {  	[sflag:s30] =	ssyncset.done $0x0  }
0x31: {  	[sflag:s30] =	ssyncadd.s32 $0xFFFFFCE0  }
.LBB2_19:
0x32: {  	s9 =	sadd.s32 $0x1, s9;
	s1 =	rddreg [dreg:$0x12]  }
0x33: {  	p2 =	sne.s32 s9, s1  }
.Ltmp1:
0x34: {  	_ = 	snop;
	(pc) =	sbr.rel @!p2 .LBB2_20-.Ltmp1, $1  }
0x35: {  	_ =	sdelay $0x3  }
.LBB2_1:
0x36: {  	s1 =	simm.s32 $0x0  }
0x37: {  	s7 =	sand.u32 $0x1E00, s1  }
0x38: {  	s19 =	sand.u32 $0x70, s1;
	s7 =	sshrl.u32 s7, $0x2  }
0x39: {  	s10 =	simm.s32 $0x40;
	s7 =	sor.u32 s19, s7;
	s19 =	simm.s32 $0x0  }
.LBB2_2:
0x3a: {  	p2 =	sne.s32 s10, $0x1FC0  }
0x3b: {  	[tilespmem:s7+$0x1E990] =	vst v0;
	s19 =	sadd.s32 $0x10, s19;
	s7 =	smov.u32 s10;
	s10 =	sadd.s32 $0x40, s10  }
.Ltmp2:
0x3c: {  	(pc) =	sbr.rel @p2 .LBB2_2-.Ltmp2, $4  }
0x3d: {  	_ = 	snop  }
0x3e: {  	s7 =	sand.u32 $0x1E00, s7  }
0x3f: {  	s26 =	sand.u32 $0x70, s19;
	s7 =	sshrl.u32 s7, $0x2  }
0x40: {  	s7 =	sor.u32 s26, s7  }
0x41: {  	[tilespmem:s7+$0x1E990] =	vst v0  }
0x42: {  	[tilespmem:$0x1F190] =	vst v0  }
0x43: {  	[tilespmem:$0x1F1A0] =	vst v0  }
0x44: {  	[tilespmem:$0x1F1B0] =	vst v0  }
0x45: {  	[tilespmem:$0x1F1C0] =	vst v0  }
0x46: {  	[tilespmem:$0x1F1D0] =	vst v0  }
0x47: {  	[tilespmem:$0x1F1E0] =	vst v0  }
0x48: {  	[tilespmem:$0x1F1F0] =	vst v0  }
0x49: {  	[tilespmem:$0x1F200] =	vst v0  }
0x4a: {  	[tilespmem:$0x1F210] =	vst v0  }
0x4b: {  	[tilespmem:$0x1F220] =	vst v0  }
0x4c: {  	[tilespmem:$0x1F230] =	vst v0  }
0x4d: {  	[tilespmem:$0x1F240] =	vst v0  }
0x4e: {  	[tilespmem:$0x1F250] =	vst v0  }
0x4f: {  	[tilespmem:$0x1F260] =	vst v0  }
0x50: {  	[tilespmem:$0x1F270] =	vst v0  }
0x51: {  	s7 =	simm.s32 $0x40;
	s10 =	simm.s32 $0x0;
	[tilespmem:$0x1F280] =	vst v0  }
.LBB2_4:
0x52: {  	p2 =	sne.s32 s7, $0x1FC0;
	[tilespmem:s10+$0x1E190] =	vst v1;
	s10 =	smov.u32 s7;
	s7 =	sadd.s32 $0x40, s7  }
.Ltmp3:
0x53: {  	(pc) =	sbr.rel @p2 .LBB2_4-.Ltmp3, $2  }
0x54: {  	_ =	sdelay $0x2  }
0x55: {  	s10 =	sshra.s32 s10, $0x2  }
.Ltmp4:
0x56: {  	(pc) =	sbr.rel @!p1 .LBB2_6-.Ltmp4, $2  }
0x57: {  	_ =	sdelay $0x2  }
0x58: {  	[tilespmem:s10+$0x1E190] =	vst v1;
	s10 =	simm.s32 $0x0  }
0x59: {  	s5 =	sadd.s32 $0xFFFFC800, s11;
	s7 =	sshra.s32 s10, $0x2  }
0x5a: {  	[spmem:s5] =	stream.linear.scatter [tilespmem:s28], [sflag:$0x9], $0x800, $0x38;
	[tilespmem:$0x1F290] =	vst v63  }
0x5b: {  	s5 =	sadd.s32 s7, s4  }
0x5c: {  	s7 =	sadd.s32 $0x25800, s5  }
0x5d: {  	[spmem:s7] =	stream.linear.scatter [tilespmem:s29], [sflag:$0x9], $0x100, $0x38;
	[tilespmem:$0x1F290] =	vst v63  }
0x5e: {  	s1 =	sadd.s32 $0xFFFFD000, s11  }
0x5f: {  	[spmem:s1] =	stream.linear.scatter [tilespmem:s28], [sflag:$0x9], $0x800, $0x38;
	[tilespmem:$0x1F290] =	vst v63  }
0x60: {  	s19 =	sadd.s32 $0x25900, s5  }
0x61: {  	[spmem:s19] =	stream.linear.scatter [tilespmem:s29], [sflag:$0x9], $0x100, $0x38;
	[tilespmem:$0x1F290] =	vst v63  }
0x62: {  	s23 =	sadd.s32 $0xFFFFD800, s11  }
0x63: {  	[spmem:s23] =	stream.linear.scatter [tilespmem:s28], [sflag:$0x9], $0x800, $0x38;
	[tilespmem:$0x1F290] =	vst v63  }
0x64: {  	s26 =	sadd.s32 $0x25A00, s5  }
0x65: {  	[spmem:s26] =	stream.linear.scatter [tilespmem:s29], [sflag:$0x9], $0x100, $0x38;
	[tilespmem:$0x1F290] =	vst v63  }
0x66: {  	s1 =	sadd.s32 $0xFFFFE000, s11  }
0x67: {  	[spmem:s1] =	stream.linear.scatter [tilespmem:s28], [sflag:$0x9], $0x800, $0x38;
	[tilespmem:$0x1F290] =	vst v63  }
0x68: {  	s19 =	sadd.s32 $0x25B00, s5  }
0x69: {  	[spmem:s19] =	stream.linear.scatter [tilespmem:s29], [sflag:$0x9], $0x100, $0x38;
	[tilespmem:$0x1F290] =	vst v63  }
0x6a: {  	s23 =	sadd.s32 $0xFFFFE800, s11  }
0x6b: {  	[spmem:s23] =	stream.linear.scatter [tilespmem:s28], [sflag:$0x9], $0x800, $0x38;
	[tilespmem:$0x1F290] =	vst v63  }
0x6c: {  	s26 =	sadd.s32 $0x25C00, s5  }
0x6d: {  	[spmem:s26] =	stream.linear.scatter [tilespmem:s29], [sflag:$0x9], $0x100, $0x38;
	[tilespmem:$0x1F290] =	vst v63  }
0x6e: {  	s1 =	sadd.s32 $0xFFFFF000, s11  }
0x6f: {  	[spmem:s1] =	stream.linear.scatter [tilespmem:s28], [sflag:$0x9], $0x800, $0x38;
	[tilespmem:$0x1F290] =	vst v63  }
0x70: {  	s19 =	sadd.s32 $0x25D00, s5  }
0x71: {  	[spmem:s19] =	stream.linear.scatter [tilespmem:s29], [sflag:$0x9], $0x100, $0x38;
	[tilespmem:$0x1F290] =	vst v63  }
0x72: {  	s23 =	sadd.s32 $0xFFFFF800, s11  }
0x73: {  	[spmem:s23] =	stream.linear.scatter [tilespmem:s28], [sflag:$0x9], $0x800, $0x38;
	[tilespmem:$0x1F290] =	vst v63  }
0x74: {  	s26 =	sadd.s32 $0x25E00, s5  }
0x75: {  	[spmem:s26] =	stream.linear.scatter [tilespmem:s29], [sflag:$0x9], $0x100, $0x38;
	[tilespmem:$0x1F290] =	vst v63  }
0x76: {  	_ = 	snop  }
0x77: {  	[spmem:s11] =	stream.linear.scatter [tilespmem:s28], [sflag:$0x9], $0x800, $0x38;
	[tilespmem:$0x1F290] =	vst v63  }
0x78: {  	s5 =	sadd.s32 $0x25F00, s5  }
0x79: {  	[spmem:s5] =	stream.linear.scatter [tilespmem:s29], [sflag:$0x9], $0x100, $0x38;
	[tilespmem:$0x1F290] =	vst v63  }
0x7a: {  	_ =	swait.ge [sflag:s30], $0x800  }
0x7b: {  	[sflag:s30] =	ssyncset.done $0x0  }
0x7c: {  	[sflag:s30] =	ssyncadd.s32 $0xFFFFF800  }
0x7d: {  	_ =	swait.ge [sflag:s30], $0x100  }
0x7e: {  	[sflag:s30] =	ssyncset.done $0x0  }
0x7f: {  	[sflag:s30] =	ssyncadd.s32 $0xFFFFFF00  }
0x80: {  	_ =	swait.ge [sflag:s30], $0x800  }
0x81: {  	[sflag:s30] =	ssyncset.done $0x0  }
0x82: {  	[sflag:s30] =	ssyncadd.s32 $0xFFFFF800  }
0x83: {  	_ =	swait.ge [sflag:s30], $0x100  }
0x84: {  	[sflag:s30] =	ssyncset.done $0x0  }
0x85: {  	[sflag:s30] =	ssyncadd.s32 $0xFFFFFF00  }
0x86: {  	_ =	swait.ge [sflag:s30], $0x800  }
0x87: {  	[sflag:s30] =	ssyncset.done $0x0  }
0x88: {  	[sflag:s30] =	ssyncadd.s32 $0xFFFFF800  }
0x89: {  	_ =	swait.ge [sflag:s30], $0x100  }
0x8a: {  	[sflag:s30] =	ssyncset.done $0x0  }
0x8b: {  	[sflag:s30] =	ssyncadd.s32 $0xFFFFFF00  }
0x8c: {  	_ =	swait.ge [sflag:s30], $0x800  }
0x8d: {  	[sflag:s30] =	ssyncset.done $0x0  }
0x8e: {  	[sflag:s30] =	ssyncadd.s32 $0xFFFFF800  }
0x8f: {  	_ =	swait.ge [sflag:s30], $0x100  }
0x90: {  	[sflag:s30] =	ssyncset.done $0x0  }
0x91: {  	[sflag:s30] =	ssyncadd.s32 $0xFFFFFF00  }
0x92: {  	_ =	swait.ge [sflag:s30], $0x800  }
0x93: {  	[sflag:s30] =	ssyncset.done $0x0  }
0x94: {  	[sflag:s30] =	ssyncadd.s32 $0xFFFFF800  }
0x95: {  	_ =	swait.ge [sflag:s30], $0x100  }
0x96: {  	[sflag:s30] =	ssyncset.done $0x0  }
0x97: {  	[sflag:s30] =	ssyncadd.s32 $0xFFFFFF00  }
0x98: {  	_ =	swait.ge [sflag:s30], $0x800  }
0x99: {  	[sflag:s30] =	ssyncset.done $0x0  }
0x9a: {  	[sflag:s30] =	ssyncadd.s32 $0xFFFFF800  }
0x9b: {  	_ =	swait.ge [sflag:s30], $0x100  }
0x9c: {  	[sflag:s30] =	ssyncset.done $0x0  }
0x9d: {  	[sflag:s30] =	ssyncadd.s32 $0xFFFFFF00  }
0x9e: {  	_ =	swait.ge [sflag:s30], $0x800  }
0x9f: {  	[sflag:s30] =	ssyncset.done $0x0  }
0xa0: {  	[sflag:s30] =	ssyncadd.s32 $0xFFFFF800  }
0xa1: {  	_ =	swait.ge [sflag:s30], $0x100  }
0xa2: {  	[sflag:s30] =	ssyncset.done $0x0  }
0xa3: {  	[sflag:s30] =	ssyncadd.s32 $0xFFFFFF00  }
0xa4: {  	_ =	swait.ge [sflag:s30], $0x800  }
0xa5: {  	[sflag:s30] =	ssyncset.done $0x0  }
0xa6: {  	[sflag:s30] =	ssyncadd.s32 $0xFFFFF800  }
0xa7: {  	s10 =	sadd.s32 $0x2000, s10;
	s26 =	smov.u32 s11;
	_ =	swait.ge [sflag:s30], $0x100  }
.LBB2_10:
0xa8: {  	p2 =	sne.s32 s10, $0x4000;
	[sflag:s30] =	ssyncset.done $0x0;
	s26 =	sadd.s32 $0x4000, s26  }
0xa9: {  	s7 =	sshra.s32 s10, $0x2;
	s5 =	sadd.s32 $0xFFFFC800, s26;
	[sflag:s30] =	ssyncadd.s32 $0xFFFFFF00  }
0xaa: {  	[spmem:s5] =	stream.linear.scatter [tilespmem:s28], [sflag:$0x9], $0x800, $0x38;
	[tilespmem:$0x1F290] =	vst v63  }
0xab: {  	s10 =	sadd.s32 $0x2000, s10;
	s5 =	sadd.s32 s7, s4  }
0xac: {  	s19 =	sadd.s32 $0xFFFFD000, s26;
	s7 =	sadd.s32 $0x25800, s5  }
0xad: {  	[spmem:s7] =	stream.linear.scatter [tilespmem:s29], [sflag:$0x9], $0x100, $0x38;
	[tilespmem:$0x1F290] =	vst v63  }
0xae: {  	s7 =	sadd.s32 $0x25900, s5  }
0xaf: {  	[spmem:s19] =	stream.linear.scatter [tilespmem:s28], [sflag:$0x9], $0x800, $0x38;
	[tilespmem:$0x1F290] =	vst v63  }
0xb0: {  	s19 =	sadd.s32 $0xFFFFD800, s26  }
0xb1: {  	[spmem:s7] =	stream.linear.scatter [tilespmem:s29], [sflag:$0x9], $0x100, $0x38;
	[tilespmem:$0x1F290] =	vst v63  }
0xb2: {  	s7 =	sadd.s32 $0x25A00, s5  }
0xb3: {  	[spmem:s19] =	stream.linear.scatter [tilespmem:s28], [sflag:$0x9], $0x800, $0x38;
	[tilespmem:$0x1F290] =	vst v63  }
0xb4: {  	s19 =	sadd.s32 $0xFFFFE000, s26  }
0xb5: {  	[spmem:s7] =	stream.linear.scatter [tilespmem:s29], [sflag:$0x9], $0x100, $0x38;
	[tilespmem:$0x1F290] =	vst v63  }
0xb6: {  	s7 =	sadd.s32 $0x25B00, s5  }
0xb7: {  	[spmem:s19] =	stream.linear.scatter [tilespmem:s28], [sflag:$0x9], $0x800, $0x38;
	[tilespmem:$0x1F290] =	vst v63  }
0xb8: {  	s19 =	sadd.s32 $0xFFFFE800, s26  }
0xb9: {  	[spmem:s7] =	stream.linear.scatter [tilespmem:s29], [sflag:$0x9], $0x100, $0x38;
	[tilespmem:$0x1F290] =	vst v63  }
0xba: {  	s7 =	sadd.s32 $0x25C00, s5  }
0xbb: {  	[spmem:s19] =	stream.linear.scatter [tilespmem:s28], [sflag:$0x9], $0x800, $0x38;
	[tilespmem:$0x1F290] =	vst v63  }
0xbc: {  	s19 =	sadd.s32 $0xFFFFF000, s26  }
0xbd: {  	[spmem:s7] =	stream.linear.scatter [tilespmem:s29], [sflag:$0x9], $0x100, $0x38;
	[tilespmem:$0x1F290] =	vst v63  }
0xbe: {  	s7 =	sadd.s32 $0x25D00, s5  }
0xbf: {  	[spmem:s19] =	stream.linear.scatter [tilespmem:s28], [sflag:$0x9], $0x800, $0x38;
	[tilespmem:$0x1F290] =	vst v63  }
0xc0: {  	s19 =	sadd.s32 $0xFFFFF800, s26  }
0xc1: {  	[spmem:s7] =	stream.linear.scatter [tilespmem:s29], [sflag:$0x9], $0x100, $0x38;
	[tilespmem:$0x1F290] =	vst v63  }
0xc2: {  	s7 =	sadd.s32 $0x25E00, s5  }
0xc3: {  	[spmem:s19] =	stream.linear.scatter [tilespmem:s28], [sflag:$0x9], $0x800, $0x38;
	[tilespmem:$0x1F290] =	vst v63  }
0xc4: {  	_ = 	snop  }
0xc5: {  	[spmem:s7] =	stream.linear.scatter [tilespmem:s29], [sflag:$0x9], $0x100, $0x38;
	[tilespmem:$0x1F290] =	vst v63  }
0xc6: {  	s5 =	sadd.s32 $0x25F00, s5  }
0xc7: {  	[spmem:s26] =	stream.linear.scatter [tilespmem:s28], [sflag:$0x9], $0x800, $0x38;
	[tilespmem:$0x1F290] =	vst v63  }
0xc8: {  	_ = 	snop  }
0xc9: {  	[spmem:s5] =	stream.linear.scatter [tilespmem:s29], [sflag:$0x9], $0x100, $0x38;
	[tilespmem:$0x1F290] =	vst v63  }
0xca: {  	_ =	swait.ge [sflag:s30], $0x800  }
0xcb: {  	[sflag:s30] =	ssyncset.done $0x0  }
0xcc: {  	[sflag:s30] =	ssyncadd.s32 $0xFFFFF800  }
0xcd: {  	_ =	swait.ge [sflag:s30], $0x100  }
0xce: {  	[sflag:s30] =	ssyncset.done $0x0  }
0xcf: {  	[sflag:s30] =	ssyncadd.s32 $0xFFFFFF00  }
0xd0: {  	_ =	swait.ge [sflag:s30], $0x800  }
0xd1: {  	[sflag:s30] =	ssyncset.done $0x0  }
0xd2: {  	[sflag:s30] =	ssyncadd.s32 $0xFFFFF800  }
0xd3: {  	_ =	swait.ge [sflag:s30], $0x100  }
0xd4: {  	[sflag:s30] =	ssyncset.done $0x0  }
0xd5: {  	[sflag:s30] =	ssyncadd.s32 $0xFFFFFF00  }
0xd6: {  	_ =	swait.ge [sflag:s30], $0x800  }
0xd7: {  	[sflag:s30] =	ssyncset.done $0x0  }
0xd8: {  	[sflag:s30] =	ssyncadd.s32 $0xFFFFF800  }
0xd9: {  	_ =	swait.ge [sflag:s30], $0x100  }
0xda: {  	[sflag:s30] =	ssyncset.done $0x0  }
0xdb: {  	[sflag:s30] =	ssyncadd.s32 $0xFFFFFF00  }
0xdc: {  	_ =	swait.ge [sflag:s30], $0x800  }
0xdd: {  	[sflag:s30] =	ssyncset.done $0x0  }
0xde: {  	[sflag:s30] =	ssyncadd.s32 $0xFFFFF800  }
0xdf: {  	_ =	swait.ge [sflag:s30], $0x100  }
0xe0: {  	[sflag:s30] =	ssyncset.done $0x0  }
0xe1: {  	[sflag:s30] =	ssyncadd.s32 $0xFFFFFF00  }
0xe2: {  	_ =	swait.ge [sflag:s30], $0x800  }
0xe3: {  	[sflag:s30] =	ssyncset.done $0x0  }
0xe4: {  	[sflag:s30] =	ssyncadd.s32 $0xFFFFF800  }
0xe5: {  	_ =	swait.ge [sflag:s30], $0x100  }
0xe6: {  	[sflag:s30] =	ssyncset.done $0x0  }
0xe7: {  	[sflag:s30] =	ssyncadd.s32 $0xFFFFFF00  }
0xe8: {  	_ =	swait.ge [sflag:s30], $0x800  }
0xe9: {  	[sflag:s30] =	ssyncset.done $0x0  }
0xea: {  	[sflag:s30] =	ssyncadd.s32 $0xFFFFF800  }
0xeb: {  	_ =	swait.ge [sflag:s30], $0x100  }
0xec: {  	[sflag:s30] =	ssyncset.done $0x0  }
0xed: {  	[sflag:s30] =	ssyncadd.s32 $0xFFFFFF00  }
0xee: {  	_ =	swait.ge [sflag:s30], $0x800  }
0xef: {  	[sflag:s30] =	ssyncset.done $0x0  }
0xf0: {  	[sflag:s30] =	ssyncadd.s32 $0xFFFFF800  }
0xf1: {  	_ =	swait.ge [sflag:s30], $0x100  }
0xf2: {  	[sflag:s30] =	ssyncset.done $0x0  }
.Ltmp5:
0xf3: {  	[sflag:s30] =	ssyncadd.s32 $0xFFFFFF00;
	(pc) =	sbr.rel @p2 .LBB2_10-.Ltmp5, $4  }
0xf4: {  	_ =	swait.ge [sflag:s30], $0x800  }
0xf5: {  	[sflag:s30] =	ssyncset.done $0x0  }
0xf6: {  	[sflag:s30] =	ssyncadd.s32 $0xFFFFF800  }
0xf7: {  	_ =	swait.ge [sflag:s30], $0x100  }
0xf8: {  	[sflag:s30] =	ssyncset.done $0x0  }
0xf9: {  	s1 =	rddreg [dreg:$0x6];
	[sflag:s30] =	ssyncadd.s32 $0xFFFFFF00  }
0xfa: {  	[spmem:s1] =	stream.linear.scatter [tilespmem:s28], [sflag:$0xA], $0x800, $0x38;
	[tilespmem:$0x1F290] =	vst v63  }
0xfb: {  	_ =	swait.ge [sflag:s31], $0x800  }
0xfc: {  	[sflag:s31] =	ssyncset.done $0x0  }
.Ltmp6:
0xfd: {  	s26 =	rddreg [dreg:$0x8];
	[sflag:s31] =	ssyncadd.s32 $0xFFFFF800;
	(pc) =	sbr.rel .LBB2_12-.Ltmp6, $4  }
0xfe: {  	[spmem:s26] =	stream.linear.scatter [tilespmem:s29], [sflag:$0xA], $0x100, $0x38;
	[tilespmem:$0x1F290] =	vst v63  }
0xff: {  	_ =	swait.ge [sflag:s31], $0x100  }
0x100: {  	[sflag:s31] =	ssyncset.done $0x0  }
0x101: {  	[sflag:s31] =	ssyncadd.s32 $0xFFFFFF00  }
.LBB2_6:
0x102: {  	s7 =	sadd.s32 $0x0, s20  }
0x103: {  	[spmem:s7] =	stream.linear.scatter [tilespmem:s28], [sflag:$0x9], $0x800, $0x38;
	[tilespmem:$0x1F290] =	vst v63  }
0x104: {  	s10 =	sadd.s32 $0xFFFFF900, s21  }
0x105: {  	[spmem:s10] =	stream.linear.scatter [tilespmem:s29], [sflag:$0x9], $0x100, $0x38;
	[tilespmem:$0x1F290] =	vst v63  }
0x106: {  	s23 =	sadd.s32 $0x800, s7  }
0x107: {  	[spmem:s23] =	stream.linear.scatter [tilespmem:s28], [sflag:$0x9], $0x800, $0x38;
	[tilespmem:$0x1F290] =	vst v63  }
0x108: {  	s26 =	sadd.s32 $0xFFFFFA00, s21  }
0x109: {  	[spmem:s26] =	stream.linear.scatter [tilespmem:s29], [sflag:$0x9], $0x100, $0x38;
	[tilespmem:$0x1F290] =	vst v63  }
0x10a: {  	s1 =	sadd.s32 $0x1000, s7  }
0x10b: {  	[spmem:s1] =	stream.linear.scatter [tilespmem:s28], [sflag:$0x9], $0x800, $0x38;
	[tilespmem:$0x1F290] =	vst v63  }
0x10c: {  	s5 =	sadd.s32 $0xFFFFFB00, s21  }
0x10d: {  	[spmem:s5] =	stream.linear.scatter [tilespmem:s29], [sflag:$0x9], $0x100, $0x38;
	[tilespmem:$0x1F290] =	vst v63  }
0x10e: {  	s19 =	sadd.s32 $0x1800, s7  }
0x10f: {  	[spmem:s19] =	stream.linear.scatter [tilespmem:s28], [sflag:$0x9], $0x800, $0x38;
	[tilespmem:$0x1F290] =	vst v63  }
0x110: {  	s23 =	sadd.s32 $0xFFFFFC00, s21  }
0x111: {  	[spmem:s23] =	stream.linear.scatter [tilespmem:s29], [sflag:$0x9], $0x100, $0x38;
	[tilespmem:$0x1F290] =	vst v63  }
0x112: {  	s26 =	sadd.s32 $0x2000, s7  }
0x113: {  	[spmem:s26] =	stream.linear.scatter [tilespmem:s28], [sflag:$0x9], $0x800, $0x38;
	[tilespmem:$0x1F290] =	vst v63  }
0x114: {  	s1 =	sadd.s32 $0xFFFFFD00, s21  }
0x115: {  	[spmem:s1] =	stream.linear.scatter [tilespmem:s29], [sflag:$0x9], $0x100, $0x38;
	[tilespmem:$0x1F290] =	vst v63  }
0x116: {  	s5 =	sadd.s32 $0x2800, s7  }
0x117: {  	[spmem:s5] =	stream.linear.scatter [tilespmem:s28], [sflag:$0x9], $0x800, $0x38;
	[tilespmem:$0x1F290] =	vst v63  }
0x118: {  	s19 =	sadd.s32 $0xFFFFFE00, s21  }
0x119: {  	[spmem:s19] =	stream.linear.scatter [tilespmem:s29], [sflag:$0x9], $0x100, $0x38;
	[tilespmem:$0x1F290] =	vst v63  }
0x11a: {  	s23 =	sadd.s32 $0x3000, s7  }
0x11b: {  	[spmem:s23] =	stream.linear.scatter [tilespmem:s28], [sflag:$0x9], $0x800, $0x38;
	[tilespmem:$0x1F290] =	vst v63  }
0x11c: {  	s26 =	sadd.s32 $0xFFFFFF00, s21  }
0x11d: {  	[spmem:s26] =	stream.linear.scatter [tilespmem:s29], [sflag:$0x9], $0x100, $0x38;
	[tilespmem:$0x1F290] =	vst v63  }
0x11e: {  	s7 =	sadd.s32 $0x3800, s7  }
0x11f: {  	[spmem:s7] =	stream.linear.scatter [tilespmem:s28], [sflag:$0x9], $0x800, $0x38;
	[tilespmem:$0x1F290] =	vst v63  }
0x120: {  	_ = 	snop  }
0x121: {  	[spmem:s21] =	stream.linear.scatter [tilespmem:s29], [sflag:$0x9], $0x100, $0x38;
	[tilespmem:$0x1F290] =	vst v63  }
0x122: {  	_ =	swait.ge [sflag:s30], $0x800  }
0x123: {  	[sflag:s30] =	ssyncset.done $0x0  }
0x124: {  	[sflag:s30] =	ssyncadd.s32 $0xFFFFF800  }
0x125: {  	_ =	swait.ge [sflag:s30], $0x100  }
0x126: {  	[sflag:s30] =	ssyncset.done $0x0  }
0x127: {  	[sflag:s30] =	ssyncadd.s32 $0xFFFFFF00  }
0x128: {  	_ =	swait.ge [sflag:s30], $0x800  }
0x129: {  	[sflag:s30] =	ssyncset.done $0x0  }
0x12a: {  	[sflag:s30] =	ssyncadd.s32 $0xFFFFF800  }
0x12b: {  	_ =	swait.ge [sflag:s30], $0x100  }
0x12c: {  	[sflag:s30] =	ssyncset.done $0x0  }
0x12d: {  	[sflag:s30] =	ssyncadd.s32 $0xFFFFFF00  }
0x12e: {  	_ =	swait.ge [sflag:s30], $0x800  }
0x12f: {  	[sflag:s30] =	ssyncset.done $0x0  }
0x130: {  	[sflag:s30] =	ssyncadd.s32 $0xFFFFF800  }
0x131: {  	_ =	swait.ge [sflag:s30], $0x100  }
0x132: {  	[sflag:s30] =	ssyncset.done $0x0  }
0x133: {  	[sflag:s30] =	ssyncadd.s32 $0xFFFFFF00  }
0x134: {  	_ =	swait.ge [sflag:s30], $0x800  }
0x135: {  	[sflag:s30] =	ssyncset.done $0x0  }
0x136: {  	[sflag:s30] =	ssyncadd.s32 $0xFFFFF800  }
0x137: {  	_ =	swait.ge [sflag:s30], $0x100  }
0x138: {  	[sflag:s30] =	ssyncset.done $0x0  }
0x139: {  	[sflag:s30] =	ssyncadd.s32 $0xFFFFFF00  }
0x13a: {  	_ =	swait.ge [sflag:s30], $0x800  }
0x13b: {  	[sflag:s30] =	ssyncset.done $0x0  }
0x13c: {  	[sflag:s30] =	ssyncadd.s32 $0xFFFFF800  }
0x13d: {  	_ =	swait.ge [sflag:s30], $0x100  }
0x13e: {  	[sflag:s30] =	ssyncset.done $0x0  }
0x13f: {  	[sflag:s30] =	ssyncadd.s32 $0xFFFFFF00  }
0x140: {  	_ =	swait.ge [sflag:s30], $0x800  }
0x141: {  	[sflag:s30] =	ssyncset.done $0x0  }
0x142: {  	[sflag:s30] =	ssyncadd.s32 $0xFFFFF800  }
0x143: {  	_ =	swait.ge [sflag:s30], $0x100  }
0x144: {  	[sflag:s30] =	ssyncset.done $0x0  }
0x145: {  	[sflag:s30] =	ssyncadd.s32 $0xFFFFFF00  }
0x146: {  	_ =	swait.ge [sflag:s30], $0x800  }
0x147: {  	[sflag:s30] =	ssyncset.done $0x0  }
0x148: {  	[sflag:s30] =	ssyncadd.s32 $0xFFFFF800  }
0x149: {  	_ =	swait.ge [sflag:s30], $0x100  }
0x14a: {  	[sflag:s30] =	ssyncset.done $0x0  }
0x14b: {  	[sflag:s30] =	ssyncadd.s32 $0xFFFFFF00  }
0x14c: {  	_ =	swait.ge [sflag:s30], $0x800  }
0x14d: {  	[sflag:s30] =	ssyncset.done $0x0  }
0x14e: {  	[sflag:s30] =	ssyncadd.s32 $0xFFFFF800  }
0x14f: {  	s10 =	sadd.s32 $0x800, s21;
	_ =	swait.ge [sflag:s30], $0x100  }
0x150: {  	s19 =	simm.s32 $0x4000;
	s26 =	simm.s32 $0x20000;
	[sflag:s30] =	ssyncset.done $0x0  }
.LBB2_7:
0x151: {  	s5 =	sadd.s32 s19, s20  }
0x152: {  	[sflag:s30] =	ssyncadd.s32 $0xFFFFFF00;
	s19 =	smov.u32 s26;
	s7 =	sadd.s32 $0x10000, s26  }
0x153: {  	[spmem:s5] =	stream.linear.scatter [tilespmem:s28], [sflag:$0x9], $0x800, $0x38;
	[tilespmem:$0x1F290] =	vst v63  }
0x154: {  	p2 =	seq.s32 s26, $0x40000;
	s26 =	sadd.s32 $0xFFFFF900, s10  }
0x155: {  	[spmem:s26] =	stream.linear.scatter [tilespmem:s29], [sflag:$0x9], $0x100, $0x38;
	[tilespmem:$0x1F290] =	vst v63  }
0x156: {  	s26 =	sadd.s32 $0x800, s5  }
0x157: {  	[spmem:s26] =	stream.linear.scatter [tilespmem:s28], [sflag:$0x9], $0x800, $0x38;
	[tilespmem:$0x1F290] =	vst v63  }
0x158: {  	s26 =	sadd.s32 $0xFFFFFA00, s10  }
0x159: {  	[spmem:s26] =	stream.linear.scatter [tilespmem:s29], [sflag:$0x9], $0x100, $0x38;
	[tilespmem:$0x1F290] =	vst v63  }
0x15a: {  	s26 =	sadd.s32 $0x1000, s5  }
0x15b: {  	[spmem:s26] =	stream.linear.scatter [tilespmem:s28], [sflag:$0x9], $0x800, $0x38;
	[tilespmem:$0x1F290] =	vst v63  }
0x15c: {  	s26 =	sadd.s32 $0xFFFFFB00, s10  }
0x15d: {  	[spmem:s26] =	stream.linear.scatter [tilespmem:s29], [sflag:$0x9], $0x100, $0x38;
	[tilespmem:$0x1F290] =	vst v63  }
0x15e: {  	s26 =	sadd.s32 $0x1800, s5  }
0x15f: {  	[spmem:s26] =	stream.linear.scatter [tilespmem:s28], [sflag:$0x9], $0x800, $0x38;
	[tilespmem:$0x1F290] =	vst v63  }
0x160: {  	s26 =	sadd.s32 $0xFFFFFC00, s10  }
0x161: {  	[spmem:s26] =	stream.linear.scatter [tilespmem:s29], [sflag:$0x9], $0x100, $0x38;
	[tilespmem:$0x1F290] =	vst v63  }
0x162: {  	s26 =	sadd.s32 $0x2000, s5  }
0x163: {  	[spmem:s26] =	stream.linear.scatter [tilespmem:s28], [sflag:$0x9], $0x800, $0x38;
	[tilespmem:$0x1F290] =	vst v63  }
0x164: {  	s26 =	sadd.s32 $0xFFFFFD00, s10  }
0x165: {  	[spmem:s26] =	stream.linear.scatter [tilespmem:s29], [sflag:$0x9], $0x100, $0x38;
	[tilespmem:$0x1F290] =	vst v63  }
0x166: {  	s26 =	sadd.s32 $0x2800, s5  }
0x167: {  	[spmem:s26] =	stream.linear.scatter [tilespmem:s28], [sflag:$0x9], $0x800, $0x38;
	[tilespmem:$0x1F290] =	vst v63  }
0x168: {  	s26 =	sadd.s32 $0xFFFFFE00, s10  }
0x169: {  	[spmem:s26] =	stream.linear.scatter [tilespmem:s29], [sflag:$0x9], $0x100, $0x38;
	[tilespmem:$0x1F290] =	vst v63  }
0x16a: {  	s26 =	sadd.s32 $0x3000, s5  }
0x16b: {  	[spmem:s26] =	stream.linear.scatter [tilespmem:s28], [sflag:$0x9], $0x800, $0x38;
	[tilespmem:$0x1F290] =	vst v63  }
0x16c: {  	s26 =	sadd.s32 $0xFFFFFF00, s10  }
0x16d: {  	[spmem:s26] =	stream.linear.scatter [tilespmem:s29], [sflag:$0x9], $0x100, $0x38;
	[tilespmem:$0x1F290] =	vst v63  }
0x16e: {  	s5 =	sadd.s32 $0x3800, s5  }
0x16f: {  	[spmem:s5] =	stream.linear.scatter [tilespmem:s28], [sflag:$0x9], $0x800, $0x38;
	[tilespmem:$0x1F290] =	vst v63  }
0x170: {  	_ = 	snop  }
0x171: {  	[spmem:s10] =	stream.linear.scatter [tilespmem:s29], [sflag:$0x9], $0x100, $0x38;
	[tilespmem:$0x1F290] =	vst v63  }
0x172: {  	_ =	swait.ge [sflag:s30], $0x800  }
0x173: {  	[sflag:s30] =	ssyncset.done $0x0  }
0x174: {  	[sflag:s30] =	ssyncadd.s32 $0xFFFFF800  }
0x175: {  	_ =	swait.ge [sflag:s30], $0x100  }
0x176: {  	[sflag:s30] =	ssyncset.done $0x0  }
0x177: {  	[sflag:s30] =	ssyncadd.s32 $0xFFFFFF00  }
0x178: {  	_ =	swait.ge [sflag:s30], $0x800  }
0x179: {  	[sflag:s30] =	ssyncset.done $0x0  }
0x17a: {  	[sflag:s30] =	ssyncadd.s32 $0xFFFFF800  }
0x17b: {  	_ =	swait.ge [sflag:s30], $0x100  }
0x17c: {  	[sflag:s30] =	ssyncset.done $0x0  }
0x17d: {  	[sflag:s30] =	ssyncadd.s32 $0xFFFFFF00  }
0x17e: {  	_ =	swait.ge [sflag:s30], $0x800  }
0x17f: {  	[sflag:s30] =	ssyncset.done $0x0  }
0x180: {  	[sflag:s30] =	ssyncadd.s32 $0xFFFFF800  }
0x181: {  	_ =	swait.ge [sflag:s30], $0x100  }
0x182: {  	[sflag:s30] =	ssyncset.done $0x0  }
0x183: {  	[sflag:s30] =	ssyncadd.s32 $0xFFFFFF00  }
0x184: {  	_ =	swait.ge [sflag:s30], $0x800  }
0x185: {  	[sflag:s30] =	ssyncset.done $0x0  }
0x186: {  	[sflag:s30] =	ssyncadd.s32 $0xFFFFF800  }
0x187: {  	_ =	swait.ge [sflag:s30], $0x100  }
0x188: {  	[sflag:s30] =	ssyncset.done $0x0  }
0x189: {  	[sflag:s30] =	ssyncadd.s32 $0xFFFFFF00  }
0x18a: {  	_ =	swait.ge [sflag:s30], $0x800  }
0x18b: {  	[sflag:s30] =	ssyncset.done $0x0  }
0x18c: {  	[sflag:s30] =	ssyncadd.s32 $0xFFFFF800  }
0x18d: {  	_ =	swait.ge [sflag:s30], $0x100  }
0x18e: {  	[sflag:s30] =	ssyncset.done $0x0  }
0x18f: {  	[sflag:s30] =	ssyncadd.s32 $0xFFFFFF00  }
0x190: {  	_ =	swait.ge [sflag:s30], $0x800  }
0x191: {  	[sflag:s30] =	ssyncset.done $0x0  }
0x192: {  	[sflag:s30] =	ssyncadd.s32 $0xFFFFF800  }
0x193: {  	_ =	swait.ge [sflag:s30], $0x100  }
0x194: {  	[sflag:s30] =	ssyncset.done $0x0  }
0x195: {  	[sflag:s30] =	ssyncadd.s32 $0xFFFFFF00  }
0x196: {  	_ =	swait.ge [sflag:s30], $0x800  }
0x197: {  	[sflag:s30] =	ssyncset.done $0x0  }
0x198: {  	[sflag:s30] =	ssyncadd.s32 $0xFFFFF800  }
0x199: {  	_ =	swait.ge [sflag:s30], $0x100  }
0x19a: {  	[sflag:s30] =	ssyncset.done $0x0  }
0x19b: {  	[sflag:s30] =	ssyncadd.s32 $0xFFFFFF00  }
.Ltmp7:
0x19c: {  	_ =	swait.ge [sflag:s30], $0x800;
	(pc) =	sbr.rel @!p2 .LBB2_7-.Ltmp7, $4  }
0x19d: {  	[sflag:s30] =	ssyncset.done $0x0  }
0x19e: {  	[sflag:s30] =	ssyncadd.s32 $0xFFFFF800  }
0x19f: {  	s19 =	sshra.s32 s19, $0x2;
	_ =	swait.ge [sflag:s30], $0x100  }
0x1a0: {  	s26 =	smov.u32 s7;
	s10 =	sadd.s32 $0x800, s10;
	[sflag:s30] =	ssyncset.done $0x0  }
0x1a1: {  	s5 =	sadd.s32 s19, s20;
	[sflag:s30] =	ssyncadd.s32 $0xFFFFFF00  }
0x1a2: {  	[spmem:s5] =	stream.linear.scatter [tilespmem:s28], [sflag:$0x9], $0x800, $0x38;
	[tilespmem:$0x1F290] =	vst v63  }
0x1a3: {  	s7 =	sadd.s32 $0xFFFFF900, s10  }
0x1a4: {  	[spmem:s7] =	stream.linear.scatter [tilespmem:s29], [sflag:$0x9], $0x100, $0x38;
	[tilespmem:$0x1F290] =	vst v63  }
0x1a5: {  	s1 =	sadd.s32 $0x800, s5  }
0x1a6: {  	[spmem:s1] =	stream.linear.scatter [tilespmem:s28], [sflag:$0x9], $0x800, $0x38;
	[tilespmem:$0x1F290] =	vst v63  }
0x1a7: {  	s19 =	sadd.s32 $0xFFFFFA00, s10  }
0x1a8: {  	[spmem:s19] =	stream.linear.scatter [tilespmem:s29], [sflag:$0x9], $0x100, $0x38;
	[tilespmem:$0x1F290] =	vst v63  }
0x1a9: {  	s23 =	sadd.s32 $0x1000, s5  }
0x1aa: {  	[spmem:s23] =	stream.linear.scatter [tilespmem:s28], [sflag:$0x9], $0x800, $0x38;
	[tilespmem:$0x1F290] =	vst v63  }
0x1ab: {  	s26 =	sadd.s32 $0xFFFFFB00, s10  }
0x1ac: {  	[spmem:s26] =	stream.linear.scatter [tilespmem:s29], [sflag:$0x9], $0x100, $0x38;
	[tilespmem:$0x1F290] =	vst v63  }
0x1ad: {  	s1 =	sadd.s32 $0x1800, s5  }
0x1ae: {  	[spmem:s1] =	stream.linear.scatter [tilespmem:s28], [sflag:$0x9], $0x800, $0x38;
	[tilespmem:$0x1F290] =	vst v63  }
0x1af: {  	s19 =	sadd.s32 $0xFFFFFC00, s10  }
0x1b0: {  	[spmem:s19] =	stream.linear.scatter [tilespmem:s29], [sflag:$0x9], $0x100, $0x38;
	[tilespmem:$0x1F290] =	vst v63  }
0x1b1: {  	s23 =	sadd.s32 $0x2000, s5  }
0x1b2: {  	[spmem:s23] =	stream.linear.scatter [tilespmem:s28], [sflag:$0x9], $0x800, $0x38;
	[tilespmem:$0x1F290] =	vst v63  }
0x1b3: {  	s26 =	sadd.s32 $0xFFFFFD00, s10  }
0x1b4: {  	[spmem:s26] =	stream.linear.scatter [tilespmem:s29], [sflag:$0x9], $0x100, $0x38;
	[tilespmem:$0x1F290] =	vst v63  }
0x1b5: {  	s1 =	sadd.s32 $0x2800, s5  }
0x1b6: {  	[spmem:s1] =	stream.linear.scatter [tilespmem:s28], [sflag:$0x9], $0x800, $0x38;
	[tilespmem:$0x1F290] =	vst v63  }
0x1b7: {  	s19 =	sadd.s32 $0xFFFFFE00, s10  }
0x1b8: {  	[spmem:s19] =	stream.linear.scatter [tilespmem:s29], [sflag:$0x9], $0x100, $0x38;
	[tilespmem:$0x1F290] =	vst v63  }
0x1b9: {  	s23 =	sadd.s32 $0x3000, s5  }
0x1ba: {  	[spmem:s23] =	stream.linear.scatter [tilespmem:s28], [sflag:$0x9], $0x800, $0x38;
	[tilespmem:$0x1F290] =	vst v63  }
0x1bb: {  	s26 =	sadd.s32 $0xFFFFFF00, s10  }
0x1bc: {  	[spmem:s26] =	stream.linear.scatter [tilespmem:s29], [sflag:$0x9], $0x100, $0x38;
	[tilespmem:$0x1F290] =	vst v63  }
0x1bd: {  	s5 =	sadd.s32 $0x3800, s5  }
0x1be: {  	[spmem:s5] =	stream.linear.scatter [tilespmem:s28], [sflag:$0x9], $0x800, $0x38;
	[tilespmem:$0x1F290] =	vst v63  }
0x1bf: {  	_ = 	snop  }
0x1c0: {  	[spmem:s10] =	stream.linear.scatter [tilespmem:s29], [sflag:$0x9], $0x100, $0x38;
	[tilespmem:$0x1F290] =	vst v63  }
0x1c1: {  	_ =	swait.ge [sflag:s30], $0x800  }
0x1c2: {  	[sflag:s30] =	ssyncset.done $0x0  }
0x1c3: {  	[sflag:s30] =	ssyncadd.s32 $0xFFFFF800  }
0x1c4: {  	_ =	swait.ge [sflag:s30], $0x100  }
0x1c5: {  	[sflag:s30] =	ssyncset.done $0x0  }
0x1c6: {  	[sflag:s30] =	ssyncadd.s32 $0xFFFFFF00  }
0x1c7: {  	_ =	swait.ge [sflag:s30], $0x800  }
0x1c8: {  	[sflag:s30] =	ssyncset.done $0x0  }
0x1c9: {  	[sflag:s30] =	ssyncadd.s32 $0xFFFFF800  }
0x1ca: {  	_ =	swait.ge [sflag:s30], $0x100  }
0x1cb: {  	[sflag:s30] =	ssyncset.done $0x0  }
0x1cc: {  	[sflag:s30] =	ssyncadd.s32 $0xFFFFFF00  }
0x1cd: {  	_ =	swait.ge [sflag:s30], $0x800  }
0x1ce: {  	[sflag:s30] =	ssyncset.done $0x0  }
0x1cf: {  	[sflag:s30] =	ssyncadd.s32 $0xFFFFF800  }
0x1d0: {  	_ =	swait.ge [sflag:s30], $0x100  }
0x1d1: {  	[sflag:s30] =	ssyncset.done $0x0  }
0x1d2: {  	[sflag:s30] =	ssyncadd.s32 $0xFFFFFF00  }
0x1d3: {  	_ =	swait.ge [sflag:s30], $0x800  }
0x1d4: {  	[sflag:s30] =	ssyncset.done $0x0  }
0x1d5: {  	[sflag:s30] =	ssyncadd.s32 $0xFFFFF800  }
0x1d6: {  	_ =	swait.ge [sflag:s30], $0x100  }
0x1d7: {  	[sflag:s30] =	ssyncset.done $0x0  }
0x1d8: {  	[sflag:s30] =	ssyncadd.s32 $0xFFFFFF00  }
0x1d9: {  	_ =	swait.ge [sflag:s30], $0x800  }
0x1da: {  	[sflag:s30] =	ssyncset.done $0x0  }
0x1db: {  	[sflag:s30] =	ssyncadd.s32 $0xFFFFF800  }
0x1dc: {  	_ =	swait.ge [sflag:s30], $0x100  }
0x1dd: {  	[sflag:s30] =	ssyncset.done $0x0  }
0x1de: {  	[sflag:s30] =	ssyncadd.s32 $0xFFFFFF00  }
0x1df: {  	_ =	swait.ge [sflag:s30], $0x800  }
0x1e0: {  	[sflag:s30] =	ssyncset.done $0x0  }
0x1e1: {  	[sflag:s30] =	ssyncadd.s32 $0xFFFFF800  }
0x1e2: {  	_ =	swait.ge [sflag:s30], $0x100  }
0x1e3: {  	[sflag:s30] =	ssyncset.done $0x0  }
0x1e4: {  	[sflag:s30] =	ssyncadd.s32 $0xFFFFFF00  }
0x1e5: {  	_ =	swait.ge [sflag:s30], $0x800  }
0x1e6: {  	[sflag:s30] =	ssyncset.done $0x0  }
0x1e7: {  	[sflag:s30] =	ssyncadd.s32 $0xFFFFF800  }
0x1e8: {  	_ =	swait.ge [sflag:s30], $0x100  }
0x1e9: {  	[sflag:s30] =	ssyncset.done $0x0  }
0x1ea: {  	[sflag:s30] =	ssyncadd.s32 $0xFFFFFF00  }
0x1eb: {  	_ =	swait.ge [sflag:s30], $0x800  }
0x1ec: {  	[sflag:s30] =	ssyncset.done $0x0  }
0x1ed: {  	[sflag:s30] =	ssyncadd.s32 $0xFFFFF800  }
0x1ee: {  	_ =	swait.ge [sflag:s30], $0x100  }
0x1ef: {  	[sflag:s30] =	ssyncset.done $0x0  }
0x1f0: {  	[sflag:s30] =	ssyncadd.s32 $0xFFFFFF00  }
.LBB2_12:
0x1f1: {  	[bflag:$0x0] =	sbarrier.arrive $0xFFFF  }
0x1f2: {  	s5 =	simm.s32 $0x0;
	s7 =	simm.s32 $0x15F90;
	s1 =	rddreg [dreg:$0x7]  }
0x1f3: {  	[tilespmem:s7], [sflag:$0xA] =	stream.linear.gather [hbm4b:s1+s5], $0x80, $0x38;
	[tilespmem:$0x1F290] =	vst v63  }
0x1f4: {  	_ =	swait.ge [sflag:s31], $0x80  }
0x1f5: {  	[sflag:s31] =	ssyncset.done $0x0  }
0x1f6: {  	[sflag:s31] =	ssyncadd.s32 $0xFFFFFF80  }
0x1f7: {  	[tilespmem:s13], [sflag:$0x1] =	stream.indirect.gather [hbm4b:s0+s12], $0x80, s7, s12, $0xb8;
	[tilespmem:$0x1F290] =	vst v63  }
0x1f8: {  	s19 =	rddreg [dreg:$0x9]  }
0x1f9: {  	[tilespmem:s24], [sflag:$0x7] =	stream.linear.gather [hbm4b:s19+s5], $0x80, $0x38;
	[tilespmem:$0x1F290] =	vst v63  }
0x1fa: {  	s23 =	rddreg [dreg:$0xa]  }
0x1fb: {  	[tilespmem:s25], [sflag:$0x6] =	stream.linear.gather [hbm4b:s23+s5], $0x80, $0x38;
	[tilespmem:$0x1F290] =	vst v63  }
0x1fc: {  	s26 =	rddreg [dreg:$0xb]  }
0x1fd: {  	[tilespmem:s2], [sflag:$0x8] =	stream.linear.gather [hbm4b:s26+s5], $0x80, $0x38;
	[tilespmem:$0x1F290] =	vst v63  }
0x1fe: {  	p2 =	por $0x0, $0x0;
	_ =	swait.ge [sflag:s6], $0x4000  }
0x1ff: {  	s10 =	simm.s32 @!p2 $0x0;
	s5 =	sadd.s32 @!p2 $0x0, s16;
	[sflag:s6] =	ssyncset.done $0x0  }
0x200: {  	s7 =	simm.s32 @!p2 $0x15F90;
	s5 =	sadd.s32 @!p2 $0x20, s5;
	[sflag:s6] =	ssyncadd.s32 $0xFFFFC000  }
0x201: {  	[tilespmem:s7], [sflag:$0x5] =	stream.linear.gather @!p2 [hbm4b:s5+s10], $0x80, $0x38;
	[tilespmem:$0x1F290] =	vst v63  }
0x202: {  	_ =	swait.ge [sflag:s8], $0x80  }
0x203: {  	[sflag:s8] =	ssyncset.done $0x0  }
0x204: {  	[sflag:s8] =	ssyncadd.s32 $0xFFFFFF80  }
0x205: {  	[spmem:s3] =	stream.indirect.scatter.add.f32 [tilespmem:s13], [sflag:$0x3], $0x80, s24, s12, $0xb8;
	[tilespmem:$0x1F290] =	vst v63  }
0x206: {  	_ = 	snop  }
0x207: {  	[spmem:s4] =	stream.indirect.scatter.add.f32 [tilespmem:s17], [sflag:$0x3], $0x10, s24, s12, $0xb8;
	[tilespmem:$0x1F290] =	vst v63  }
0x208: {  	_ =	swait.ge [sflag:s18], $0x80  }
0x209: {  	p2 =	por $0x1, $0x1;
	[sflag:s18] =	ssyncset.done $0x0  }
0x20a: {  	s5 =	simm.s32 @!p2 $0x4;
	[sflag:s18] =	ssyncadd.s32 $0xFFFFFF80  }
0x20b: {  	_ =	swait.ge @!p2 [sflag:s5], $0x4000  }
0x20c: {  	[sflag:s5] =	ssyncset.done @!p2 $0x0  }
0x20d: {  	[sflag:s5] =	ssyncadd.s32 @!p2 $0xFFFFC000  }
0x20e: {  	_ =	swait.ge @!p2 [sflag:s5], $0x800  }
0x20f: {  	s7 =	sadd.s32 @!p2 $0x0, s16;
	s10 =	simm.s32 @!p2 $0x0;
	[sflag:s5] =	ssyncset.done @!p2 $0x0  }
0x210: {  	s19 =	simm.s32 @!p2 $0x16110;
	s7 =	sadd.s32 @!p2 $0x9C50, s7;
	[sflag:s5] =	ssyncadd.s32 @!p2 $0xFFFFF800  }
0x211: {  	[tilespmem:s19], [sflag:$0x8] =	stream.linear.gather @!p2 [hbm4b:s7+s10], $0x80, $0x38;
	[tilespmem:$0x1F290] =	vst v63  }
0x212: {  	_ = 	snop  }
0x213: {  	[tilespmem:s14], [sflag:$0x2] =	stream.indirect.gather [hbm4b:s0+s12], $0x80, s25, s12, $0xb8;
	[tilespmem:$0x1F290] =	vst v63  }
0x214: {  	_ =	swait.ge [sflag:s15], $0x4000  }
0x215: {  	[sflag:s15] =	ssyncset.done $0x0  }
0x216: {  	p2 =	por $0x1, $0x1;
	[sflag:s15] =	ssyncadd.s32 $0xFFFFC000  }
0x217: {  	s5 =	sadd.s32 @p2 $0x0, s16;
	_ =	swait.ge [sflag:s15], $0x800  }
0x218: {  	s7 =	simm.s32 @p2 $0x0;
	s19 =	simm.s32 @p2 $0x16090;
	[sflag:s15] =	ssyncset.done $0x0  }
0x219: {  	s26 =	simm.s32 @p2 $0x5;
	s10 =	sadd.s32 @p2 $0x9C60, s5;
	[sflag:s15] =	ssyncadd.s32 $0xFFFFF800  }
0x21a: {  	[tilespmem:s19], [sflag:$0x7] =	stream.linear.gather @p2 [hbm4b:s10+s7], $0x80, $0x38;
	[tilespmem:$0x1F290] =	vst v63  }
0x21b: {  	_ =	swait.ge @p2 [sflag:s26], $0x80  }
0x21c: {  	s10 =	simm.s32 @p2 $0x16190;
	[sflag:s26] =	ssyncset.done @p2 $0x0  }
0x21d: {  	s19 =	simm.s32 @p2 $0x80;
	[sflag:s26] =	ssyncadd.s32 @p2 $0xFFFFFF80;
	s26 =	simm.s32 @p2 $0x15F90  }
0x21e: {  	[tilespmem:s10], [sflag:$0x1] =	stream.indirect.gather @p2 [hbm4b:s0+s19], $0x80, s26, s19, $0xb8;
	[tilespmem:$0x1F290] =	vst v63  }
0x21f: {  	s10 =	simm.s32 @p2 $0x2  }
0x220: {  	_ =	swait.ge @p2 [sflag:s10], $0x4000  }
0x221: {  	[sflag:s10] =	ssyncset.done @p2 $0x0  }
0x222: {  	s5 =	sadd.s32 @p2 $0x30, s5;
	[sflag:s10] =	ssyncadd.s32 @p2 $0xFFFFC000;
	s10 =	simm.s32 @p2 $0x16010  }
0x223: {  	[tilespmem:s10], [sflag:$0x6] =	stream.linear.gather @p2 [hbm4b:s5+s7], $0x80, $0x38;
	[tilespmem:$0x1F290] =	vst v63  }
0x224: {  	s5 =	simm.s32 @!p2 $0x2  }
0x225: {  	_ =	swait.ge @!p2 [sflag:s5], $0x4000  }
0x226: {  	[sflag:s5] =	ssyncset.done @!p2 $0x0  }
0x227: {  	[sflag:s5] =	ssyncadd.s32 @!p2 $0xFFFFC000  }
0x228: {  	_ =	swait.ge [sflag:s22], $0x80  }
0x229: {  	[sflag:s22] =	ssyncset.done $0x0  }
0x22a: {  	s10 =	simm.s32 $0x20;
	[sflag:s22] =	ssyncadd.s32 $0xFFFFFF80  }
0x22b: {  	[spmem:s3] =	stream.indirect.scatter.add.f32 [tilespmem:s14], [sflag:$0x4], $0x80, s2, s12, $0xb8;
	[tilespmem:$0x1F290] =	vst v63  }
.LBB2_13:
0x22c: {  	p3 =	seq.s32 s10, $0x4C0;
	s19 =	smov.u32 s10;
	s10 =	sadd.s32 $0x20, s10  }
0x22d: {  	[spmem:s4] =	stream.indirect.scatter.add.f32 [tilespmem:s17], [sflag:$0x4], $0x10, s2, s12, $0xb8;
	[tilespmem:$0x1F290] =	vst v63  }
0x22e: {  	s5 =	sadd.s32 @!p3 s19, s16;
	s7 =	simm.s32 @!p3 $0x15F90;
	_ =	swait.ge [sflag:s6], $0x4000  }
0x22f: {  	s26 =	simm.s32 @!p3 $0x0;
	s5 =	sadd.s32 @!p3 $0x20, s5;
	[sflag:s6] =	ssyncset.done $0x0  }
0x230: {  	p2 =	sne.s32 s10, $0x4E0;
	[sflag:s6] =	ssyncadd.s32 $0xFFFFC000  }
0x231: {  	[tilespmem:s7], [sflag:$0x5] =	stream.linear.gather @!p3 [hbm4b:s5+s26], $0x80, $0x38;
	[tilespmem:$0x1F290] =	vst v63  }
0x232: {  	_ =	swait.ge [sflag:s8], $0x80  }
0x233: {  	[sflag:s8] =	ssyncset.done $0x0  }
0x234: {  	[sflag:s8] =	ssyncadd.s32 $0xFFFFFF80  }
0x235: {  	[spmem:s3] =	stream.indirect.scatter.add.f32 [tilespmem:s13], [sflag:$0x3], $0x80, s24, s12, $0xb8;
	[tilespmem:$0x1F290] =	vst v63  }
0x236: {  	_ = 	snop  }
0x237: {  	[spmem:s4] =	stream.indirect.scatter.add.f32 [tilespmem:s17], [sflag:$0x3], $0x10, s24, s12, $0xb8;
	[tilespmem:$0x1F290] =	vst v63  }
0x238: {  	p3 =	seq.s32 s19, $0x0;
	_ =	swait.ge [sflag:s18], $0x80  }
0x239: {  	s5 =	simm.s32 @!p3 $0x4;
	s7 =	sadd.s32 @!p3 s19, s16;
	[sflag:s18] =	ssyncset.done $0x0  }
0x23a: {  	s7 =	sadd.s32 @!p3 $0x9C50, s7;
	[sflag:s18] =	ssyncadd.s32 $0xFFFFFF80  }
0x23b: {  	_ =	swait.ge @!p3 [sflag:s5], $0x4000  }
0x23c: {  	[sflag:s5] =	ssyncset.done @!p3 $0x0  }
0x23d: {  	[sflag:s5] =	ssyncadd.s32 @!p3 $0xFFFFC000  }
0x23e: {  	_ =	swait.ge @!p3 [sflag:s5], $0x800  }
0x23f: {  	s26 =	simm.s32 @!p3 $0x0;
	s1 =	simm.s32 @!p3 $0x16110;
	[sflag:s5] =	ssyncset.done @!p3 $0x0  }
0x240: {  	[sflag:s5] =	ssyncadd.s32 @!p3 $0xFFFFF800  }
0x241: {  	[tilespmem:s1], [sflag:$0x8] =	stream.linear.gather @!p3 [hbm4b:s7+s26], $0x80, $0x38;
	[tilespmem:$0x1F290] =	vst v63  }
0x242: {  	_ = 	snop  }
0x243: {  	[tilespmem:s14], [sflag:$0x2] =	stream.indirect.gather [hbm4b:s0+s12], $0x80, s25, s12, $0xb8;
	[tilespmem:$0x1F290] =	vst v63  }
0x244: {  	_ =	swait.ge [sflag:s15], $0x4000  }
0x245: {  	[sflag:s15] =	ssyncset.done $0x0  }
0x246: {  	p3 =	sne.s32 s19, $0x4C0;
	[sflag:s15] =	ssyncadd.s32 $0xFFFFC000  }
0x247: {  	s1 =	sadd.s32 @p3 s19, s16;
	s5 =	simm.s32 @p3 $0x0;
	_ =	swait.ge [sflag:s15], $0x800  }
0x248: {  	s19 =	simm.s32 @p3 $0x16090;
	s7 =	sadd.s32 @p3 $0x9C60, s1;
	[sflag:s15] =	ssyncset.done $0x0  }
0x249: {  	s26 =	simm.s32 @p3 $0x5;
	s1 =	sadd.s32 @p3 $0x30, s1;
	[sflag:s15] =	ssyncadd.s32 $0xFFFFF800  }
0x24a: {  	[tilespmem:s19], [sflag:$0x7] =	stream.linear.gather @p3 [hbm4b:s7+s5], $0x80, $0x38;
	[tilespmem:$0x1F290] =	vst v63  }
0x24b: {  	s7 =	simm.s32 @p3 $0x16190;
	_ =	swait.ge @p3 [sflag:s26], $0x80  }
0x24c: {  	s23 =	simm.s32 @p3 $0x15F90;
	s19 =	simm.s32 @p3 $0x80;
	[sflag:s26] =	ssyncset.done @p3 $0x0  }
0x24d: {  	[sflag:s26] =	ssyncadd.s32 @p3 $0xFFFFFF80;
	s26 =	simm.s32 @p3 $0x2  }
0x24e: {  	[tilespmem:s7], [sflag:$0x1] =	stream.indirect.gather @p3 [hbm4b:s0+s19], $0x80, s23, s19, $0xb8;
	[tilespmem:$0x1F290] =	vst v63  }
0x24f: {  	_ =	swait.ge @p3 [sflag:s26], $0x4000  }
0x250: {  	s7 =	simm.s32 @p3 $0x16010;
	[sflag:s26] =	ssyncset.done @p3 $0x0  }
0x251: {  	s19 =	simm.s32 @!p3 $0x2;
	[sflag:s26] =	ssyncadd.s32 @p3 $0xFFFFC000  }
0x252: {  	[tilespmem:s7], [sflag:$0x6] =	stream.linear.gather @p3 [hbm4b:s1+s5], $0x80, $0x38;
	[tilespmem:$0x1F290] =	vst v63  }
0x253: {  	_ =	swait.ge @!p3 [sflag:s19], $0x4000  }
0x254: {  	[sflag:s19] =	ssyncset.done @!p3 $0x0  }
.Ltmp8:
0x255: {  	[sflag:s19] =	ssyncadd.s32 @!p3 $0xFFFFC000;
	(pc) =	sbr.rel @p2 .LBB2_13-.Ltmp8, $4  }
0x256: {  	_ =	swait.ge [sflag:s22], $0x80  }
0x257: {  	[sflag:s22] =	ssyncset.done $0x0  }
0x258: {  	[sflag:s22] =	ssyncadd.s32 $0xFFFFFF80  }
0x259: {  	[spmem:s3] =	stream.indirect.scatter.add.f32 [tilespmem:s14], [sflag:$0x4], $0x80, s2, s12, $0xb8;
	[tilespmem:$0x1F290] =	vst v63  }
0x25a: {  	[spmem:s4] =	stream.indirect.scatter.add.f32 [tilespmem:s17], [sflag:$0x4], $0x10, s2, s12, $0xb8;
	[tilespmem:$0x1F290] =	vst v63  }
0x25b: {  	s1 =	simm.s32 $0x4  }
0x25c: {  	_ =	swait.ge [sflag:s1], $0x4000  }
.Ltmp9:
0x25d: {  	[sflag:s1] =	ssyncset.done $0x0;
	(pc) =	sbr.rel @p0 .LBB2_16-.Ltmp9, $4  }
0x25e: {  	[sflag:s1] =	ssyncadd.s32 $0xFFFFC000  }
0x25f: {  	_ =	swait.ge [sflag:s1], $0x800  }
0x260: {  	[sflag:s1] =	ssyncset.done $0x0  }
0x261: {  	[sflag:s1] =	ssyncadd.s32 $0xFFFFF800  }
0x262: {  	s1 =	simm.s32 $0x0;
	s5 =	rddreg [dreg:$0x10];
	s7 =	simm.s32 $0x15F90  }
0x263: {  	[tilespmem:s7], [sflag:$0xA] =	stream.linear.gather [hbm4b:s5+s1], $0x80, $0x38;
	[tilespmem:$0x1F290] =	vst v63  }
0x264: {  	_ =	swait.ge [sflag:s31], $0x80  }
0x265: {  	[sflag:s31] =	ssyncset.done $0x0  }
0x266: {  	s26 =	rddreg [dreg:$0x11];
	[sflag:s31] =	ssyncadd.s32 $0xFFFFFF80  }
0x267: {  	[tilespmem:s24], [sflag:$0xA] =	stream.linear.gather [hbm4b:s26+s1], $0x80, $0x38;
	[tilespmem:$0x1F290] =	vst v63  }
0x268: {  	_ =	swait.ge [sflag:s31], $0x80  }
0x269: {  	[sflag:s31] =	ssyncset.done $0x0  }
0x26a: {  	[sflag:s31] =	ssyncadd.s32 $0xFFFFFF80  }
0x26b: {  	[tilespmem:s13], [sflag:$0x1] =	stream.indirect.gather [hbm4b:s0+s12], $0x80, s7, s12, $0xb8;
	[tilespmem:$0x1F290] =	vst v63  }
0x26c: {  	_ =	swait.ge [sflag:s6], $0x4000  }
0x26d: {  	[sflag:s6] =	ssyncset.done $0x0  }
0x26e: {  	[sflag:s6] =	ssyncadd.s32 $0xFFFFC000  }
0x26f: {  	[spmem:s3] =	stream.indirect.scatter.add.f32 [tilespmem:s13], [sflag:$0x3], $0x80, s24, s12, $0xb8;
	[tilespmem:$0x1F290] =	vst v63  }
0x270: {  	_ = 	snop  }
0x271: {  	[spmem:s4] =	stream.indirect.scatter.add.f32 [tilespmem:s17], [sflag:$0x3], $0x10, s24, s12, $0xb8;
	[tilespmem:$0x1F290] =	vst v63  }
0x272: {  	_ =	swait.ge [sflag:s15], $0x4000  }
0x273: {  	[sflag:s15] =	ssyncset.done $0x0  }
0x274: {  	[sflag:s15] =	ssyncadd.s32 $0xFFFFC000  }
.Ltmp10:
0x275: {  	_ =	swait.ge [sflag:s15], $0x800;
	(pc) =	sbr.rel .LBB2_17-.Ltmp10, $3  }
0x276: {  	[sflag:s15] =	ssyncset.done $0x0  }
0x277: {  	[sflag:s15] =	ssyncadd.s32 $0xFFFFF800  }
0x278: {  	[bflag:$0x0] =	sbarrier.arrive $0xFFFF;
	_ =	sdelay $0x1  }
.LBB2_16:
.Ltmp11:
0x279: {  	(pc) =	sbr.rel @p1 .LBB2_18-.Ltmp11, $2  }
0x27a: {  	_ =	sdelay $0x1  }
0x27b: {  	[bflag:$0x0] =	sbarrier.arrive $0xFFFF;
	_ =	sdelay $0x1  }
.LBB2_17:
0x27c: {  	s1 =	stileid.u32  }
0x27d: {  	s5 =	rddreg [dreg:$0xe];
	s1 =	sshll.u32 s1, $0x6  }
0x27e: {  	s7 =	rddreg [dreg:$0x13];
	s1 =	sor.u32 $0x1C09, s1  }
0x27f: {  	[hbm:s5], [sflag:s1] =	dma.local [spmem:s7], $0x2800  }
0x280: {  	s5 =	rddreg [dreg:$0xf]  }
0x281: {  	s7 =	rddreg [dreg:$0x14]  }
0x282: {  	[hbm:s5], [sflag:s1] =	dma.local [spmem:s7], $0x500  }
0x283: {  	_ =	swait.ge [sflag:s30], $0x2800  }
.Ltmp12:
0x284: {  	[sflag:s30] =	ssyncset.done $0x0;
	(pc) =	sbr.rel .LBB2_19-.Ltmp12, $4  }
0x285: {  	[sflag:s30] =	ssyncadd.s32 $0xFFFFD800  }
0x286: {  	_ =	swait.ge [sflag:s30], $0x500  }
0x287: {  	[sflag:s30] =	ssyncset.done $0x0  }
0x288: {  	[sflag:s30] =	ssyncadd.s32 $0xFFFFFB00  }
.LBB2_20:
0x289: {  	_ =	sfence.sel $0x180000  }
0x28a: {  	[bflag:$0x0] =	sbarrier.arrive $0xFFFF  }
0x28b: {  	_ =	strace $0x90000047  }
0x28c: {  	s0 =	stileid.u32;
	[bflag:$0x2] =	sbarrier.arrive $0xFFFF  }
0x28d: {  	p0 =	sne.s32 s0, $0x0;
	s0 =	rddreg [dreg:$0x5]  }
0x28e: {  	s0 =	sadd.s32 @!p0 $0x100000, s0  }
0x28f: {  	[sflag:s0] =	ssyncadd.tile.s32 @!p0 $0x1;
	_ =	shalt  }
.Lfunc_end2:
_tile_overlayer_lowered:
.L_overlay_start_2:
0x290: {  	(tag) =	ssettag $0x2  }
0x291: {  	s0 =	rddreg [dreg:$0x0];
	s2 =	stileid.u32  }
0x292: {  	s1 =	rddreg [dreg:$0x1];
	p0 =	sne.s32 s2, $0x0  }
0x293: {  	s3 =	rddreg [dreg:$0x2];
	[bflag:$0x3] =	sbarrier.arrive $0xFFFF;
	s2 =	simm.s32 @!p0 $0x1C0A  }
0x294: {  	[timem:s3], [sflag:s2] =	dma.local @!p0 [hbm:s0], s1  }
0x295: {  	s0 =	simm.s32 @!p0 $0xA  }
0x296: {  	_ =	swait.ge @!p0 [sflag:s0], s1  }
0x297: {  	s1 =	ssub.s32 @!p0 $0x0, s1;
	[sflag:s0] =	ssyncset.done @!p0 $0x0  }
0x298: {  	[sflag:s0] =	ssyncadd.s32 @!p0 s1  }
0x299: {  	[bflag:$0x3] =	sbarrier.arrive $0xFFFF  }
0x29a: {  	_ =	shalt  }

// kernel: kernel.9.cloned.1.call-start
scs
__scs_entry_jumppad:
0x0: {  	(pc) =	sbr.rel $0x88, $3  }
0x1: {  	(tag) =	ssettag $0x0;
	lr =	simm.s32 $0x1  }
0x2: {  	[smem:$0x3F9A] =	sst lr;
	_ =	strace $0xD0000000  }
0x3: {  	_ = 	snop  }
0x4: {  	_ = 	snop  }
0x5: {  	_ = 	snop  }
0x6: {  	_ = 	snop  }
0x7: {  	_ = 	snop  }
__scs_overlays_trampoline_lowered:
0x8: {  	[smem:$0x3FA9] =	sst s0  }
0x9: {  	[smem:$0x3FAA] =	sst s1  }
0xa: {  	[smem:$0x3FAB] =	sst s2  }
0xb: {  	[smem:$0x3FAC] =	sst s3  }
0xc: {  	[smem:$0x3FAD] =	sst s4  }
0xd: {  	[smem:$0x3FAE] =	sst s5  }
0xe: {  	[smem:$0x3FAF] =	sst s6  }
0xf: {  	[smem:$0x3FB0] =	sst s7  }
0x10: {  	[smem:$0x3FB1] =	sst s8  }
0x11: {  	[smem:$0x3FB2] =	sst s9;
	s0 =	simm.s32 @!p0 $0x0  }
0x12: {  	s1 =	sld [smem:$0x3F98];
	s0 =	simm.s32 @p0 $0x1  }
0x13: {  	[smem:$0x3FB3] =	sst s0;
	s0 =	simm.s32 @!p1 $0x0  }
0x14: {  	s2 =	sld [smem:$0x3F97];
	s0 =	simm.s32 @p1 $0x1  }
0x15: {  	[smem:$0x3FB4] =	sst s0;
	s0 =	simm.s32 @!p2 $0x0  }
0x16: {  	s3 =	sld [smem:$0x3FDB];
	s0 =	simm.s32 @p2 $0x1  }
0x17: {  	s4 =	simm.s32 $0x1BF5;
	[smem:$0x3FB6] =	sst s0  }
0x18: {  	s0 =	sld [smem:$0x3F99];
	_ =	swait.ge [sflag:s4], $0x0  }
0x19: {  	s7 =	sld [smem:$0x3F9A]  }
0x1a: {  	s8 =	sadd.s32 $0xFFFFE003, lr  }
0x1b: {  	s9 =	sadd.s32 $0xFFFFFEF7, lr;
	s5 =	simm.s32 $0xFFFFFFFF;
	p2 =	slt.u32 s8, $0xFFFFF086  }
0x1c: {  	p1 =	slt.u32 s9, $0xF7A;
	s5 =	simm.s32 @!p2 $0x0  }
0x1d: {  	s5 =	simm.s32 @p1 $0x1;
	p0 =	seq.s32 s7, s2  }
0x1e: {  	s7 =	smul.u32 @!p0 $0xF7A, s2;
	p2 =	seq.s32 @!p0 s5, $0x0  }
0x1f: {  	s9 =	smul.u32 $0xF7A, s1;
	s8 =	simm.s32 @!p0 $0x1BF5;
	p2 =	por !p2, p0  }
0x20: {  	[sflag:s8] =	ssyncset.s32 @!p0 $0xFFFFF086;
	s6 =	sadd.s32 @!p0 s3, s7;
	s7 =	simm.s32 @!p0 $0x108  }
0x21: {  	s3 =	sadd.s32 s3, s9;
	s6 =	sadd.s32 @!p0 $0x88, s6;
	s7 =	simm.s32 @p2 $0x1082  }
0x22: {  	[simem:s7], [sflag:s8] =	dma.local @!p0 [hbm:s6], $0xF7A  }
0x23: {  	s9 =	sor.u32 $0xD0000000, s2;
	s6 =	simm.s32 $0x108;
	_ =	swait.ge @!p0 [sflag:s8], $0x0  }
0x24: {  	s3 =	sadd.s32 $0x88, s3;
	s6 =	simm.s32 @!p1 $0x1082;
	[sflag:s4] =	ssyncset.s32 $0xFFFFF086  }
0x25: {  	[simem:s6], [sflag:s4] =	dma.local [hbm:s3], $0xF7A  }
0x26: {  	[smem:$0x3F9A] =	sst s1;
	(tag) =	ssettag s2;
	_ =	strace s9  }
0x27: {  	s1 =	sld [smem:$0x3FAA]  }
0x28: {  	s2 =	sld [smem:$0x3FAB]  }
0x29: {  	s4 =	sld [smem:$0x3FAD]  }
0x2a: {  	p0 =	seq.s32 s5, $0x0;
	s5 =	sld [smem:$0x3FAE]  }
0x2b: {  	s6 =	sld [smem:$0x3FAF]  }
0x2c: {  	s7 =	sld [smem:$0x3FB0]  }
0x2d: {  	s3 =	simm.s32 $0x108;
	s8 =	sld [smem:$0x3FB1]  }
0x2e: {  	s3 =	simm.s32 @!p0 $0x1082;
	s9 =	sld [smem:$0x3FB2]  }
0x2f: {  	lr =	sadd.s32 s0, s3;
	s0 =	sld [smem:$0x3FA9]  }
0x30: {  	s3 =	sld [smem:$0x3FAC]  }
0x31: {  	[smem:$0x3FB5] =	sst s10  }
0x32: {  	s10 =	sld [smem:$0x3FB3];
	_ =	sdelay $0x3  }
0x33: {  	p0 =	seq.s32 s10, $0x1;
	s10 =	sld [smem:$0x3FB5];
	_ =	sdelay $0x3  }
0x34: {  	[smem:$0x3FB5] =	sst s10  }
0x35: {  	s10 =	sld [smem:$0x3FB4];
	_ =	sdelay $0x3  }
0x36: {  	p1 =	seq.s32 s10, $0x1;
	s10 =	sld [smem:$0x3FB5];
	_ =	sdelay $0x3  }
0x37: {  	[smem:$0x3FB5] =	sst s10  }
0x38: {  	s10 =	sld [smem:$0x3FB6]  }
0x39: {  	_ = 	snop;
	(pc) =	sbr.ind lr, $3  }
0x3a: {  	_ = 	snop  }
0x3b: {  	_ = 	snop  }
0x3c: {  	p2 =	seq.s32 s10, $0x1;
	s10 =	sld [smem:$0x3FB5]  }
0x3d: {  	_ =	shalt  }
0x3e: {  	_ =	shalt  }
0x3f: {  	_ =	shalt  }
0x40: {  	_ =	shalt  }
0x41: {  	_ =	shalt  }
0x42: {  	_ =	shalt  }
0x43: {  	_ =	shalt  }
0x44: {  	_ =	shalt  }
0x45: {  	_ =	shalt  }
0x46: {  	_ =	shalt  }
0x47: {  	_ =	shalt  }
0x48: {  	_ =	shalt  }
0x49: {  	_ =	shalt  }
0x4a: {  	_ =	shalt  }
0x4b: {  	_ =	shalt  }
0x4c: {  	_ =	shalt  }
0x4d: {  	_ =	shalt  }
0x4e: {  	_ =	shalt  }
0x4f: {  	_ =	shalt  }
0x50: {  	_ =	shalt  }
0x51: {  	_ =	shalt  }
0x52: {  	_ =	shalt  }
0x53: {  	_ =	shalt  }
0x54: {  	_ =	shalt  }
0x55: {  	_ =	shalt  }
0x56: {  	_ =	shalt  }
0x57: {  	_ =	shalt  }
0x58: {  	_ =	shalt  }
0x59: {  	_ =	shalt  }
0x5a: {  	_ =	shalt  }
0x5b: {  	_ =	shalt  }
0x5c: {  	_ =	shalt  }
0x5d: {  	_ =	shalt  }
0x5e: {  	_ =	shalt  }
0x5f: {  	_ =	shalt  }
0x60: {  	_ =	shalt  }
0x61: {  	_ =	shalt  }
0x62: {  	_ =	shalt  }
0x63: {  	_ =	shalt  }
0x64: {  	_ =	shalt  }
0x65: {  	_ =	shalt  }
0x66: {  	_ =	shalt  }
0x67: {  	_ =	shalt  }
0x68: {  	_ =	shalt  }
0x69: {  	_ =	shalt  }
0x6a: {  	_ =	shalt  }
0x6b: {  	_ =	shalt  }
0x6c: {  	_ =	shalt  }
0x6d: {  	_ =	shalt  }
0x6e: {  	_ =	shalt  }
0x6f: {  	_ =	shalt  }
0x70: {  	_ =	shalt  }
0x71: {  	_ =	shalt  }
0x72: {  	_ =	shalt  }
0x73: {  	_ =	shalt  }
0x74: {  	_ =	shalt  }
0x75: {  	_ =	shalt  }
0x76: {  	_ =	shalt  }
0x77: {  	_ =	shalt  }
0x78: {  	_ =	shalt  }
0x79: {  	_ =	shalt  }
0x7a: {  	_ =	shalt  }
0x7b: {  	_ =	shalt  }
0x7c: {  	_ =	shalt  }
0x7d: {  	_ =	shalt  }
0x7e: {  	_ =	shalt  }
0x7f: {  	_ =	shalt  }
0x80: {  	_ =	shalt  }
0x81: {  	_ =	shalt  }
0x82: {  	_ =	shalt  }
0x83: {  	_ =	shalt  }
0x84: {  	_ =	shalt  }
0x85: {  	_ =	shalt  }
0x86: {  	_ =	shalt  }
0x87: {  	_ =	shalt  }
.Lfunc_end0:
.L_simem_size_0:
called_computation.1_lowered:
.L_overlay_start_0:
0x88: {  	s2 =	sld [smem:$0x3FD9]  }
0x89: {  	s3 =	sld [smem:$0x3FFE];
	_ =	sdelay $0x1  }
0x8a: {  	s1 =	srdreg.scid  }
0x8b: {  	s0 =	sand.u32 $0x1, s1  }
0x8c: {  	s17 =	sshll.u32 s0, $0xA;
	s2 =	sadd.s32 s3, s2  }
0x8d: {  	s2 =	sadd.s32 s2, s17  }
0x8e: {  	[smem:$0x3FC1] =	sst s2  }
0x8f: {  	_ = 	snop  }
0x90: {  	s2 =	sld [smem:$0x3FD0];
	(tm) =	ssettm $0x1  }
0x91: {  	s18 =	sld [smem:$0x3FFB];
	_ =	sdelay $0x3  }
0x92: {  	_ =	strace s18  }
0x93: {  	s3 =	sld [smem:$0x3FFC];
	_ =	sdelay $0x3  }
0x94: {  	_ =	strace s3  }
0x95: {  	s3 =	sld [smem:$0x3FFD];
	_ =	sdelay $0x3  }
0x96: {  	_ =	strace s3  }
0x97: {  	_ =	strace $0x8FFFFFFF  }
0x98: {  	s19 =	sld [smem:$0x3FDB];
	_ =	sdelay $0x1  }
0x99: {  	s4 =	simm.s32 $_scs_section_size  }
0x9a: {  	s5 =	simm.s32 $_size__tile_overlayer_lowered;
	s6 =	simm.s32 $_tile_overlayer_lowered  }
0x9b: {  	s22 =	simm.s32 $0x1BFF;
	s21 =	sshll.u32 s6, $0x1;
	s3 =	sadd.s32 s4, s19  }
0x9c: {  	s7 =	simm.s32 $0x0;
	s20 =	sshll.u32 s5, $0x1;
	s5 =	sadd.s32 s21, s3  }
0x9d: {  	[timem:s7], [sflag:s22] =	dma.local [hbm:s5], s20  }
0x9e: {  	_ =	swait.ge [sflag:s22], s20  }
0x9f: {  	s4 =	ssub.s32 $0x0, s20;
	[sflag:s22] =	ssyncset.done $0x0  }
0xa0: {  	[sflag:s22] =	ssyncadd.s32 s4;
	_ =	sdelay $0x1  }
0xa1: {  	s23 =	simm.s32 $0x1B8B  }
0xa2: {  	_ =	swait.ge [sflag:s23], $0x1  }
0xa3: {  	[sflag:s23] =	ssyncset.done $0x0  }
0xa4: {  	s25 =	simm.s32 $0x1B8E;
	s24 =	sld [smem:$0x3FFE];
	[sflag:s23] =	ssyncadd.s32 $0xFFFFFFFF  }
0xa5: {  	s26 =	simm.s32 $execute0_lowered;
	[smem:$0x3FD2] =	sst s25  }
0xa6: {  	s5 =	sshll.u32 s26, $0x1;
	_ =	strace $0x80000049;
	[dreg:$0x1] =	wrdreg $0xFFFFFFFF  }
0xa7: {  	s28 =	simm.s32 $_size_execute0_lowered;
	s3 =	sadd.s32 s3, s5;
	[dreg:$0x0] =	wrdreg $0x0  }
0xa8: {  	s5 =	sshll.u32 s28, $0x1;
	[dreg:$0x2] =	wrdreg s3  }
0xa9: {  	[dreg:$0x3] =	wrdreg s5  }
0xaa: {  	[dreg:$0x4] =	wrdreg $0xC0  }
0xab: {  	_ =	task [dreg:s7], $0x5FFFF  }
0xac: {  	[dreg:$0x1] =	wrdreg $0xFFFFFFFF  }
0xad: {  	[dreg:$0x0] =	wrdreg $0x60  }
0xae: {  	[dreg:$0x2] =	wrdreg s2  }
0xaf: {  	[dreg:$0x3] =	wrdreg s24  }
0xb0: {  	[dreg:$0x4] =	wrdreg $0x0  }
0xb1: {  	[dreg:$0x5] =	wrdreg $0x9C400  }
0xb2: {  	[dreg:$0x6] =	wrdreg $0x9  }
0xb3: {  	_ =	task.clear_ibuf [dreg:s7], $0x7FFFF;
	_ =	strace $0x90000049  }
0xb4: {  	s29 =	simm.s32 $0x9;
	_ =	strace $0x8000004B  }
0xb5: {  	_ =	swait.ge [sflag:s29], $0x1  }
0xb6: {  	[sflag:s29] =	ssyncadd.s32 $0xFFFFFFFF  }
0xb7: {  	_ =	strace $0x9000004B  }
0xb8: {  	_ =	sfence  }
0xb9: {  	s30 =	sld [smem:$0x0];
	_ =	sdelay $0x2  }
0xba: {  	s31 =	sshll.u32 s1, $0xD;
	s1 =	sshrl.u32 s1, $0x2  }
0xbb: {  	s3 =	sand.u32 $0x4000, s31;
	s1 =	sadd.s32 s1, s30  }
0xbc: {  	s0 =	sor.u32 s3, s0;
	s1 =	sshll.u32 s1, $0x11  }
0xbd: {  	s0 =	sor.u32 s1, s0  }
0xbe: {  	s0 =	sadd.s32 $0x8F2B, s0  }
0xbf: {  	[sflag:s0] =	ssyncadd.remote.s32 $0x1  }
0xc0: {  	_ =	sfence.sel $0xFFFF  }
0xc1: {  	[dreg:$0x0] =	wrdreg $0xFFFFFFFF;
	(pc) =	sbr.abs _section_cstart, $3  }
0xc2: {  	[dreg:$0x1] =	wrdreg $0xFFFFFFFF  }
0xc3: {  	_ =	task.clear_ibuf [dreg:s7], $0x2FFFF;
	_ =	strace $0x9FFFFFFF  }
0xc4: {  	(tm) =	ssettm $0x7FFFFFFF  }
0xc5: {  	_ =	shalt  }
tec
execute0_lowered:
.L_overlay_start_1:
0x0: {  	(tag) =	ssettag $0x1  }
0x1: {  	s1 =	rddreg [dreg:$0x0]  }
0x2: {  	s0 =	rddreg [dreg:$0x1]  }
0x3: {  	s2 =	rddreg [dreg:$0x2]  }
0x4: {  	s3 =	rddreg [dreg:$0x3]  }
0x5: {  	s4 =	srdreg.scid;
	s5 =	simm.s32 $0x0;
	s28 =	simm.s32 $0x10D50  }
0x6: {  	s29 =	simm.s32 $0x11150;
	s30 =	simm.s32 $0x9;
	s31 =	simm.s32 $0xA  }
0x7: {  	s4 =	sand.u32 $0x1, s4;
	[smem:$0x7FF] =	sst s5;
	s5 =	stileid.u32  }
0x8: {  	s8 =	sadd.s32 $0x59E00, s0;
	s11 =	sadd.s32 $0xBC00, s0;
	s18 =	smul.u32 $0x9C400, s4  }
0x9: {  	s0 =	sadd.s32 $0x1E00, s0;
	s16 =	sadd.s32 $0x9C000, s2;
	s20 =	smul.u32 $0x27100, s4  }
0xa: {  	s12 =	sadd.s32 $0x27000, s3;
	s6 =	sshll.u32 s4, $0x4;
	s14 =	smul.u32 $0xA000, s5  }
0xb: {  	_ =	strace $0x8000004A;
	[dreg:$0x5] =	wrdreg s16;
	s15 =	smul.u32 $0x2800, s5  }
0xc: {  	s7 =	ssub.s32 $0x2, s4;
	[dreg:$0x6] =	wrdreg s12;
	s4 =	smul.u32 $0x4E00, s4  }
0xd: {  	s24 =	sshll.u32 s5, $0x4;
	s25 =	smul.u32 $0x4E0, s5;
	p1 =	seq.s32 s5, $0xF  }
0xe: {  	s6 =	sor.u32 s5, s6;
	s9 =	sshrl.u32 s7, $0x1;
	s26 =	sadd.s32 s24, s8  }
0xf: {  	s10 =	smul.u32 $0x2700, s6;
	s7 =	ssub.s32 s7, s9;
	s22 =	sshrl.u32 s18, $0x3  }
0x10: {  	s23 =	sshrl.u32 s20, $0x3;
	s9 =	sadd.s32 s15, s20;
	s4 =	sadd.s32 s4, s8  }
0x11: {  	s16 =	sadd.s32 $0x13840, s26;
	p0 =	sgt.u32 s6, $0x3;
	s6 =	simm.s32 $0x1  }
0x12: {  	s9 =	sshrl.u32 s9, $0x3;
	[dreg:$0x10] =	wrdreg s16;
	s7 =	smax.u32 s7, $0x1  }
0x13: {  	s16 =	simm.s32 $0x10550;
	s17 =	sshrl.u32 s10, $0x3;
	s10 =	sadd.s32 s14, s18  }
0x14: {  	s18 =	sadd.s32 s14, s2;
	[dreg:$0x11] =	wrdreg s7;
	s7 =	simm.s32 $0x7  }
0x15: {  	s19 =	sadd.s32 s8, s17;
	s10 =	sshrl.u32 s10, $0x3;
	s17 =	sadd.s32 s25, s4  }
0x16: {  	s4 =	simm.s32 $0xC4D0;
	s13 =	sadd.s32 $0x9C40, s19;
	[dreg:$0x7] =	wrdreg s19  }
0x17: {  	s21 =	sadd.s32 $0x10, s19;
	s12 =	sadd.s32 $0x9C50, s19;
	[dreg:$0x8] =	wrdreg s13  }
0x18: {  	s10 =	sadd.s32 s11, s10;
	s19 =	sadd.s32 s15, s3;
	[dreg:$0x9] =	wrdreg s21  }
0x19: {  	s15 =	simm.s32 $0x3;
	[dreg:$0xa] =	wrdreg s12;
	s12 =	sadd.s32 s11, s22  }
0x1a: {  	s13 =	sadd.s32 s0, s23;
	[dreg:$0xd] =	wrdreg s10;
	s0 =	sadd.s32 s0, s9  }
0x1b: {  	s9 =	sadd.s32 $0x25800, s3;
	s11 =	sadd.s32 $0x9C00, s26;
	s21 =	sshrl.u32 s14, $0x2  }
0x1c: {  	s23 =	sshrl.u32 s18, $0x3;
	s24 =	sshrl.u32 s19, $0x3;
	[dreg:$0xe] =	wrdreg s0  }
0x1d: {  	s18 =	simm.s32 $0x6;
	s14 =	simm.s32 $0xE550;
	[dreg:$0xf] =	wrdreg s11  }
0x1e: {  	s12 =	sadd.s32 $0x12C00, s12;
	s13 =	sadd.s32 $0x4B00, s13;
	[dreg:$0x12] =	wrdreg s23  }
0x1f: {  	s22 =	sadd.s32 s21, s3;
	[dreg:$0x13] =	wrdreg s24;
	s26 =	sshrl.u32 s9, $0x3  }
0x20: {  	s11 =	sadd.s32 $0x97C00, s2;
	s24 =	simm.s32 $0xC450;
	s9 =	simm.s32 $0x0  }
.Ltmp0:
0x21: {  	[dreg:$0xb] =	wrdreg s12;
	s12 =	sadd.s32 $0x96000, s2;
	(pc) =	sbr.rel .LBB2_1-.Ltmp0, $4  }
0x22: {  	[dreg:$0xc] =	wrdreg s13;
	s13 =	smul.u32 $0x28000, s5;
	s21 =	sadd.s32 $0x700, s22  }
0x23: {  	[dreg:$0x15] =	wrdreg s26;
	s22 =	simm.s32 $0x8;
	s25 =	sshrl.u32 s12, $0x3  }
0x24: {  	s12 =	simm.s32 $0x80;
	s0 =	sshrl.u32 s13, $0x2;
	[dreg:$0x14] =	wrdreg s25  }
0x25: {  	v0 =	vimm.f32 $0.0e+00;
	v1 =	vimm.f32 $1.000000000e+00;
	s13 =	simm.s32 $0xC550;
	s25 =	simm.s32 $0xC3D0;
	s20 =	sadd.s32 s0, s2  }
.LBB2_18:
0x26: {  	s0 =	rddreg [dreg:$0xb]  }
0x27: {  	s5 =	rddreg [dreg:$0x14];
	s8 =	simm.s32 $0x1FC9  }
0x28: {  	[hbm:s0], [sflag:s8] =	dma.local [spmem:s5], $0xC80  }
0x29: {  	s0 =	rddreg [dreg:$0xc]  }
0x2a: {  	s5 =	rddreg [dreg:$0x15]  }
0x2b: {  	[hbm:s0], [sflag:s8] =	dma.local [spmem:s5], $0x320  }
0x2c: {  	_ =	swait.ge [sflag:s30], $0xC80  }
0x2d: {  	[sflag:s30] =	ssyncset.done $0x0  }
0x2e: {  	[sflag:s30] =	ssyncadd.s32 $0xFFFFF380  }
0x2f: {  	_ =	swait.ge [sflag:s30], $0x320  }
0x30: {  	[sflag:s30] =	ssyncset.done $0x0  }
0x31: {  	[sflag:s30] =	ssyncadd.s32 $0xFFFFFCE0  }
.LBB2_19:
0x32: {  	s9 =	sadd.s32 $0x1, s9;
	s0 =	rddreg [dreg:$0x11]  }
0x33: {  	p2 =	sne.s32 s9, s0  }
.Ltmp1:
0x34: {  	_ = 	snop;
	(pc) =	sbr.rel @!p2 .LBB2_20-.Ltmp1, $1  }
0x35: {  	_ =	sdelay $0x3  }
.LBB2_1:
0x36: {  	s0 =	simm.s32 $0x0  }
0x37: {  	s8 =	sand.u32 $0xF00, s0  }
0x38: {  	s19 =	sand.u32 $0x30, s0;
	s8 =	sshrl.u32 s8, $0x2  }
0x39: {  	s10 =	simm.s32 $0x40;
	s8 =	sor.u32 s19, s8;
	s19 =	simm.s32 $0x0  }
.LBB2_2:
0x3a: {  	p2 =	sne.s32 s10, $0xFC0  }
0x3b: {  	[tilespmem:s8+$0x10D50] =	vst v0;
	s19 =	sadd.s32 $0x10, s19;
	s8 =	smov.u32 s10;
	s10 =	sadd.s32 $0x40, s10  }
.Ltmp2:
0x3c: {  	(pc) =	sbr.rel @p2 .LBB2_2-.Ltmp2, $4  }
0x3d: {  	_ = 	snop  }
0x3e: {  	s8 =	sand.u32 $0xF00, s8  }
0x3f: {  	s26 =	sand.u32 $0x30, s19;
	s8 =	sshrl.u32 s8, $0x2  }
0x40: {  	s8 =	sor.u32 s26, s8  }
0x41: {  	[tilespmem:s8+$0x10D50] =	vst v0  }
0x42: {  	[tilespmem:$0x11150] =	vst v0  }
0x43: {  	[tilespmem:$0x11160] =	vst v0  }
0x44: {  	[tilespmem:$0x11170] =	vst v0  }
0x45: {  	[tilespmem:$0x11180] =	vst v0  }
0x46: {  	[tilespmem:$0x11190] =	vst v0  }
0x47: {  	[tilespmem:$0x111A0] =	vst v0  }
0x48: {  	[tilespmem:$0x111B0] =	vst v0  }
0x49: {  	[tilespmem:$0x111C0] =	vst v0  }
0x4a: {  	[tilespmem:$0x111D0] =	vst v0  }
0x4b: {  	[tilespmem:$0x111E0] =	vst v0  }
0x4c: {  	[tilespmem:$0x111F0] =	vst v0  }
0x4d: {  	[tilespmem:$0x11200] =	vst v0  }
0x4e: {  	[tilespmem:$0x11210] =	vst v0  }
0x4f: {  	[tilespmem:$0x11220] =	vst v0  }
0x50: {  	[tilespmem:$0x11230] =	vst v0  }
0x51: {  	s8 =	simm.s32 $0x40;
	s10 =	simm.s32 $0x0;
	[tilespmem:$0x11240] =	vst v0  }
.LBB2_4:
0x52: {  	p2 =	sne.s32 s8, $0x1FC0;
	[tilespmem:s10+$0x10550] =	vst v1;
	s10 =	smov.u32 s8;
	s8 =	sadd.s32 $0x40, s8  }
.Ltmp3:
0x53: {  	(pc) =	sbr.rel @p2 .LBB2_4-.Ltmp3, $2  }
0x54: {  	_ =	sdelay $0x2  }
0x55: {  	s10 =	sshra.s32 s10, $0x2  }
.Ltmp4:
0x56: {  	(pc) =	sbr.rel @!p1 .LBB2_6-.Ltmp4, $2  }
0x57: {  	_ =	sdelay $0x2  }
0x58: {  	[tilespmem:s10+$0x10550] =	vst v1;
	s10 =	simm.s32 $0x0  }
0x59: {  	s5 =	sadd.s32 $0xFFFFE400, s11;
	s8 =	sshra.s32 s10, $0x2  }
0x5a: {  	[spmem:s5] =	stream.linear.scatter [tilespmem:s28], [sflag:$0x9], $0x400, $0x38;
	[tilespmem:$0x11250] =	vst v63  }
0x5b: {  	s5 =	sadd.s32 s8, s3  }
0x5c: {  	s8 =	sadd.s32 $0x25800, s5  }
0x5d: {  	[spmem:s8] =	stream.linear.scatter [tilespmem:s29], [sflag:$0x9], $0x100, $0x38;
	[tilespmem:$0x11250] =	vst v63  }
0x5e: {  	s0 =	sadd.s32 $0xFFFFE800, s11  }
0x5f: {  	[spmem:s0] =	stream.linear.scatter [tilespmem:s28], [sflag:$0x9], $0x400, $0x38;
	[tilespmem:$0x11250] =	vst v63  }
0x60: {  	s19 =	sadd.s32 $0x25900, s5  }
0x61: {  	[spmem:s19] =	stream.linear.scatter [tilespmem:s29], [sflag:$0x9], $0x100, $0x38;
	[tilespmem:$0x11250] =	vst v63  }
0x62: {  	s23 =	sadd.s32 $0xFFFFEC00, s11  }
0x63: {  	[spmem:s23] =	stream.linear.scatter [tilespmem:s28], [sflag:$0x9], $0x400, $0x38;
	[tilespmem:$0x11250] =	vst v63  }
0x64: {  	s26 =	sadd.s32 $0x25A00, s5  }
0x65: {  	[spmem:s26] =	stream.linear.scatter [tilespmem:s29], [sflag:$0x9], $0x100, $0x38;
	[tilespmem:$0x11250] =	vst v63  }
0x66: {  	s0 =	sadd.s32 $0xFFFFF000, s11  }
0x67: {  	[spmem:s0] =	stream.linear.scatter [tilespmem:s28], [sflag:$0x9], $0x400, $0x38;
	[tilespmem:$0x11250] =	vst v63  }
0x68: {  	s19 =	sadd.s32 $0x25B00, s5  }
0x69: {  	[spmem:s19] =	stream.linear.scatter [tilespmem:s29], [sflag:$0x9], $0x100, $0x38;
	[tilespmem:$0x11250] =	vst v63  }
0x6a: {  	s23 =	sadd.s32 $0xFFFFF400, s11  }
0x6b: {  	[spmem:s23] =	stream.linear.scatter [tilespmem:s28], [sflag:$0x9], $0x400, $0x38;
	[tilespmem:$0x11250] =	vst v63  }
0x6c: {  	s26 =	sadd.s32 $0x25C00, s5  }
0x6d: {  	[spmem:s26] =	stream.linear.scatter [tilespmem:s29], [sflag:$0x9], $0x100, $0x38;
	[tilespmem:$0x11250] =	vst v63  }
0x6e: {  	s0 =	sadd.s32 $0xFFFFF800, s11  }
0x6f: {  	[spmem:s0] =	stream.linear.scatter [tilespmem:s28], [sflag:$0x9], $0x400, $0x38;
	[tilespmem:$0x11250] =	vst v63  }
0x70: {  	s19 =	sadd.s32 $0x25D00, s5  }
0x71: {  	[spmem:s19] =	stream.linear.scatter [tilespmem:s29], [sflag:$0x9], $0x100, $0x38;
	[tilespmem:$0x11250] =	vst v63  }
0x72: {  	s23 =	sadd.s32 $0xFFFFFC00, s11  }
0x73: {  	[spmem:s23] =	stream.linear.scatter [tilespmem:s28], [sflag:$0x9], $0x400, $0x38;
	[tilespmem:$0x11250] =	vst v63  }
0x74: {  	s26 =	sadd.s32 $0x25E00, s5  }
0x75: {  	[spmem:s26] =	stream.linear.scatter [tilespmem:s29], [sflag:$0x9], $0x100, $0x38;
	[tilespmem:$0x11250] =	vst v63  }
0x76: {  	_ = 	snop  }
0x77: {  	[spmem:s11] =	stream.linear.scatter [tilespmem:s28], [sflag:$0x9], $0x400, $0x38;
	[tilespmem:$0x11250] =	vst v63  }
0x78: {  	s5 =	sadd.s32 $0x25F00, s5  }
0x79: {  	[spmem:s5] =	stream.linear.scatter [tilespmem:s29], [sflag:$0x9], $0x100, $0x38;
	[tilespmem:$0x11250] =	vst v63  }
0x7a: {  	_ =	swait.ge [sflag:s30], $0x400  }
0x7b: {  	[sflag:s30] =	ssyncset.done $0x0  }
0x7c: {  	[sflag:s30] =	ssyncadd.s32 $0xFFFFFC00  }
0x7d: {  	_ =	swait.ge [sflag:s30], $0x100  }
0x7e: {  	[sflag:s30] =	ssyncset.done $0x0  }
0x7f: {  	[sflag:s30] =	ssyncadd.s32 $0xFFFFFF00  }
0x80: {  	_ =	swait.ge [sflag:s30], $0x400  }
0x81: {  	[sflag:s30] =	ssyncset.done $0x0  }
0x82: {  	[sflag:s30] =	ssyncadd.s32 $0xFFFFFC00  }
0x83: {  	_ =	swait.ge [sflag:s30], $0x100  }
0x84: {  	[sflag:s30] =	ssyncset.done $0x0  }
0x85: {  	[sflag:s30] =	ssyncadd.s32 $0xFFFFFF00  }
0x86: {  	_ =	swait.ge [sflag:s30], $0x400  }
0x87: {  	[sflag:s30] =	ssyncset.done $0x0  }
0x88: {  	[sflag:s30] =	ssyncadd.s32 $0xFFFFFC00  }
0x89: {  	_ =	swait.ge [sflag:s30], $0x100  }
0x8a: {  	[sflag:s30] =	ssyncset.done $0x0  }
0x8b: {  	[sflag:s30] =	ssyncadd.s32 $0xFFFFFF00  }
0x8c: {  	_ =	swait.ge [sflag:s30], $0x400  }
0x8d: {  	[sflag:s30] =	ssyncset.done $0x0  }
0x8e: {  	[sflag:s30] =	ssyncadd.s32 $0xFFFFFC00  }
0x8f: {  	_ =	swait.ge [sflag:s30], $0x100  }
0x90: {  	[sflag:s30] =	ssyncset.done $0x0  }
0x91: {  	[sflag:s30] =	ssyncadd.s32 $0xFFFFFF00  }
0x92: {  	_ =	swait.ge [sflag:s30], $0x400  }
0x93: {  	[sflag:s30] =	ssyncset.done $0x0  }
0x94: {  	[sflag:s30] =	ssyncadd.s32 $0xFFFFFC00  }
0x95: {  	_ =	swait.ge [sflag:s30], $0x100  }
0x96: {  	[sflag:s30] =	ssyncset.done $0x0  }
0x97: {  	[sflag:s30] =	ssyncadd.s32 $0xFFFFFF00  }
0x98: {  	_ =	swait.ge [sflag:s30], $0x400  }
0x99: {  	[sflag:s30] =	ssyncset.done $0x0  }
0x9a: {  	[sflag:s30] =	ssyncadd.s32 $0xFFFFFC00  }
0x9b: {  	_ =	swait.ge [sflag:s30], $0x100  }
0x9c: {  	[sflag:s30] =	ssyncset.done $0x0  }
0x9d: {  	[sflag:s30] =	ssyncadd.s32 $0xFFFFFF00  }
0x9e: {  	_ =	swait.ge [sflag:s30], $0x400  }
0x9f: {  	[sflag:s30] =	ssyncset.done $0x0  }
0xa0: {  	[sflag:s30] =	ssyncadd.s32 $0xFFFFFC00  }
0xa1: {  	_ =	swait.ge [sflag:s30], $0x100  }
0xa2: {  	[sflag:s30] =	ssyncset.done $0x0  }
0xa3: {  	[sflag:s30] =	ssyncadd.s32 $0xFFFFFF00  }
0xa4: {  	_ =	swait.ge [sflag:s30], $0x400  }
0xa5: {  	[sflag:s30] =	ssyncset.done $0x0  }
0xa6: {  	[sflag:s30] =	ssyncadd.s32 $0xFFFFFC00  }
0xa7: {  	s10 =	sadd.s32 $0x2000, s10;
	s26 =	smov.u32 s11;
	_ =	swait.ge [sflag:s30], $0x100  }
.LBB2_10:
0xa8: {  	p2 =	sne.s32 s10, $0x4000;
	[sflag:s30] =	ssyncset.done $0x0;
	s26 =	sadd.s32 $0x2000, s26  }
0xa9: {  	s8 =	sshra.s32 s10, $0x2;
	s5 =	sadd.s32 $0xFFFFE400, s26;
	[sflag:s30] =	ssyncadd.s32 $0xFFFFFF00  }
0xaa: {  	[spmem:s5] =	stream.linear.scatter [tilespmem:s28], [sflag:$0x9], $0x400, $0x38;
	[tilespmem:$0x11250] =	vst v63  }
0xab: {  	s10 =	sadd.s32 $0x2000, s10;
	s5 =	sadd.s32 s8, s3  }
0xac: {  	s19 =	sadd.s32 $0xFFFFE800, s26;
	s8 =	sadd.s32 $0x25800, s5  }
0xad: {  	[spmem:s8] =	stream.linear.scatter [tilespmem:s29], [sflag:$0x9], $0x100, $0x38;
	[tilespmem:$0x11250] =	vst v63  }
0xae: {  	s8 =	sadd.s32 $0x25900, s5  }
0xaf: {  	[spmem:s19] =	stream.linear.scatter [tilespmem:s28], [sflag:$0x9], $0x400, $0x38;
	[tilespmem:$0x11250] =	vst v63  }
0xb0: {  	s19 =	sadd.s32 $0xFFFFEC00, s26  }
0xb1: {  	[spmem:s8] =	stream.linear.scatter [tilespmem:s29], [sflag:$0x9], $0x100, $0x38;
	[tilespmem:$0x11250] =	vst v63  }
0xb2: {  	s8 =	sadd.s32 $0x25A00, s5  }
0xb3: {  	[spmem:s19] =	stream.linear.scatter [tilespmem:s28], [sflag:$0x9], $0x400, $0x38;
	[tilespmem:$0x11250] =	vst v63  }
0xb4: {  	s19 =	sadd.s32 $0xFFFFF000, s26  }
0xb5: {  	[spmem:s8] =	stream.linear.scatter [tilespmem:s29], [sflag:$0x9], $0x100, $0x38;
	[tilespmem:$0x11250] =	vst v63  }
0xb6: {  	s8 =	sadd.s32 $0x25B00, s5  }
0xb7: {  	[spmem:s19] =	stream.linear.scatter [tilespmem:s28], [sflag:$0x9], $0x400, $0x38;
	[tilespmem:$0x11250] =	vst v63  }
0xb8: {  	s19 =	sadd.s32 $0xFFFFF400, s26  }
0xb9: {  	[spmem:s8] =	stream.linear.scatter [tilespmem:s29], [sflag:$0x9], $0x100, $0x38;
	[tilespmem:$0x11250] =	vst v63  }
0xba: {  	s8 =	sadd.s32 $0x25C00, s5  }
0xbb: {  	[spmem:s19] =	stream.linear.scatter [tilespmem:s28], [sflag:$0x9], $0x400, $0x38;
	[tilespmem:$0x11250] =	vst v63  }
0xbc: {  	s19 =	sadd.s32 $0xFFFFF800, s26  }
0xbd: {  	[spmem:s8] =	stream.linear.scatter [tilespmem:s29], [sflag:$0x9], $0x100, $0x38;
	[tilespmem:$0x11250] =	vst v63  }
0xbe: {  	s8 =	sadd.s32 $0x25D00, s5  }
0xbf: {  	[spmem:s19] =	stream.linear.scatter [tilespmem:s28], [sflag:$0x9], $0x400, $0x38;
	[tilespmem:$0x11250] =	vst v63  }
0xc0: {  	s19 =	sadd.s32 $0xFFFFFC00, s26  }
0xc1: {  	[spmem:s8] =	stream.linear.scatter [tilespmem:s29], [sflag:$0x9], $0x100, $0x38;
	[tilespmem:$0x11250] =	vst v63  }
0xc2: {  	s8 =	sadd.s32 $0x25E00, s5  }
0xc3: {  	[spmem:s19] =	stream.linear.scatter [tilespmem:s28], [sflag:$0x9], $0x400, $0x38;
	[tilespmem:$0x11250] =	vst v63  }
0xc4: {  	_ = 	snop  }
0xc5: {  	[spmem:s8] =	stream.linear.scatter [tilespmem:s29], [sflag:$0x9], $0x100, $0x38;
	[tilespmem:$0x11250] =	vst v63  }
0xc6: {  	s5 =	sadd.s32 $0x25F00, s5  }
0xc7: {  	[spmem:s26] =	stream.linear.scatter [tilespmem:s28], [sflag:$0x9], $0x400, $0x38;
	[tilespmem:$0x11250] =	vst v63  }
0xc8: {  	_ = 	snop  }
0xc9: {  	[spmem:s5] =	stream.linear.scatter [tilespmem:s29], [sflag:$0x9], $0x100, $0x38;
	[tilespmem:$0x11250] =	vst v63  }
0xca: {  	_ =	swait.ge [sflag:s30], $0x400  }
0xcb: {  	[sflag:s30] =	ssyncset.done $0x0  }
0xcc: {  	[sflag:s30] =	ssyncadd.s32 $0xFFFFFC00  }
0xcd: {  	_ =	swait.ge [sflag:s30], $0x100  }
0xce: {  	[sflag:s30] =	ssyncset.done $0x0  }
0xcf: {  	[sflag:s30] =	ssyncadd.s32 $0xFFFFFF00  }
0xd0: {  	_ =	swait.ge [sflag:s30], $0x400  }
0xd1: {  	[sflag:s30] =	ssyncset.done $0x0  }
0xd2: {  	[sflag:s30] =	ssyncadd.s32 $0xFFFFFC00  }
0xd3: {  	_ =	swait.ge [sflag:s30], $0x100  }
0xd4: {  	[sflag:s30] =	ssyncset.done $0x0  }
0xd5: {  	[sflag:s30] =	ssyncadd.s32 $0xFFFFFF00  }
0xd6: {  	_ =	swait.ge [sflag:s30], $0x400  }
0xd7: {  	[sflag:s30] =	ssyncset.done $0x0  }
0xd8: {  	[sflag:s30] =	ssyncadd.s32 $0xFFFFFC00  }
0xd9: {  	_ =	swait.ge [sflag:s30], $0x100  }
0xda: {  	[sflag:s30] =	ssyncset.done $0x0  }
0xdb: {  	[sflag:s30] =	ssyncadd.s32 $0xFFFFFF00  }
0xdc: {  	_ =	swait.ge [sflag:s30], $0x400  }
0xdd: {  	[sflag:s30] =	ssyncset.done $0x0  }
0xde: {  	[sflag:s30] =	ssyncadd.s32 $0xFFFFFC00  }
0xdf: {  	_ =	swait.ge [sflag:s30], $0x100  }
0xe0: {  	[sflag:s30] =	ssyncset.done $0x0  }
0xe1: {  	[sflag:s30] =	ssyncadd.s32 $0xFFFFFF00  }
0xe2: {  	_ =	swait.ge [sflag:s30], $0x400  }
0xe3: {  	[sflag:s30] =	ssyncset.done $0x0  }
0xe4: {  	[sflag:s30] =	ssyncadd.s32 $0xFFFFFC00  }
0xe5: {  	_ =	swait.ge [sflag:s30], $0x100  }
0xe6: {  	[sflag:s30] =	ssyncset.done $0x0  }
0xe7: {  	[sflag:s30] =	ssyncadd.s32 $0xFFFFFF00  }
0xe8: {  	_ =	swait.ge [sflag:s30], $0x400  }
0xe9: {  	[sflag:s30] =	ssyncset.done $0x0  }
0xea: {  	[sflag:s30] =	ssyncadd.s32 $0xFFFFFC00  }
0xeb: {  	_ =	swait.ge [sflag:s30], $0x100  }
0xec: {  	[sflag:s30] =	ssyncset.done $0x0  }
0xed: {  	[sflag:s30] =	ssyncadd.s32 $0xFFFFFF00  }
0xee: {  	_ =	swait.ge [sflag:s30], $0x400  }
0xef: {  	[sflag:s30] =	ssyncset.done $0x0  }
0xf0: {  	[sflag:s30] =	ssyncadd.s32 $0xFFFFFC00  }
0xf1: {  	_ =	swait.ge [sflag:s30], $0x100  }
0xf2: {  	[sflag:s30] =	ssyncset.done $0x0  }
.Ltmp5:
0xf3: {  	[sflag:s30] =	ssyncadd.s32 $0xFFFFFF00;
	(pc) =	sbr.rel @p2 .LBB2_10-.Ltmp5, $4  }
0xf4: {  	_ =	swait.ge [sflag:s30], $0x400  }
0xf5: {  	[sflag:s30] =	ssyncset.done $0x0  }
0xf6: {  	[sflag:s30] =	ssyncadd.s32 $0xFFFFFC00  }
0xf7: {  	_ =	swait.ge [sflag:s30], $0x100  }
0xf8: {  	[sflag:s30] =	ssyncset.done $0x0  }
0xf9: {  	s0 =	rddreg [dreg:$0x5];
	[sflag:s30] =	ssyncadd.s32 $0xFFFFFF00  }
0xfa: {  	[spmem:s0] =	stream.linear.scatter [tilespmem:s28], [sflag:$0xA], $0x400, $0x38;
	[tilespmem:$0x11250] =	vst v63  }
0xfb: {  	_ =	swait.ge [sflag:s31], $0x400  }
0xfc: {  	[sflag:s31] =	ssyncset.done $0x0  }
.Ltmp6:
0xfd: {  	s26 =	rddreg [dreg:$0x6];
	[sflag:s31] =	ssyncadd.s32 $0xFFFFFC00;
	(pc) =	sbr.rel .LBB2_12-.Ltmp6, $4  }
0xfe: {  	[spmem:s26] =	stream.linear.scatter [tilespmem:s29], [sflag:$0xA], $0x100, $0x38;
	[tilespmem:$0x11250] =	vst v63  }
0xff: {  	_ =	swait.ge [sflag:s31], $0x100  }
0x100: {  	[sflag:s31] =	ssyncset.done $0x0  }
0x101: {  	[sflag:s31] =	ssyncadd.s32 $0xFFFFFF00  }
.LBB2_6:
0x102: {  	s8 =	sadd.s32 $0x0, s20  }
0x103: {  	[spmem:s8] =	stream.linear.scatter [tilespmem:s28], [sflag:$0x9], $0x400, $0x38;
	[tilespmem:$0x11250] =	vst v63  }
0x104: {  	s10 =	sadd.s32 $0xFFFFF900, s21  }
0x105: {  	[spmem:s10] =	stream.linear.scatter [tilespmem:s29], [sflag:$0x9], $0x100, $0x38;
	[tilespmem:$0x11250] =	vst v63  }
0x106: {  	s23 =	sadd.s32 $0x400, s8  }
0x107: {  	[spmem:s23] =	stream.linear.scatter [tilespmem:s28], [sflag:$0x9], $0x400, $0x38;
	[tilespmem:$0x11250] =	vst v63  }
0x108: {  	s26 =	sadd.s32 $0xFFFFFA00, s21  }
0x109: {  	[spmem:s26] =	stream.linear.scatter [tilespmem:s29], [sflag:$0x9], $0x100, $0x38;
	[tilespmem:$0x11250] =	vst v63  }
0x10a: {  	s0 =	sadd.s32 $0x800, s8  }
0x10b: {  	[spmem:s0] =	stream.linear.scatter [tilespmem:s28], [sflag:$0x9], $0x400, $0x38;
	[tilespmem:$0x11250] =	vst v63  }
0x10c: {  	s5 =	sadd.s32 $0xFFFFFB00, s21  }
0x10d: {  	[spmem:s5] =	stream.linear.scatter [tilespmem:s29], [sflag:$0x9], $0x100, $0x38;
	[tilespmem:$0x11250] =	vst v63  }
0x10e: {  	s19 =	sadd.s32 $0xC00, s8  }
0x10f: {  	[spmem:s19] =	stream.linear.scatter [tilespmem:s28], [sflag:$0x9], $0x400, $0x38;
	[tilespmem:$0x11250] =	vst v63  }
0x110: {  	s23 =	sadd.s32 $0xFFFFFC00, s21  }
0x111: {  	[spmem:s23] =	stream.linear.scatter [tilespmem:s29], [sflag:$0x9], $0x100, $0x38;
	[tilespmem:$0x11250] =	vst v63  }
0x112: {  	s26 =	sadd.s32 $0x1000, s8  }
0x113: {  	[spmem:s26] =	stream.linear.scatter [tilespmem:s28], [sflag:$0x9], $0x400, $0x38;
	[tilespmem:$0x11250] =	vst v63  }
0x114: {  	s0 =	sadd.s32 $0xFFFFFD00, s21  }
0x115: {  	[spmem:s0] =	stream.linear.scatter [tilespmem:s29], [sflag:$0x9], $0x100, $0x38;
	[tilespmem:$0x11250] =	vst v63  }
0x116: {  	s5 =	sadd.s32 $0x1400, s8  }
0x117: {  	[spmem:s5] =	stream.linear.scatter [tilespmem:s28], [sflag:$0x9], $0x400, $0x38;
	[tilespmem:$0x11250] =	vst v63  }
0x118: {  	s19 =	sadd.s32 $0xFFFFFE00, s21  }
0x119: {  	[spmem:s19] =	stream.linear.scatter [tilespmem:s29], [sflag:$0x9], $0x100, $0x38;
	[tilespmem:$0x11250] =	vst v63  }
0x11a: {  	s23 =	sadd.s32 $0x1800, s8  }
0x11b: {  	[spmem:s23] =	stream.linear.scatter [tilespmem:s28], [sflag:$0x9], $0x400, $0x38;
	[tilespmem:$0x11250] =	vst v63  }
0x11c: {  	s26 =	sadd.s32 $0xFFFFFF00, s21  }
0x11d: {  	[spmem:s26] =	stream.linear.scatter [tilespmem:s29], [sflag:$0x9], $0x100, $0x38;
	[tilespmem:$0x11250] =	vst v63  }
0x11e: {  	s8 =	sadd.s32 $0x1C00, s8  }
0x11f: {  	[spmem:s8] =	stream.linear.scatter [tilespmem:s28], [sflag:$0x9], $0x400, $0x38;
	[tilespmem:$0x11250] =	vst v63  }
0x120: {  	_ = 	snop  }
0x121: {  	[spmem:s21] =	stream.linear.scatter [tilespmem:s29], [sflag:$0x9], $0x100, $0x38;
	[tilespmem:$0x11250] =	vst v63  }
0x122: {  	_ =	swait.ge [sflag:s30], $0x400  }
0x123: {  	[sflag:s30] =	ssyncset.done $0x0  }
0x124: {  	[sflag:s30] =	ssyncadd.s32 $0xFFFFFC00  }
0x125: {  	_ =	swait.ge [sflag:s30], $0x100  }
0x126: {  	[sflag:s30] =	ssyncset.done $0x0  }
0x127: {  	[sflag:s30] =	ssyncadd.s32 $0xFFFFFF00  }
0x128: {  	_ =	swait.ge [sflag:s30], $0x400  }
0x129: {  	[sflag:s30] =	ssyncset.done $0x0  }
0x12a: {  	[sflag:s30] =	ssyncadd.s32 $0xFFFFFC00  }
0x12b: {  	_ =	swait.ge [sflag:s30], $0x100  }
0x12c: {  	[sflag:s30] =	ssyncset.done $0x0  }
0x12d: {  	[sflag:s30] =	ssyncadd.s32 $0xFFFFFF00  }
0x12e: {  	_ =	swait.ge [sflag:s30], $0x400  }
0x12f: {  	[sflag:s30] =	ssyncset.done $0x0  }
0x130: {  	[sflag:s30] =	ssyncadd.s32 $0xFFFFFC00  }
0x131: {  	_ =	swait.ge [sflag:s30], $0x100  }
0x132: {  	[sflag:s30] =	ssyncset.done $0x0  }
0x133: {  	[sflag:s30] =	ssyncadd.s32 $0xFFFFFF00  }
0x134: {  	_ =	swait.ge [sflag:s30], $0x400  }
0x135: {  	[sflag:s30] =	ssyncset.done $0x0  }
0x136: {  	[sflag:s30] =	ssyncadd.s32 $0xFFFFFC00  }
0x137: {  	_ =	swait.ge [sflag:s30], $0x100  }
0x138: {  	[sflag:s30] =	ssyncset.done $0x0  }
0x139: {  	[sflag:s30] =	ssyncadd.s32 $0xFFFFFF00  }
0x13a: {  	_ =	swait.ge [sflag:s30], $0x400  }
0x13b: {  	[sflag:s30] =	ssyncset.done $0x0  }
0x13c: {  	[sflag:s30] =	ssyncadd.s32 $0xFFFFFC00  }
0x13d: {  	_ =	swait.ge [sflag:s30], $0x100  }
0x13e: {  	[sflag:s30] =	ssyncset.done $0x0  }
0x13f: {  	[sflag:s30] =	ssyncadd.s32 $0xFFFFFF00  }
0x140: {  	_ =	swait.ge [sflag:s30], $0x400  }
0x141: {  	[sflag:s30] =	ssyncset.done $0x0  }
0x142: {  	[sflag:s30] =	ssyncadd.s32 $0xFFFFFC00  }
0x143: {  	_ =	swait.ge [sflag:s30], $0x100  }
0x144: {  	[sflag:s30] =	ssyncset.done $0x0  }
0x145: {  	[sflag:s30] =	ssyncadd.s32 $0xFFFFFF00  }
0x146: {  	_ =	swait.ge [sflag:s30], $0x400  }
0x147: {  	[sflag:s30] =	ssyncset.done $0x0  }
0x148: {  	[sflag:s30] =	ssyncadd.s32 $0xFFFFFC00  }
0x149: {  	_ =	swait.ge [sflag:s30], $0x100  }
0x14a: {  	[sflag:s30] =	ssyncset.done $0x0  }
0x14b: {  	[sflag:s30] =	ssyncadd.s32 $0xFFFFFF00  }
0x14c: {  	_ =	swait.ge [sflag:s30], $0x400  }
0x14d: {  	[sflag:s30] =	ssyncset.done $0x0  }
0x14e: {  	[sflag:s30] =	ssyncadd.s32 $0xFFFFFC00  }
0x14f: {  	s10 =	sadd.s32 $0x800, s21;
	_ =	swait.ge [sflag:s30], $0x100  }
0x150: {  	s19 =	simm.s32 $0x2000;
	s26 =	simm.s32 $0x10000;
	[sflag:s30] =	ssyncset.done $0x0  }
.LBB2_7:
0x151: {  	s5 =	sadd.s32 s19, s20  }
0x152: {  	[sflag:s30] =	ssyncadd.s32 $0xFFFFFF00;
	s19 =	smov.u32 s26;
	s8 =	sadd.s32 $0x8000, s26  }
0x153: {  	[spmem:s5] =	stream.linear.scatter [tilespmem:s28], [sflag:$0x9], $0x400, $0x38;
	[tilespmem:$0x11250] =	vst v63  }
0x154: {  	p2 =	seq.s32 s26, $0x20000;
	s26 =	sadd.s32 $0xFFFFF900, s10  }
0x155: {  	[spmem:s26] =	stream.linear.scatter [tilespmem:s29], [sflag:$0x9], $0x100, $0x38;
	[tilespmem:$0x11250] =	vst v63  }
0x156: {  	s26 =	sadd.s32 $0x400, s5  }
0x157: {  	[spmem:s26] =	stream.linear.scatter [tilespmem:s28], [sflag:$0x9], $0x400, $0x38;
	[tilespmem:$0x11250] =	vst v63  }
0x158: {  	s26 =	sadd.s32 $0xFFFFFA00, s10  }
0x159: {  	[spmem:s26] =	stream.linear.scatter [tilespmem:s29], [sflag:$0x9], $0x100, $0x38;
	[tilespmem:$0x11250] =	vst v63  }
0x15a: {  	s26 =	sadd.s32 $0x800, s5  }
0x15b: {  	[spmem:s26] =	stream.linear.scatter [tilespmem:s28], [sflag:$0x9], $0x400, $0x38;
	[tilespmem:$0x11250] =	vst v63  }
0x15c: {  	s26 =	sadd.s32 $0xFFFFFB00, s10  }
0x15d: {  	[spmem:s26] =	stream.linear.scatter [tilespmem:s29], [sflag:$0x9], $0x100, $0x38;
	[tilespmem:$0x11250] =	vst v63  }
0x15e: {  	s26 =	sadd.s32 $0xC00, s5  }
0x15f: {  	[spmem:s26] =	stream.linear.scatter [tilespmem:s28], [sflag:$0x9], $0x400, $0x38;
	[tilespmem:$0x11250] =	vst v63  }
0x160: {  	s26 =	sadd.s32 $0xFFFFFC00, s10  }
0x161: {  	[spmem:s26] =	stream.linear.scatter [tilespmem:s29], [sflag:$0x9], $0x100, $0x38;
	[tilespmem:$0x11250] =	vst v63  }
0x162: {  	s26 =	sadd.s32 $0x1000, s5  }
0x163: {  	[spmem:s26] =	stream.linear.scatter [tilespmem:s28], [sflag:$0x9], $0x400, $0x38;
	[tilespmem:$0x11250] =	vst v63  }
0x164: {  	s26 =	sadd.s32 $0xFFFFFD00, s10  }
0x165: {  	[spmem:s26] =	stream.linear.scatter [tilespmem:s29], [sflag:$0x9], $0x100, $0x38;
	[tilespmem:$0x11250] =	vst v63  }
0x166: {  	s26 =	sadd.s32 $0x1400, s5  }
0x167: {  	[spmem:s26] =	stream.linear.scatter [tilespmem:s28], [sflag:$0x9], $0x400, $0x38;
	[tilespmem:$0x11250] =	vst v63  }
0x168: {  	s26 =	sadd.s32 $0xFFFFFE00, s10  }
0x169: {  	[spmem:s26] =	stream.linear.scatter [tilespmem:s29], [sflag:$0x9], $0x100, $0x38;
	[tilespmem:$0x11250] =	vst v63  }
0x16a: {  	s26 =	sadd.s32 $0x1800, s5  }
0x16b: {  	[spmem:s26] =	stream.linear.scatter [tilespmem:s28], [sflag:$0x9], $0x400, $0x38;
	[tilespmem:$0x11250] =	vst v63  }
0x16c: {  	s26 =	sadd.s32 $0xFFFFFF00, s10  }
0x16d: {  	[spmem:s26] =	stream.linear.scatter [tilespmem:s29], [sflag:$0x9], $0x100, $0x38;
	[tilespmem:$0x11250] =	vst v63  }
0x16e: {  	s5 =	sadd.s32 $0x1C00, s5  }
0x16f: {  	[spmem:s5] =	stream.linear.scatter [tilespmem:s28], [sflag:$0x9], $0x400, $0x38;
	[tilespmem:$0x11250] =	vst v63  }
0x170: {  	_ = 	snop  }
0x171: {  	[spmem:s10] =	stream.linear.scatter [tilespmem:s29], [sflag:$0x9], $0x100, $0x38;
	[tilespmem:$0x11250] =	vst v63  }
0x172: {  	_ =	swait.ge [sflag:s30], $0x400  }
0x173: {  	[sflag:s30] =	ssyncset.done $0x0  }
0x174: {  	[sflag:s30] =	ssyncadd.s32 $0xFFFFFC00  }
0x175: {  	_ =	swait.ge [sflag:s30], $0x100  }
0x176: {  	[sflag:s30] =	ssyncset.done $0x0  }
0x177: {  	[sflag:s30] =	ssyncadd.s32 $0xFFFFFF00  }
0x178: {  	_ =	swait.ge [sflag:s30], $0x400  }
0x179: {  	[sflag:s30] =	ssyncset.done $0x0  }
0x17a: {  	[sflag:s30] =	ssyncadd.s32 $0xFFFFFC00  }
0x17b: {  	_ =	swait.ge [sflag:s30], $0x100  }
0x17c: {  	[sflag:s30] =	ssyncset.done $0x0  }
0x17d: {  	[sflag:s30] =	ssyncadd.s32 $0xFFFFFF00  }
0x17e: {  	_ =	swait.ge [sflag:s30], $0x400  }
0x17f: {  	[sflag:s30] =	ssyncset.done $0x0  }
0x180: {  	[sflag:s30] =	ssyncadd.s32 $0xFFFFFC00  }
0x181: {  	_ =	swait.ge [sflag:s30], $0x100  }
0x182: {  	[sflag:s30] =	ssyncset.done $0x0  }
0x183: {  	[sflag:s30] =	ssyncadd.s32 $0xFFFFFF00  }
0x184: {  	_ =	swait.ge [sflag:s30], $0x400  }
0x185: {  	[sflag:s30] =	ssyncset.done $0x0  }
0x186: {  	[sflag:s30] =	ssyncadd.s32 $0xFFFFFC00  }
0x187: {  	_ =	swait.ge [sflag:s30], $0x100  }
0x188: {  	[sflag:s30] =	ssyncset.done $0x0  }
0x189: {  	[sflag:s30] =	ssyncadd.s32 $0xFFFFFF00  }
0x18a: {  	_ =	swait.ge [sflag:s30], $0x400  }
0x18b: {  	[sflag:s30] =	ssyncset.done $0x0  }
0x18c: {  	[sflag:s30] =	ssyncadd.s32 $0xFFFFFC00  }
0x18d: {  	_ =	swait.ge [sflag:s30], $0x100  }
0x18e: {  	[sflag:s30] =	ssyncset.done $0x0  }
0x18f: {  	[sflag:s30] =	ssyncadd.s32 $0xFFFFFF00  }
0x190: {  	_ =	swait.ge [sflag:s30], $0x400  }
0x191: {  	[sflag:s30] =	ssyncset.done $0x0  }
0x192: {  	[sflag:s30] =	ssyncadd.s32 $0xFFFFFC00  }
0x193: {  	_ =	swait.ge [sflag:s30], $0x100  }
0x194: {  	[sflag:s30] =	ssyncset.done $0x0  }
0x195: {  	[sflag:s30] =	ssyncadd.s32 $0xFFFFFF00  }
0x196: {  	_ =	swait.ge [sflag:s30], $0x400  }
0x197: {  	[sflag:s30] =	ssyncset.done $0x0  }
0x198: {  	[sflag:s30] =	ssyncadd.s32 $0xFFFFFC00  }
0x199: {  	_ =	swait.ge [sflag:s30], $0x100  }
0x19a: {  	[sflag:s30] =	ssyncset.done $0x0  }
0x19b: {  	[sflag:s30] =	ssyncadd.s32 $0xFFFFFF00  }
.Ltmp7:
0x19c: {  	_ =	swait.ge [sflag:s30], $0x400;
	(pc) =	sbr.rel @!p2 .LBB2_7-.Ltmp7, $4  }
0x19d: {  	[sflag:s30] =	ssyncset.done $0x0  }
0x19e: {  	[sflag:s30] =	ssyncadd.s32 $0xFFFFFC00  }
0x19f: {  	s19 =	sshra.s32 s19, $0x2;
	_ =	swait.ge [sflag:s30], $0x100  }
0x1a0: {  	s26 =	smov.u32 s8;
	s10 =	sadd.s32 $0x800, s10;
	[sflag:s30] =	ssyncset.done $0x0  }
0x1a1: {  	s5 =	sadd.s32 s19, s20;
	[sflag:s30] =	ssyncadd.s32 $0xFFFFFF00  }
0x1a2: {  	[spmem:s5] =	stream.linear.scatter [tilespmem:s28], [sflag:$0x9], $0x400, $0x38;
	[tilespmem:$0x11250] =	vst v63  }
0x1a3: {  	s8 =	sadd.s32 $0xFFFFF900, s10  }
0x1a4: {  	[spmem:s8] =	stream.linear.scatter [tilespmem:s29], [sflag:$0x9], $0x100, $0x38;
	[tilespmem:$0x11250] =	vst v63  }
0x1a5: {  	s0 =	sadd.s32 $0x400, s5  }
0x1a6: {  	[spmem:s0] =	stream.linear.scatter [tilespmem:s28], [sflag:$0x9], $0x400, $0x38;
	[tilespmem:$0x11250] =	vst v63  }
0x1a7: {  	s19 =	sadd.s32 $0xFFFFFA00, s10  }
0x1a8: {  	[spmem:s19] =	stream.linear.scatter [tilespmem:s29], [sflag:$0x9], $0x100, $0x38;
	[tilespmem:$0x11250] =	vst v63  }
0x1a9: {  	s23 =	sadd.s32 $0x800, s5  }
0x1aa: {  	[spmem:s23] =	stream.linear.scatter [tilespmem:s28], [sflag:$0x9], $0x400, $0x38;
	[tilespmem:$0x11250] =	vst v63  }
0x1ab: {  	s26 =	sadd.s32 $0xFFFFFB00, s10  }
0x1ac: {  	[spmem:s26] =	stream.linear.scatter [tilespmem:s29], [sflag:$0x9], $0x100, $0x38;
	[tilespmem:$0x11250] =	vst v63  }
0x1ad: {  	s0 =	sadd.s32 $0xC00, s5  }
0x1ae: {  	[spmem:s0] =	stream.linear.scatter [tilespmem:s28], [sflag:$0x9], $0x400, $0x38;
	[tilespmem:$0x11250] =	vst v63  }
0x1af: {  	s19 =	sadd.s32 $0xFFFFFC00, s10  }
0x1b0: {  	[spmem:s19] =	stream.linear.scatter [tilespmem:s29], [sflag:$0x9], $0x100, $0x38;
	[tilespmem:$0x11250] =	vst v63  }
0x1b1: {  	s23 =	sadd.s32 $0x1000, s5  }
0x1b2: {  	[spmem:s23] =	stream.linear.scatter [tilespmem:s28], [sflag:$0x9], $0x400, $0x38;
	[tilespmem:$0x11250] =	vst v63  }
0x1b3: {  	s26 =	sadd.s32 $0xFFFFFD00, s10  }
0x1b4: {  	[spmem:s26] =	stream.linear.scatter [tilespmem:s29], [sflag:$0x9], $0x100, $0x38;
	[tilespmem:$0x11250] =	vst v63  }
0x1b5: {  	s0 =	sadd.s32 $0x1400, s5  }
0x1b6: {  	[spmem:s0] =	stream.linear.scatter [tilespmem:s28], [sflag:$0x9], $0x400, $0x38;
	[tilespmem:$0x11250] =	vst v63  }
0x1b7: {  	s19 =	sadd.s32 $0xFFFFFE00, s10  }
0x1b8: {  	[spmem:s19] =	stream.linear.scatter [tilespmem:s29], [sflag:$0x9], $0x100, $0x38;
	[tilespmem:$0x11250] =	vst v63  }
0x1b9: {  	s23 =	sadd.s32 $0x1800, s5  }
0x1ba: {  	[spmem:s23] =	stream.linear.scatter [tilespmem:s28], [sflag:$0x9], $0x400, $0x38;
	[tilespmem:$0x11250] =	vst v63  }
0x1bb: {  	s26 =	sadd.s32 $0xFFFFFF00, s10  }
0x1bc: {  	[spmem:s26] =	stream.linear.scatter [tilespmem:s29], [sflag:$0x9], $0x100, $0x38;
	[tilespmem:$0x11250] =	vst v63  }
0x1bd: {  	s5 =	sadd.s32 $0x1C00, s5  }
0x1be: {  	[spmem:s5] =	stream.linear.scatter [tilespmem:s28], [sflag:$0x9], $0x400, $0x38;
	[tilespmem:$0x11250] =	vst v63  }
0x1bf: {  	_ = 	snop  }
0x1c0: {  	[spmem:s10] =	stream.linear.scatter [tilespmem:s29], [sflag:$0x9], $0x100, $0x38;
	[tilespmem:$0x11250] =	vst v63  }
0x1c1: {  	_ =	swait.ge [sflag:s30], $0x400  }
0x1c2: {  	[sflag:s30] =	ssyncset.done $0x0  }
0x1c3: {  	[sflag:s30] =	ssyncadd.s32 $0xFFFFFC00  }
0x1c4: {  	_ =	swait.ge [sflag:s30], $0x100  }
0x1c5: {  	[sflag:s30] =	ssyncset.done $0x0  }
0x1c6: {  	[sflag:s30] =	ssyncadd.s32 $0xFFFFFF00  }
0x1c7: {  	_ =	swait.ge [sflag:s30], $0x400  }
0x1c8: {  	[sflag:s30] =	ssyncset.done $0x0  }
0x1c9: {  	[sflag:s30] =	ssyncadd.s32 $0xFFFFFC00  }
0x1ca: {  	_ =	swait.ge [sflag:s30], $0x100  }
0x1cb: {  	[sflag:s30] =	ssyncset.done $0x0  }
0x1cc: {  	[sflag:s30] =	ssyncadd.s32 $0xFFFFFF00  }
0x1cd: {  	_ =	swait.ge [sflag:s30], $0x400  }
0x1ce: {  	[sflag:s30] =	ssyncset.done $0x0  }
0x1cf: {  	[sflag:s30] =	ssyncadd.s32 $0xFFFFFC00  }
0x1d0: {  	_ =	swait.ge [sflag:s30], $0x100  }
0x1d1: {  	[sflag:s30] =	ssyncset.done $0x0  }
0x1d2: {  	[sflag:s30] =	ssyncadd.s32 $0xFFFFFF00  }
0x1d3: {  	_ =	swait.ge [sflag:s30], $0x400  }
0x1d4: {  	[sflag:s30] =	ssyncset.done $0x0  }
0x1d5: {  	[sflag:s30] =	ssyncadd.s32 $0xFFFFFC00  }
0x1d6: {  	_ =	swait.ge [sflag:s30], $0x100  }
0x1d7: {  	[sflag:s30] =	ssyncset.done $0x0  }
0x1d8: {  	[sflag:s30] =	ssyncadd.s32 $0xFFFFFF00  }
0x1d9: {  	_ =	swait.ge [sflag:s30], $0x400  }
0x1da: {  	[sflag:s30] =	ssyncset.done $0x0  }
0x1db: {  	[sflag:s30] =	ssyncadd.s32 $0xFFFFFC00  }
0x1dc: {  	_ =	swait.ge [sflag:s30], $0x100  }
0x1dd: {  	[sflag:s30] =	ssyncset.done $0x0  }
0x1de: {  	[sflag:s30] =	ssyncadd.s32 $0xFFFFFF00  }
0x1df: {  	_ =	swait.ge [sflag:s30], $0x400  }
0x1e0: {  	[sflag:s30] =	ssyncset.done $0x0  }
0x1e1: {  	[sflag:s30] =	ssyncadd.s32 $0xFFFFFC00  }
0x1e2: {  	_ =	swait.ge [sflag:s30], $0x100  }
0x1e3: {  	[sflag:s30] =	ssyncset.done $0x0  }
0x1e4: {  	[sflag:s30] =	ssyncadd.s32 $0xFFFFFF00  }
0x1e5: {  	_ =	swait.ge [sflag:s30], $0x400  }
0x1e6: {  	[sflag:s30] =	ssyncset.done $0x0  }
0x1e7: {  	[sflag:s30] =	ssyncadd.s32 $0xFFFFFC00  }
0x1e8: {  	_ =	swait.ge [sflag:s30], $0x100  }
0x1e9: {  	[sflag:s30] =	ssyncset.done $0x0  }
0x1ea: {  	[sflag:s30] =	ssyncadd.s32 $0xFFFFFF00  }
0x1eb: {  	_ =	swait.ge [sflag:s30], $0x400  }
0x1ec: {  	[sflag:s30] =	ssyncset.done $0x0  }
0x1ed: {  	[sflag:s30] =	ssyncadd.s32 $0xFFFFFC00  }
0x1ee: {  	_ =	swait.ge [sflag:s30], $0x100  }
0x1ef: {  	[sflag:s30] =	ssyncset.done $0x0  }
0x1f0: {  	[sflag:s30] =	ssyncadd.s32 $0xFFFFFF00  }
.LBB2_12:
0x1f1: {  	[bflag:$0x0] =	sbarrier.arrive $0xFFFF  }
0x1f2: {  	s5 =	simm.s32 $0x0;
	s8 =	simm.s32 $0xC350;
	s0 =	rddreg [dreg:$0x7]  }
0x1f3: {  	[tilespmem:s8], [sflag:$0xA] =	stream.linear.gather [hbm4b:s0+s5], $0x80, $0x38;
	[tilespmem:$0x11250] =	vst v63  }
0x1f4: {  	_ =	swait.ge [sflag:s31], $0x80  }
0x1f5: {  	[sflag:s31] =	ssyncset.done $0x0  }
0x1f6: {  	[sflag:s31] =	ssyncadd.s32 $0xFFFFFF80  }
0x1f7: {  	[tilespmem:s13], [sflag:$0x1] =	stream.indirect.gather [hbm4b:s1+s12], $0x40, s8, s12, $0xb8;
	[tilespmem:$0x11250] =	vst v63  }
0x1f8: {  	s19 =	rddreg [dreg:$0x8]  }
0x1f9: {  	[tilespmem:s24], [sflag:$0x7] =	stream.linear.gather [hbm4b:s19+s5], $0x80, $0x38;
	[tilespmem:$0x11250] =	vst v63  }
0x1fa: {  	s23 =	rddreg [dreg:$0x9]  }
0x1fb: {  	[tilespmem:s25], [sflag:$0x6] =	stream.linear.gather [hbm4b:s23+s5], $0x80, $0x38;
	[tilespmem:$0x11250] =	vst v63  }
0x1fc: {  	s26 =	rddreg [dreg:$0xa]  }
0x1fd: {  	[tilespmem:s4], [sflag:$0x8] =	stream.linear.gather [hbm4b:s26+s5], $0x80, $0x38;
	[tilespmem:$0x11250] =	vst v63  }
0x1fe: {  	p2 =	por $0x0, $0x0;
	_ =	swait.ge [sflag:s6], $0x2000  }
0x1ff: {  	s10 =	simm.s32 @!p2 $0x0;
	s5 =	sadd.s32 @!p2 $0x0, s17;
	[sflag:s6] =	ssyncset.done $0x0  }
0x200: {  	s8 =	simm.s32 @!p2 $0xC350;
	s5 =	sadd.s32 @!p2 $0x20, s5;
	[sflag:s6] =	ssyncadd.s32 $0xFFFFE000  }
0x201: {  	[tilespmem:s8], [sflag:$0x5] =	stream.linear.gather @!p2 [hbm4b:s5+s10], $0x80, $0x38;
	[tilespmem:$0x11250] =	vst v63  }
0x202: {  	_ =	swait.ge [sflag:s7], $0x80  }
0x203: {  	[sflag:s7] =	ssyncset.done $0x0  }
0x204: {  	[sflag:s7] =	ssyncadd.s32 $0xFFFFFF80  }
0x205: {  	[spmem:s2] =	stream.indirect.scatter.add.f32 [tilespmem:s13], [sflag:$0x3], $0x40, s24, s12, $0xb8;
	[tilespmem:$0x11250] =	vst v63  }
0x206: {  	_ = 	snop  }
0x207: {  	[spmem:s3] =	stream.indirect.scatter.add.f32 [tilespmem:s16], [sflag:$0x3], $0x10, s24, s12, $0xb8;
	[tilespmem:$0x11250] =	vst v63  }
0x208: {  	_ =	swait.ge [sflag:s18], $0x80  }
0x209: {  	p2 =	por $0x1, $0x1;
	[sflag:s18] =	ssyncset.done $0x0  }
0x20a: {  	s5 =	simm.s32 @!p2 $0x4;
	[sflag:s18] =	ssyncadd.s32 $0xFFFFFF80  }
0x20b: {  	_ =	swait.ge @!p2 [sflag:s5], $0x2000  }
0x20c: {  	[sflag:s5] =	ssyncset.done @!p2 $0x0  }
0x20d: {  	[sflag:s5] =	ssyncadd.s32 @!p2 $0xFFFFE000  }
0x20e: {  	_ =	swait.ge @!p2 [sflag:s5], $0x800  }
0x20f: {  	s8 =	sadd.s32 @!p2 $0x0, s17;
	s10 =	simm.s32 @!p2 $0x0;
	[sflag:s5] =	ssyncset.done @!p2 $0x0  }
0x210: {  	s19 =	simm.s32 @!p2 $0xC4D0;
	s8 =	sadd.s32 @!p2 $0x9C50, s8;
	[sflag:s5] =	ssyncadd.s32 @!p2 $0xFFFFF800  }
0x211: {  	[tilespmem:s19], [sflag:$0x8] =	stream.linear.gather @!p2 [hbm4b:s8+s10], $0x80, $0x38;
	[tilespmem:$0x11250] =	vst v63  }
0x212: {  	_ = 	snop  }
0x213: {  	[tilespmem:s14], [sflag:$0x2] =	stream.indirect.gather [hbm4b:s1+s12], $0x40, s25, s12, $0xb8;
	[tilespmem:$0x11250] =	vst v63  }
0x214: {  	_ =	swait.ge [sflag:s15], $0x2000  }
0x215: {  	[sflag:s15] =	ssyncset.done $0x0  }
0x216: {  	p2 =	por $0x1, $0x1;
	[sflag:s15] =	ssyncadd.s32 $0xFFFFE000  }
0x217: {  	s5 =	sadd.s32 @p2 $0x0, s17;
	_ =	swait.ge [sflag:s15], $0x800  }
0x218: {  	s8 =	simm.s32 @p2 $0x0;
	s19 =	simm.s32 @p2 $0xC450;
	[sflag:s15] =	ssyncset.done $0x0  }
0x219: {  	s26 =	simm.s32 @p2 $0x5;
	s10 =	sadd.s32 @p2 $0x9C60, s5;
	[sflag:s15] =	ssyncadd.s32 $0xFFFFF800  }
0x21a: {  	[tilespmem:s19], [sflag:$0x7] =	stream.linear.gather @p2 [hbm4b:s10+s8], $0x80, $0x38;
	[tilespmem:$0x11250] =	vst v63  }
0x21b: {  	_ =	swait.ge @p2 [sflag:s26], $0x80  }
0x21c: {  	s10 =	simm.s32 @p2 $0xC550;
	[sflag:s26] =	ssyncset.done @p2 $0x0  }
0x21d: {  	s19 =	simm.s32 @p2 $0x80;
	[sflag:s26] =	ssyncadd.s32 @p2 $0xFFFFFF80;
	s26 =	simm.s32 @p2 $0xC350  }
0x21e: {  	[tilespmem:s10], [sflag:$0x1] =	stream.indirect.gather @p2 [hbm4b:s1+s19], $0x40, s26, s19, $0xb8;
	[tilespmem:$0x11250] =	vst v63  }
0x21f: {  	s10 =	simm.s32 @p2 $0x2  }
0x220: {  	_ =	swait.ge @p2 [sflag:s10], $0x2000  }
0x221: {  	[sflag:s10] =	ssyncset.done @p2 $0x0  }
0x222: {  	s5 =	sadd.s32 @p2 $0x30, s5;
	[sflag:s10] =	ssyncadd.s32 @p2 $0xFFFFE000;
	s10 =	simm.s32 @p2 $0xC3D0  }
0x223: {  	[tilespmem:s10], [sflag:$0x6] =	stream.linear.gather @p2 [hbm4b:s5+s8], $0x80, $0x38;
	[tilespmem:$0x11250] =	vst v63  }
0x224: {  	s5 =	simm.s32 @!p2 $0x2  }
0x225: {  	_ =	swait.ge @!p2 [sflag:s5], $0x2000  }
0x226: {  	[sflag:s5] =	ssyncset.done @!p2 $0x0  }
0x227: {  	[sflag:s5] =	ssyncadd.s32 @!p2 $0xFFFFE000  }
0x228: {  	_ =	swait.ge [sflag:s22], $0x80  }
0x229: {  	[sflag:s22] =	ssyncset.done $0x0  }
0x22a: {  	s10 =	simm.s32 $0x20;
	[sflag:s22] =	ssyncadd.s32 $0xFFFFFF80  }
0x22b: {  	[spmem:s2] =	stream.indirect.scatter.add.f32 [tilespmem:s14], [sflag:$0x4], $0x40, s4, s12, $0xb8;
	[tilespmem:$0x11250] =	vst v63  }
.LBB2_13:
0x22c: {  	p3 =	seq.s32 s10, $0x4C0;
	s19 =	smov.u32 s10;
	s10 =	sadd.s32 $0x20, s10  }
0x22d: {  	[spmem:s3] =	stream.indirect.scatter.add.f32 [tilespmem:s16], [sflag:$0x4], $0x10, s4, s12, $0xb8;
	[tilespmem:$0x11250] =	vst v63  }
0x22e: {  	s5 =	sadd.s32 @!p3 s19, s17;
	s8 =	simm.s32 @!p3 $0xC350;
	_ =	swait.ge [sflag:s6], $0x2000  }
0x22f: {  	s26 =	simm.s32 @!p3 $0x0;
	s5 =	sadd.s32 @!p3 $0x20, s5;
	[sflag:s6] =	ssyncset.done $0x0  }
0x230: {  	p2 =	sne.s32 s10, $0x4E0;
	[sflag:s6] =	ssyncadd.s32 $0xFFFFE000  }
0x231: {  	[tilespmem:s8], [sflag:$0x5] =	stream.linear.gather @!p3 [hbm4b:s5+s26], $0x80, $0x38;
	[tilespmem:$0x11250] =	vst v63  }
0x232: {  	_ =	swait.ge [sflag:s7], $0x80  }
0x233: {  	[sflag:s7] =	ssyncset.done $0x0  }
0x234: {  	[sflag:s7] =	ssyncadd.s32 $0xFFFFFF80  }
0x235: {  	[spmem:s2] =	stream.indirect.scatter.add.f32 [tilespmem:s13], [sflag:$0x3], $0x40, s24, s12, $0xb8;
	[tilespmem:$0x11250] =	vst v63  }
0x236: {  	_ = 	snop  }
0x237: {  	[spmem:s3] =	stream.indirect.scatter.add.f32 [tilespmem:s16], [sflag:$0x3], $0x10, s24, s12, $0xb8;
	[tilespmem:$0x11250] =	vst v63  }
0x238: {  	p3 =	seq.s32 s19, $0x0;
	_ =	swait.ge [sflag:s18], $0x80  }
0x239: {  	s5 =	simm.s32 @!p3 $0x4;
	s8 =	sadd.s32 @!p3 s19, s17;
	[sflag:s18] =	ssyncset.done $0x0  }
0x23a: {  	s8 =	sadd.s32 @!p3 $0x9C50, s8;
	[sflag:s18] =	ssyncadd.s32 $0xFFFFFF80  }
0x23b: {  	_ =	swait.ge @!p3 [sflag:s5], $0x2000  }
0x23c: {  	[sflag:s5] =	ssyncset.done @!p3 $0x0  }
0x23d: {  	[sflag:s5] =	ssyncadd.s32 @!p3 $0xFFFFE000  }
0x23e: {  	_ =	swait.ge @!p3 [sflag:s5], $0x800  }
0x23f: {  	s26 =	simm.s32 @!p3 $0x0;
	s0 =	simm.s32 @!p3 $0xC4D0;
	[sflag:s5] =	ssyncset.done @!p3 $0x0  }
0x240: {  	[sflag:s5] =	ssyncadd.s32 @!p3 $0xFFFFF800  }
0x241: {  	[tilespmem:s0], [sflag:$0x8] =	stream.linear.gather @!p3 [hbm4b:s8+s26], $0x80, $0x38;
	[tilespmem:$0x11250] =	vst v63  }
0x242: {  	_ = 	snop  }
0x243: {  	[tilespmem:s14], [sflag:$0x2] =	stream.indirect.gather [hbm4b:s1+s12], $0x40, s25, s12, $0xb8;
	[tilespmem:$0x11250] =	vst v63  }
0x244: {  	_ =	swait.ge [sflag:s15], $0x2000  }
0x245: {  	[sflag:s15] =	ssyncset.done $0x0  }
0x246: {  	p3 =	sne.s32 s19, $0x4C0;
	[sflag:s15] =	ssyncadd.s32 $0xFFFFE000  }
0x247: {  	s0 =	sadd.s32 @p3 s19, s17;
	s5 =	simm.s32 @p3 $0x0;
	_ =	swait.ge [sflag:s15], $0x800  }
0x248: {  	s19 =	simm.s32 @p3 $0xC450;
	s8 =	sadd.s32 @p3 $0x9C60, s0;
	[sflag:s15] =	ssyncset.done $0x0  }
0x249: {  	s26 =	simm.s32 @p3 $0x5;
	s0 =	sadd.s32 @p3 $0x30, s0;
	[sflag:s15] =	ssyncadd.s32 $0xFFFFF800  }
0x24a: {  	[tilespmem:s19], [sflag:$0x7] =	stream.linear.gather @p3 [hbm4b:s8+s5], $0x80, $0x38;
	[tilespmem:$0x11250] =	vst v63  }
0x24b: {  	s8 =	simm.s32 @p3 $0xC550;
	_ =	swait.ge @p3 [sflag:s26], $0x80  }
0x24c: {  	s23 =	simm.s32 @p3 $0xC350;
	s19 =	simm.s32 @p3 $0x80;
	[sflag:s26] =	ssyncset.done @p3 $0x0  }
0x24d: {  	[sflag:s26] =	ssyncadd.s32 @p3 $0xFFFFFF80;
	s26 =	simm.s32 @p3 $0x2  }
0x24e: {  	[tilespmem:s8], [sflag:$0x1] =	stream.indirect.gather @p3 [hbm4b:s1+s19], $0x40, s23, s19, $0xb8;
	[tilespmem:$0x11250] =	vst v63  }
0x24f: {  	_ =	swait.ge @p3 [sflag:s26], $0x2000  }
0x250: {  	s8 =	simm.s32 @p3 $0xC3D0;
	[sflag:s26] =	ssyncset.done @p3 $0x0  }
0x251: {  	s19 =	simm.s32 @!p3 $0x2;
	[sflag:s26] =	ssyncadd.s32 @p3 $0xFFFFE000  }
0x252: {  	[tilespmem:s8], [sflag:$0x6] =	stream.linear.gather @p3 [hbm4b:s0+s5], $0x80, $0x38;
	[tilespmem:$0x11250] =	vst v63  }
0x253: {  	_ =	swait.ge @!p3 [sflag:s19], $0x2000  }
0x254: {  	[sflag:s19] =	ssyncset.done @!p3 $0x0  }
.Ltmp8:
0x255: {  	[sflag:s19] =	ssyncadd.s32 @!p3 $0xFFFFE000;
	(pc) =	sbr.rel @p2 .LBB2_13-.Ltmp8, $4  }
0x256: {  	_ =	swait.ge [sflag:s22], $0x80  }
0x257: {  	[sflag:s22] =	ssyncset.done $0x0  }
0x258: {  	[sflag:s22] =	ssyncadd.s32 $0xFFFFFF80  }
0x259: {  	[spmem:s2] =	stream.indirect.scatter.add.f32 [tilespmem:s14], [sflag:$0x4], $0x40, s4, s12, $0xb8;
	[tilespmem:$0x11250] =	vst v63  }
0x25a: {  	[spmem:s3] =	stream.indirect.scatter.add.f32 [tilespmem:s16], [sflag:$0x4], $0x10, s4, s12, $0xb8;
	[tilespmem:$0x11250] =	vst v63  }
0x25b: {  	s0 =	simm.s32 $0x4  }
0x25c: {  	_ =	swait.ge [sflag:s0], $0x2000  }
.Ltmp9:
0x25d: {  	[sflag:s0] =	ssyncset.done $0x0;
	(pc) =	sbr.rel @p0 .LBB2_16-.Ltmp9, $4  }
0x25e: {  	[sflag:s0] =	ssyncadd.s32 $0xFFFFE000  }
0x25f: {  	_ =	swait.ge [sflag:s0], $0x800  }
0x260: {  	[sflag:s0] =	ssyncset.done $0x0  }
0x261: {  	[sflag:s0] =	ssyncadd.s32 $0xFFFFF800  }
0x262: {  	s0 =	simm.s32 $0x0;
	s5 =	rddreg [dreg:$0xf];
	s8 =	simm.s32 $0xC350  }
0x263: {  	[tilespmem:s8], [sflag:$0xA] =	stream.linear.gather [hbm4b:s5+s0], $0x80, $0x38;
	[tilespmem:$0x11250] =	vst v63  }
0x264: {  	_ =	swait.ge [sflag:s31], $0x80  }
0x265: {  	[sflag:s31] =	ssyncset.done $0x0  }
0x266: {  	s26 =	rddreg [dreg:$0x10];
	[sflag:s31] =	ssyncadd.s32 $0xFFFFFF80  }
0x267: {  	[tilespmem:s24], [sflag:$0xA] =	stream.linear.gather [hbm4b:s26+s0], $0x80, $0x38;
	[tilespmem:$0x11250] =	vst v63  }
0x268: {  	_ =	swait.ge [sflag:s31], $0x80  }
0x269: {  	[sflag:s31] =	ssyncset.done $0x0  }
0x26a: {  	[sflag:s31] =	ssyncadd.s32 $0xFFFFFF80  }
0x26b: {  	[tilespmem:s13], [sflag:$0x1] =	stream.indirect.gather [hbm4b:s1+s12], $0x40, s8, s12, $0xb8;
	[tilespmem:$0x11250] =	vst v63  }
0x26c: {  	_ =	swait.ge [sflag:s6], $0x2000  }
0x26d: {  	[sflag:s6] =	ssyncset.done $0x0  }
0x26e: {  	[sflag:s6] =	ssyncadd.s32 $0xFFFFE000  }
0x26f: {  	[spmem:s2] =	stream.indirect.scatter.add.f32 [tilespmem:s13], [sflag:$0x3], $0x40, s24, s12, $0xb8;
	[tilespmem:$0x11250] =	vst v63  }
0x270: {  	_ = 	snop  }
0x271: {  	[spmem:s3] =	stream.indirect.scatter.add.f32 [tilespmem:s16], [sflag:$0x3], $0x10, s24, s12, $0xb8;
	[tilespmem:$0x11250] =	vst v63  }
0x272: {  	_ =	swait.ge [sflag:s15], $0x2000  }
0x273: {  	[sflag:s15] =	ssyncset.done $0x0  }
0x274: {  	[sflag:s15] =	ssyncadd.s32 $0xFFFFE000  }
.Ltmp10:
0x275: {  	_ =	swait.ge [sflag:s15], $0x800;
	(pc) =	sbr.rel .LBB2_17-.Ltmp10, $3  }
0x276: {  	[sflag:s15] =	ssyncset.done $0x0  }
0x277: {  	[sflag:s15] =	ssyncadd.s32 $0xFFFFF800  }
0x278: {  	[bflag:$0x0] =	sbarrier.arrive $0xFFFF;
	_ =	sdelay $0x1  }
.LBB2_16:
.Ltmp11:
0x279: {  	(pc) =	sbr.rel @p1 .LBB2_18-.Ltmp11, $2  }
0x27a: {  	_ =	sdelay $0x1  }
0x27b: {  	[bflag:$0x0] =	sbarrier.arrive $0xFFFF;
	_ =	sdelay $0x1  }
.LBB2_17:
0x27c: {  	s0 =	stileid.u32  }
0x27d: {  	s5 =	rddreg [dreg:$0xd];
	s0 =	sshll.u32 s0, $0x6  }
0x27e: {  	s8 =	rddreg [dreg:$0x12];
	s0 =	sor.u32 $0x1C09, s0  }
0x27f: {  	[hbm:s5], [sflag:s0] =	dma.local [spmem:s8], $0x1400  }
0x280: {  	s5 =	rddreg [dreg:$0xe]  }
0x281: {  	s8 =	rddreg [dreg:$0x13]  }
0x282: {  	[hbm:s5], [sflag:s0] =	dma.local [spmem:s8], $0x500  }
0x283: {  	_ =	swait.ge [sflag:s30], $0x1400  }
.Ltmp12:
0x284: {  	[sflag:s30] =	ssyncset.done $0x0;
	(pc) =	sbr.rel .LBB2_19-.Ltmp12, $4  }
0x285: {  	[sflag:s30] =	ssyncadd.s32 $0xFFFFEC00  }
0x286: {  	_ =	swait.ge [sflag:s30], $0x500  }
0x287: {  	[sflag:s30] =	ssyncset.done $0x0  }
0x288: {  	[sflag:s30] =	ssyncadd.s32 $0xFFFFFB00  }
.LBB2_20:
0x289: {  	_ =	sfence.sel $0x180000  }
0x28a: {  	[bflag:$0x0] =	sbarrier.arrive $0xFFFF  }
0x28b: {  	_ =	strace $0x9000004A  }
0x28c: {  	s0 =	stileid.u32;
	[bflag:$0x2] =	sbarrier.arrive $0xFFFF  }
0x28d: {  	p0 =	sne.s32 s0, $0x0;
	s0 =	rddreg [dreg:$0x4]  }
0x28e: {  	s0 =	sadd.s32 @!p0 $0x100000, s0  }
0x28f: {  	[sflag:s0] =	ssyncadd.tile.s32 @!p0 $0x1;
	_ =	shalt  }
.Lfunc_end2:
_tile_overlayer_lowered:
.L_overlay_start_2:
0x290: {  	(tag) =	ssettag $0x2  }
0x291: {  	s0 =	rddreg [dreg:$0x0];
	s2 =	stileid.u32  }
0x292: {  	s1 =	rddreg [dreg:$0x1];
	p0 =	sne.s32 s2, $0x0  }
0x293: {  	s3 =	rddreg [dreg:$0x2];
	[bflag:$0x3] =	sbarrier.arrive $0xFFFF;
	s2 =	simm.s32 @!p0 $0x1C0A  }
0x294: {  	[timem:s3], [sflag:s2] =	dma.local @!p0 [hbm:s0], s1  }
0x295: {  	s0 =	simm.s32 @!p0 $0xA  }
0x296: {  	_ =	swait.ge @!p0 [sflag:s0], s1  }
0x297: {  	s1 =	ssub.s32 @!p0 $0x0, s1;
	[sflag:s0] =	ssyncset.done @!p0 $0x0  }
0x298: {  	[sflag:s0] =	ssyncadd.s32 @!p0 s1  }
0x299: {  	[bflag:$0x3] =	sbarrier.arrive $0xFFFF  }
0x29a: {  	_ =	shalt  }

</sc_bundles>
